<compile_context>
chip_gen: v7x
topology: tpu7x:2x2x1
jax: 0.10.2.dev20260603
libtpu: 0.0.44.dev20260713+nightly
codegen_flags: <defaults>
</compile_context>

<pallas_src>
import functools

import jax
import jax.numpy as jnp
from jax import lax
from jax.experimental import pallas as pl
from jax.experimental.pallas import tpu as pltpu
from jax.experimental.pallas import tpu_sc as plsc

NUM_NODES = 100
BATCH = 100
N = NUM_NODES * BATCH
E_NUM = 320000
NUM_OBJ_CLS = 100
NC, NS = 2, 16
NW = NC * NS
CHUNK = 128
EROWS = E_NUM // CHUNK
RPW = EROWS // NW
XROWS = EROWS - RPW * NW
NBUF = 6
RPT = 624
RPT_LAST = N - 15 * RPT


@functools.cache
def _make_scatter(D):
    mesh = plsc.VectorSubcoreMesh(core_axis_name="c", subcore_axis_name="s",
                                  num_cores=NC, num_subcores=NS)

    @functools.partial(
        pl.kernel,
        out_type=jax.ShapeDtypeStruct((NC, N, D), jnp.float32),
        mesh=mesh,
        scratch_types=[
            pltpu.VMEM((RPW + 1, CHUNK), jnp.int32),
            pltpu.VMEM((RPW + 1, CHUNK), jnp.int32),
            pltpu.VMEM((NBUF, CHUNK, D), jnp.float32),
            pltpu.VMEM_SHARED((N, D), jnp.float32),
            pltpu.SemaphoreType.DMA((NBUF,)),
            pltpu.SemaphoreType.DMA((NBUF,)),
        ],
        compiler_params=pltpu.CompilerParams(use_tc_tiling_on_sc=False),
    )
    def scatter(e_hbm, h_hbm, zeros_hbm, out_hbm,
                src_v, dst_v, rows_v, acc, gsem, ssem):
        c = lax.axis_index("c")
        s = lax.axis_index("s")
        wid = s * NC + c
        r0 = pl.multiple_of(s * RPT, 8)

        row0 = wid * RPW
        pltpu.sync_copy(e_hbm.at[0, pl.ds(row0, RPW)], src_v.at[pl.ds(0, RPW)])
        pltpu.sync_copy(e_hbm.at[1, pl.ds(row0, RPW)], dst_v.at[pl.ds(0, RPW)])

        @pl.when(wid < XROWS)
        def _():
            xr = NW * RPW + wid
            pltpu.sync_copy(e_hbm.at[0, pl.ds(xr, 1)], src_v.at[pl.ds(RPW, 1)])
            pltpu.sync_copy(e_hbm.at[1, pl.ds(xr, 1)], dst_v.at[pl.ds(RPW, 1)])

        @pl.when(s < NS - 1)
        def _():
            pltpu.sync_copy(zeros_hbm.at[pl.ds(r0, RPT)],
                            acc.at[pl.ds(r0, RPT)])

        @pl.when(s == NS - 1)
        def _():
            pltpu.sync_copy(zeros_hbm.at[pl.ds(15 * RPT, RPT_LAST)],
                            acc.at[pl.ds(15 * RPT, RPT_LAST)])

        plsc.subcore_barrier()

        for b in range(NBUF):
            pltpu.async_copy(h_hbm.at[src_v.at[b]], rows_v.at[b], gsem.at[b])

        def body(g, carry):
            for b in range(NBUF):
                i = g * NBUF + b
                pltpu.make_async_copy(h_hbm.at[src_v.at[i]],
                                      rows_v.at[b], gsem.at[b]).wait()
                pltpu.async_copy(rows_v.at[b], acc.at[dst_v.at[i]],
                                 ssem.at[b], add=True)
                pltpu.make_async_copy(rows_v.at[b], acc.at[dst_v.at[i]],
                                      ssem.at[b]).wait()

                @pl.when(i + NBUF < RPW)
                def _():
                    pltpu.async_copy(h_hbm.at[src_v.at[i + NBUF]],
                                     rows_v.at[b], gsem.at[b])

            return carry

        lax.fori_loop(0, RPW // NBUF, body, 0)

        @pl.when(wid < XROWS)
        def _():
            pltpu.async_copy(h_hbm.at[src_v.at[RPW]], rows_v.at[0],
                             gsem.at[0]).wait()
            pltpu.async_copy(rows_v.at[0], acc.at[dst_v.at[RPW]],
                             ssem.at[0], add=True).wait()

        plsc.subcore_barrier()

        @pl.when(s < NS - 1)
        def _():
            pltpu.sync_copy(acc.at[pl.ds(r0, RPT)],
                            out_hbm.at[c, pl.ds(r0, RPT)])

        @pl.when(s == NS - 1)
        def _():
            pltpu.sync_copy(acc.at[pl.ds(15 * RPT, RPT_LAST)],
                            out_hbm.at[c, pl.ds(15 * RPT, RPT_LAST)])

    return scatter


def _mm1_body(x_ref, w_ref, wb_ref, bb_ref, wl_ref, bl_ref,
              h_ref, mix_ref):
    relu = lambda v: jnp.maximum(v, 0.0)
    xd = x_ref[...]
    h_ref[...] = jnp.dot(xd, w_ref[...], preferred_element_type=jnp.float32)
    boxes = relu(jnp.dot(xd[:, 1:], wb_ref[...],
                         preferred_element_type=jnp.float32) + bb_ref[...])
    labels = relu(xd[:, 0:1] * wl_ref[...] + bl_ref[...])
    mix_ref[...] = boxes + labels


def _mm2_body(p_ref, w_ref, o_ref):
    x = p_ref[0] + p_ref[1]
    o_ref[...] = jnp.dot(x, w_ref[...], preferred_element_type=jnp.float32)


def _head_body(x0_ref, x1_ref, mixr_ref, cl_ref, wd1_ref, bd1_ref,
               wd2_ref, bd2_ref, wd3_ref, bd3_ref,
               wlat_ref, blat_ref, o_ref):
    relu = lambda v: jnp.maximum(v, 0.0)
    f32 = jnp.float32
    xr = x0_ref[...] + x1_ref[...]
    mix = relu(jnp.dot(mixr_ref[...], wd1_ref[...],
                       preferred_element_type=f32) + bd1_ref[...])
    x = relu(jnp.dot(cl_ref[...], wd2_ref[0:NUM_OBJ_CLS],
                     preferred_element_type=f32)
             + jnp.dot(xr, wd2_ref[NUM_OBJ_CLS:],
                       preferred_element_type=f32)
             + bd2_ref[...])
    x = x + mix
    x = relu(jnp.dot(x, wd3_ref[...], preferred_element_type=f32)
             + bd3_ref[...])
    x = relu(jnp.dot(x, wd3_ref[...], preferred_element_type=f32)
             + bd3_ref[...])
    o_ref[...] = relu(jnp.dot(x, wlat_ref[...], preferred_element_type=f32)
                      + blat_ref[...])


def kernel(E, X_data, class_labels, W1, W2, Wb, bb, Wl, bl,
           Wd1, bd1, Wd2, bd2, Wd3, bd3, Wlat, blat):
    f32 = jnp.float32
    E3 = E.reshape(2, EROWS, CHUNK)
    zeros64 = jnp.zeros((N, 64), f32)
    zeros16 = jnp.zeros((N, 16), f32)

    h1, mixn = pl.pallas_call(
        _mm1_body,
        out_shape=(jax.ShapeDtypeStruct((N, 64), f32),
                   jax.ShapeDtypeStruct((N, 16), f32)),
    )(X_data, W1, Wb, bb.reshape(1, 16), Wl, bl.reshape(1, 16))

    p1 = _make_scatter(64)(E3, h1, zeros64)

    h2 = pl.pallas_call(
        _mm2_body,
        out_shape=jax.ShapeDtypeStruct((N, 16), f32),
    )(p1, W2)

    p2 = _make_scatter(16)(E3, h2, zeros16)

    x0_r = p2[0].reshape(BATCH, NUM_NODES * 16)
    x1_r = p2[1].reshape(BATCH, NUM_NODES * 16)
    mix_r = mixn.reshape(BATCH, NUM_NODES * 16)
    cl = class_labels.reshape(BATCH, -1)

    z = pl.pallas_call(
        _head_body,
        out_shape=jax.ShapeDtypeStruct((BATCH, 128), f32),
    )(x0_r, x1_r, mix_r, cl, Wd1, bd1.reshape(1, -1),
      Wd2, bd2.reshape(1, -1),
      Wd3, bd3.reshape(1, -1), Wlat, blat.reshape(1, -1))

    return (z, z)

# --- scband reference (transcript-rebuilt; emitter-appended) ---
"""Pipeline reference for scband-gcnencoder-20495583936893 (READ-ONLY COPY).

The authoritative reference and input builder live on the scoring server;
editing this copy changes nothing except your own understanding.
"""

import jax, jax.numpy as jnp
import numpy as np

NUM_NODES = 100
BATCH = 100
N = NUM_NODES * BATCH
E_NUM = 320000
NUM_OBJ_CLASSES = 100

def setup_inputs(seed: int = 0):
    key = jax.random.key(seed)
    ks = jax.random.split(key, 12)
    E = jax.random.randint(ks[0], (2, E_NUM), 0, N, dtype=jnp.int32)
    X_data = jax.random.normal(ks[1], (N, 128), dtype=jnp.float32)
    class_labels = jax.random.normal(ks[2], (BATCH * NUM_OBJ_CLASSES,), dtype=jnp.float32)
    def w(k, shape):
        return jax.random.normal(k, shape, dtype=jnp.float32) * 0.05
    params = dict(
        W1=w(ks[3], (128, 64)),
        W2=w(ks[4], (64, 16)),
        Wb=w(ks[5], (127, 16)), bb=jnp.zeros((16,), jnp.float32),
        Wl=w(ks[6], (1, 16)), bl=jnp.zeros((16,), jnp.float32),
        Wd1=w(ks[7], (16 * NUM_NODES, 512)), bd1=jnp.zeros((512,), jnp.float32),
        Wd2=w(ks[8], (16 * NUM_NODES + NUM_OBJ_CLASSES, 512)), bd2=jnp.zeros((512,), jnp.float32),
        Wd3=w(ks[9], (512, 512)), bd3=jnp.zeros((512,), jnp.float32),
        Wlat=w(ks[10], (512, 128)), blat=jnp.zeros((128,), jnp.float32),
    )
    out = {"E": E, "X_data": X_data, "class_labels": class_labels}
    out.update(params)
    return out

def _gcn(x, W, E, n):
    # GCNConv(add_self_loops=False, bias=False, normalize=False):
    # out[dst] += (x @ W)[src]
    h = x @ W
    return jnp.zeros((n, h.shape[1]), h.dtype).at[E[1]].add(h[E[0]])

def reference(E, X_data, class_labels, W1, W2, Wb, bb, Wl, bl, Wd1, bd1, Wd2, bd2, Wd3, bd3, Wlat, blat):
    relu = jax.nn.relu
    x = _gcn(X_data, W1, E, N)
    x = _gcn(x, W2, E, N)
    batch = N // NUM_NODES
    x = x.reshape(batch, NUM_NODES * x.shape[-1])
    boxes = X_data[:, 1:].reshape(batch, NUM_NODES, -1)
    boxes = relu(boxes @ Wb + bb)
    labels = X_data[:, :1].reshape(batch, NUM_NODES, 1)
    labels = relu(labels @ Wl + bl)
    mix = (boxes + labels).reshape(batch, NUM_NODES * 16)
    mix = relu(mix @ Wd1 + bd1)
    cl = class_labels.reshape(batch, -1)
    x = jnp.concatenate([cl, x], axis=-1)
    x = relu(x @ Wd2 + bd2)
    x = x + mix
    x = relu(x @ Wd3 + bd3)
    x = relu(x @ Wd3 + bd3)
    z_mean = relu(x @ Wlat + blat)
    z_logvar = relu(x @ Wlat + blat)
    return (z_mean, z_logvar)

if __name__ == "__main__":
    import jax
    _d = setup_inputs()
    print(jax.jit(kernel)(*tuple(_d.values())))

</pallas_src>

<mosaic_0001>
#map = affine_map<(d0, d1) -> (0, 0, 0)>
#map1 = affine_map<(d0, d1) -> (0, 0)>
module attributes {stable_mosaic.version = 14 : i64} {
  func.func @scatter(%arg0: i32, %arg1: i32, %arg2: memref<2x2500x128xi32, #tpu.memory_space<hbm>>, %arg3: memref<10000x16xf32, #tpu.memory_space<hbm>>, %arg4: memref<10000x16xf32, #tpu.memory_space<hbm>>, %arg5: memref<2x10000x16xf32, #tpu.memory_space<hbm>>, %arg6: memref<79x128xi32, #tpu.memory_space<vmem>>, %arg7: memref<79x128xi32, #tpu.memory_space<vmem>>, %arg8: memref<6x128x16xf32, #tpu.memory_space<vmem>>, %arg9: memref<10000x16xf32, #tpu.memory_space<vmem_shared>>, %arg10: memref<6x!tpu.dma_semaphore, #tpu.memory_space<semaphore_mem>>, %arg11: memref<6x!tpu.dma_semaphore, #tpu.memory_space<semaphore_mem>>) attributes {dimension_semantics = [#tpu.dimension_semantics<core_parallel>, #tpu.dimension_semantics<subcore_parallel>], iteration_bounds = array<i64: 2, 16>, scalar_prefetch = 0 : i64, scratch_operands = 6 : i64, tpu.core_type = #tpu.core_type<sc_vector_subcore>, window_params = [{transform_indices = #map}, {transform_indices = #map1}, {transform_indices = #map1}, {transform_indices = #map}]} {
    %mul3A = arith.constant 2 : i32
    %mul3A_0 = arith.muli %arg1, %mul3A : i32
    %add3A = arith.addi %mul3A_0, %arg0 : i32
    %mul3A_1 = arith.constant 624 : i32
    %mul3A_2 = arith.muli %arg1, %mul3A_1 : i32
    %multiple_of3A = tpu.assume_multiple %mul3A_2, 8 : i32
    %mul3A_3 = arith.constant 78 : i32
    %mul3A_4 = arith.muli %add3A, %mul3A_3 : i32
    %run_scoped3A = arith.constant 0 : i32
    "tpu.region"() ({
      %run_scoped3A_127 = tpu.sem_alloc : memref<!tpu.dma_semaphore, #tpu.memory_space<semaphore_mem>>
      %dma_start3A_128 = arith.constant 0 : i32
      %dma_start3A_129 = arith.constant 0 : i32
      %dma_start3A_130 = tpu.memref_slice %arg6[%dma_start3A_128, %dma_start3A_129] : memref<79x128xi32, #tpu.memory_space<vmem>> -> memref<78x128xi32, #tpu.memory_space<vmem>>
      %dma_start3A_131 = arith.constant 0 : i32
      %dma_start3A_132 = tpu.memref_slice %arg2[%run_scoped3A, %mul3A_4, %dma_start3A_131] : memref<2x2500x128xi32, #tpu.memory_space<hbm>> -> memref<1x78x128xi32, #tpu.memory_space<hbm>>
      %dma_start3A_133 = tpu.memref_squeeze %dma_start3A_132 : memref<1x78x128xi32, #tpu.memory_space<hbm>> -> memref<78x128xi32, #tpu.memory_space<hbm>>
      %dma_start3A_134 = arith.constant 0 : i32
      %dma_start3A_135 = arith.constant 0 : i32
      %dma_start3A_136 = tpu.memref_slice %arg6[%dma_start3A_134, %dma_start3A_135] : memref<79x128xi32, #tpu.memory_space<vmem>> -> memref<78x128xi32, #tpu.memory_space<vmem>>
      %dma_start3A_137 = arith.constant 0 : i32
      %dma_start3A_138 = tpu.memref_slice %arg2[%run_scoped3A, %mul3A_4, %dma_start3A_137] : memref<2x2500x128xi32, #tpu.memory_space<hbm>> -> memref<1x78x128xi32, #tpu.memory_space<hbm>>
      %dma_start3A_139 = tpu.memref_squeeze %dma_start3A_138 : memref<1x78x128xi32, #tpu.memory_space<hbm>> -> memref<78x128xi32, #tpu.memory_space<hbm>>
      tpu.enqueue_dma source(%dma_start3A_139 : memref<78x128xi32, #tpu.memory_space<hbm>>) target(%dma_start3A_136 : memref<78x128xi32, #tpu.memory_space<vmem>>) target_semaphore(%run_scoped3A_127 : memref<!tpu.dma_semaphore, #tpu.memory_space<semaphore_mem>>)
      %dma_wait3A = arith.constant 0 : i32
      %dma_wait3A_140 = arith.constant 0 : i32
      %dma_wait3A_141 = tpu.memref_slice %arg6[%dma_wait3A, %dma_wait3A_140] : memref<79x128xi32, #tpu.memory_space<vmem>> -> memref<78x128xi32, #tpu.memory_space<vmem>>
      %dma_wait3A_142 = arith.constant 0 : i32
      %dma_wait3A_143 = tpu.memref_slice %arg2[%run_scoped3A, %mul3A_4, %dma_wait3A_142] : memref<2x2500x128xi32, #tpu.memory_space<hbm>> -> memref<1x78x128xi32, #tpu.memory_space<hbm>>
      %dma_wait3A_144 = tpu.memref_squeeze %dma_wait3A_143 : memref<1x78x128xi32, #tpu.memory_space<hbm>> -> memref<78x128xi32, #tpu.memory_space<hbm>>
      %dma_wait3A_145 = arith.constant 0 : i32
      %dma_wait3A_146 = arith.constant 0 : i32
      %dma_wait3A_147 = tpu.memref_slice %arg6[%dma_wait3A_145, %dma_wait3A_146] : memref<79x128xi32, #tpu.memory_space<vmem>> -> memref<78x128xi32, #tpu.memory_space<vmem>>
      %dma_wait3A_148 = arith.constant 0 : i32
      %dma_wait3A_149 = tpu.memref_slice %arg2[%run_scoped3A, %mul3A_4, %dma_wait3A_148] : memref<2x2500x128xi32, #tpu.memory_space<hbm>> -> memref<1x78x128xi32, #tpu.memory_space<hbm>>
      %dma_wait3A_150 = tpu.memref_squeeze %dma_wait3A_149 : memref<1x78x128xi32, #tpu.memory_space<hbm>> -> memref<78x128xi32, #tpu.memory_space<hbm>>
      tpu.wait_dma2 semaphore(%run_scoped3A_127 : memref<!tpu.dma_semaphore, #tpu.memory_space<semaphore_mem>>) src(%dma_wait3A_150 : memref<78x128xi32, #tpu.memory_space<hbm>>) dst(%dma_wait3A_147 : memref<78x128xi32, #tpu.memory_space<vmem>>)
      tpu.yield
    }) : () -> ()
    %run_scoped3A_5 = arith.constant 1 : i32
    "tpu.region"() ({
      %run_scoped3A_127 = tpu.sem_alloc : memref<!tpu.dma_semaphore, #tpu.memory_space<semaphore_mem>>
      %dma_start3A_128 = arith.constant 0 : i32
      %dma_start3A_129 = arith.constant 0 : i32
      %dma_start3A_130 = tpu.memref_slice %arg7[%dma_start3A_128, %dma_start3A_129] : memref<79x128xi32, #tpu.memory_space<vmem>> -> memref<78x128xi32, #tpu.memory_space<vmem>>
      %dma_start3A_131 = arith.constant 0 : i32
      %dma_start3A_132 = tpu.memref_slice %arg2[%run_scoped3A_5, %mul3A_4, %dma_start3A_131] : memref<2x2500x128xi32, #tpu.memory_space<hbm>> -> memref<1x78x128xi32, #tpu.memory_space<hbm>>
      %dma_start3A_133 = tpu.memref_squeeze %dma_start3A_132 : memref<1x78x128xi32, #tpu.memory_space<hbm>> -> memref<78x128xi32, #tpu.memory_space<hbm>>
      %dma_start3A_134 = arith.constant 0 : i32
      %dma_start3A_135 = arith.constant 0 : i32
      %dma_start3A_136 = tpu.memref_slice %arg7[%dma_start3A_134, %dma_start3A_135] : memref<79x128xi32, #tpu.memory_space<vmem>> -> memref<78x128xi32, #tpu.memory_space<vmem>>
      %dma_start3A_137 = arith.constant 0 : i32
      %dma_start3A_138 = tpu.memref_slice %arg2[%run_scoped3A_5, %mul3A_4, %dma_start3A_137] : memref<2x2500x128xi32, #tpu.memory_space<hbm>> -> memref<1x78x128xi32, #tpu.memory_space<hbm>>
      %dma_start3A_139 = tpu.memref_squeeze %dma_start3A_138 : memref<1x78x128xi32, #tpu.memory_space<hbm>> -> memref<78x128xi32, #tpu.memory_space<hbm>>
      tpu.enqueue_dma source(%dma_start3A_139 : memref<78x128xi32, #tpu.memory_space<hbm>>) target(%dma_start3A_136 : memref<78x128xi32, #tpu.memory_space<vmem>>) target_semaphore(%run_scoped3A_127 : memref<!tpu.dma_semaphore, #tpu.memory_space<semaphore_mem>>)
      %dma_wait3A = arith.constant 0 : i32
      %dma_wait3A_140 = arith.constant 0 : i32
      %dma_wait3A_141 = tpu.memref_slice %arg7[%dma_wait3A, %dma_wait3A_140] : memref<79x128xi32, #tpu.memory_space<vmem>> -> memref<78x128xi32, #tpu.memory_space<vmem>>
      %dma_wait3A_142 = arith.constant 0 : i32
      %dma_wait3A_143 = tpu.memref_slice %arg2[%run_scoped3A_5, %mul3A_4, %dma_wait3A_142] : memref<2x2500x128xi32, #tpu.memory_space<hbm>> -> memref<1x78x128xi32, #tpu.memory_space<hbm>>
      %dma_wait3A_144 = tpu.memref_squeeze %dma_wait3A_143 : memref<1x78x128xi32, #tpu.memory_space<hbm>> -> memref<78x128xi32, #tpu.memory_space<hbm>>
      %dma_wait3A_145 = arith.constant 0 : i32
      %dma_wait3A_146 = arith.constant 0 : i32
      %dma_wait3A_147 = tpu.memref_slice %arg7[%dma_wait3A_145, %dma_wait3A_146] : memref<79x128xi32, #tpu.memory_space<vmem>> -> memref<78x128xi32, #tpu.memory_space<vmem>>
      %dma_wait3A_148 = arith.constant 0 : i32
      %dma_wait3A_149 = tpu.memref_slice %arg2[%run_scoped3A_5, %mul3A_4, %dma_wait3A_148] : memref<2x2500x128xi32, #tpu.memory_space<hbm>> -> memref<1x78x128xi32, #tpu.memory_space<hbm>>
      %dma_wait3A_150 = tpu.memref_squeeze %dma_wait3A_149 : memref<1x78x128xi32, #tpu.memory_space<hbm>> -> memref<78x128xi32, #tpu.memory_space<hbm>>
      tpu.wait_dma2 semaphore(%run_scoped3A_127 : memref<!tpu.dma_semaphore, #tpu.memory_space<semaphore_mem>>) src(%dma_wait3A_150 : memref<78x128xi32, #tpu.memory_space<hbm>>) dst(%dma_wait3A_147 : memref<78x128xi32, #tpu.memory_space<vmem>>)
      tpu.yield
    }) : () -> ()
    %lt3A = arith.constant 4 : i32
    %lt3A_6 = arith.cmpi slt, %add3A, %lt3A : i32
    %convert_element_type3A = arith.extui %lt3A_6 : i1 to i32
    %cond3A = arith.constant 0 : i32
    %cond3A_7 = arith.cmpi ne, %convert_element_type3A, %cond3A : i32
    scf.if %cond3A_7 {
      %add3A_127 = arith.constant 2496 : i32
      %add3A_128 = arith.addi %add3A_127, %add3A : i32
      %run_scoped3A_129 = arith.constant 0 : i32
      "tpu.region"() ({
        %run_scoped3A_131 = tpu.sem_alloc : memref<!tpu.dma_semaphore, #tpu.memory_space<semaphore_mem>>
        %dma_start3A_132 = arith.constant 78 : i32
        %dma_start3A_133 = arith.constant 0 : i32
        %dma_start3A_134 = tpu.memref_slice %arg6[%dma_start3A_132, %dma_start3A_133] : memref<79x128xi32, #tpu.memory_space<vmem>> -> memref<1x128xi32, #tpu.memory_space<vmem>>
        %dma_start3A_135 = arith.constant 0 : i32
        %dma_start3A_136 = tpu.memref_slice %arg2[%run_scoped3A_129, %add3A_128, %dma_start3A_135] : memref<2x2500x128xi32, #tpu.memory_space<hbm>> -> memref<1x1x128xi32, #tpu.memory_space<hbm>>
        %dma_start3A_137 = tpu.memref_squeeze %dma_start3A_136 : memref<1x1x128xi32, #tpu.memory_space<hbm>> -> memref<1x128xi32, #tpu.memory_space<hbm>>
        %dma_start3A_138 = arith.constant 78 : i32
        %dma_start3A_139 = arith.constant 0 : i32
        %dma_start3A_140 = tpu.memref_slice %arg6[%dma_start3A_138, %dma_start3A_139] : memref<79x128xi32, #tpu.memory_space<vmem>> -> memref<1x128xi32, #tpu.memory_space<vmem>>
        %dma_start3A_141 = arith.constant 0 : i32
        %dma_start3A_142 = tpu.memref_slice %arg2[%run_scoped3A_129, %add3A_128, %dma_start3A_141] : memref<2x2500x128xi32, #tpu.memory_space<hbm>> -> memref<1x1x128xi32, #tpu.memory_space<hbm>>
        %dma_start3A_143 = tpu.memref_squeeze %dma_start3A_142 : memref<1x1x128xi32, #tpu.memory_space<hbm>> -> memref<1x128xi32, #tpu.memory_space<hbm>>
        tpu.enqueue_dma source(%dma_start3A_143 : memref<1x128xi32, #tpu.memory_space<hbm>>) target(%dma_start3A_140 : memref<1x128xi32, #tpu.memory_space<vmem>>) target_semaphore(%run_scoped3A_131 : memref<!tpu.dma_semaphore, #tpu.memory_space<semaphore_mem>>)
        %dma_wait3A = arith.constant 78 : i32
        %dma_wait3A_144 = arith.constant 0 : i32
        %dma_wait3A_145 = tpu.memref_slice %arg6[%dma_wait3A, %dma_wait3A_144] : memref<79x128xi32, #tpu.memory_space<vmem>> -> memref<1x128xi32, #tpu.memory_space<vmem>>
        %dma_wait3A_146 = arith.constant 0 : i32
        %dma_wait3A_147 = tpu.memref_slice %arg2[%run_scoped3A_129, %add3A_128, %dma_wait3A_146] : memref<2x2500x128xi32, #tpu.memory_space<hbm>> -> memref<1x1x128xi32, #tpu.memory_space<hbm>>
        %dma_wait3A_148 = tpu.memref_squeeze %dma_wait3A_147 : memref<1x1x128xi32, #tpu.memory_space<hbm>> -> memref<1x128xi32, #tpu.memory_space<hbm>>
        %dma_wait3A_149 = arith.constant 78 : i32
        %dma_wait3A_150 = arith.constant 0 : i32
        %dma_wait3A_151 = tpu.memref_slice %arg6[%dma_wait3A_149, %dma_wait3A_150] : memref<79x128xi32, #tpu.memory_space<vmem>> -> memref<1x128xi32, #tpu.memory_space<vmem>>
        %dma_wait3A_152 = arith.constant 0 : i32
        %dma_wait3A_153 = tpu.memref_slice %arg2[%run_scoped3A_129, %add3A_128, %dma_wait3A_152] : memref<2x2500x128xi32, #tpu.memory_space<hbm>> -> memref<1x1x128xi32, #tpu.memory_space<hbm>>
        %dma_wait3A_154 = tpu.memref_squeeze %dma_wait3A_153 : memref<1x1x128xi32, #tpu.memory_space<hbm>> -> memref<1x128xi32, #tpu.memory_space<hbm>>
        tpu.wait_dma2 semaphore(%run_scoped3A_131 : memref<!tpu.dma_semaphore, #tpu.memory_space<semaphore_mem>>) src(%dma_wait3A_154 : memref<1x128xi32, #tpu.memory_space<hbm>>) dst(%dma_wait3A_151 : memref<1x128xi32, #tpu.memory_space<vmem>>)
        tpu.yield
      }) : () -> ()
      %run_scoped3A_130 = arith.constant 1 : i32
      "tpu.region"() ({
        %run_scoped3A_131 = tpu.sem_alloc : memref<!tpu.dma_semaphore, #tpu.memory_space<semaphore_mem>>
        %dma_start3A_132 = arith.constant 78 : i32
        %dma_start3A_133 = arith.constant 0 : i32
        %dma_start3A_134 = tpu.memref_slice %arg7[%dma_start3A_132, %dma_start3A_133] : memref<79x128xi32, #tpu.memory_space<vmem>> -> memref<1x128xi32, #tpu.memory_space<vmem>>
        %dma_start3A_135 = arith.constant 0 : i32
        %dma_start3A_136 = tpu.memref_slice %arg2[%run_scoped3A_130, %add3A_128, %dma_start3A_135] : memref<2x2500x128xi32, #tpu.memory_space<hbm>> -> memref<1x1x128xi32, #tpu.memory_space<hbm>>
        %dma_start3A_137 = tpu.memref_squeeze %dma_start3A_136 : memref<1x1x128xi32, #tpu.memory_space<hbm>> -> memref<1x128xi32, #tpu.memory_space<hbm>>
        %dma_start3A_138 = arith.constant 78 : i32
        %dma_start3A_139 = arith.constant 0 : i32
        %dma_start3A_140 = tpu.memref_slice %arg7[%dma_start3A_138, %dma_start3A_139] : memref<79x128xi32, #tpu.memory_space<vmem>> -> memref<1x128xi32, #tpu.memory_space<vmem>>
        %dma_start3A_141 = arith.constant 0 : i32
        %dma_start3A_142 = tpu.memref_slice %arg2[%run_scoped3A_130, %add3A_128, %dma_start3A_141] : memref<2x2500x128xi32, #tpu.memory_space<hbm>> -> memref<1x1x128xi32, #tpu.memory_space<hbm>>
        %dma_start3A_143 = tpu.memref_squeeze %dma_start3A_142 : memref<1x1x128xi32, #tpu.memory_space<hbm>> -> memref<1x128xi32, #tpu.memory_space<hbm>>
        tpu.enqueue_dma source(%dma_start3A_143 : memref<1x128xi32, #tpu.memory_space<hbm>>) target(%dma_start3A_140 : memref<1x128xi32, #tpu.memory_space<vmem>>) target_semaphore(%run_scoped3A_131 : memref<!tpu.dma_semaphore, #tpu.memory_space<semaphore_mem>>)
        %dma_wait3A = arith.constant 78 : i32
        %dma_wait3A_144 = arith.constant 0 : i32
        %dma_wait3A_145 = tpu.memref_slice %arg7[%dma_wait3A, %dma_wait3A_144] : memref<79x128xi32, #tpu.memory_space<vmem>> -> memref<1x128xi32, #tpu.memory_space<vmem>>
        %dma_wait3A_146 = arith.constant 0 : i32
        %dma_wait3A_147 = tpu.memref_slice %arg2[%run_scoped3A_130, %add3A_128, %dma_wait3A_146] : memref<2x2500x128xi32, #tpu.memory_space<hbm>> -> memref<1x1x128xi32, #tpu.memory_space<hbm>>
        %dma_wait3A_148 = tpu.memref_squeeze %dma_wait3A_147 : memref<1x1x128xi32, #tpu.memory_space<hbm>> -> memref<1x128xi32, #tpu.memory_space<hbm>>
        %dma_wait3A_149 = arith.constant 78 : i32
        %dma_wait3A_150 = arith.constant 0 : i32
        %dma_wait3A_151 = tpu.memref_slice %arg7[%dma_wait3A_149, %dma_wait3A_150] : memref<79x128xi32, #tpu.memory_space<vmem>> -> memref<1x128xi32, #tpu.memory_space<vmem>>
        %dma_wait3A_152 = arith.constant 0 : i32
        %dma_wait3A_153 = tpu.memref_slice %arg2[%run_scoped3A_130, %add3A_128, %dma_wait3A_152] : memref<2x2500x128xi32, #tpu.memory_space<hbm>> -> memref<1x1x128xi32, #tpu.memory_space<hbm>>
        %dma_wait3A_154 = tpu.memref_squeeze %dma_wait3A_153 : memref<1x1x128xi32, #tpu.memory_space<hbm>> -> memref<1x128xi32, #tpu.memory_space<hbm>>
        tpu.wait_dma2 semaphore(%run_scoped3A_131 : memref<!tpu.dma_semaphore, #tpu.memory_space<semaphore_mem>>) src(%dma_wait3A_154 : memref<1x128xi32, #tpu.memory_space<hbm>>) dst(%dma_wait3A_151 : memref<1x128xi32, #tpu.memory_space<vmem>>)
        tpu.yield
      }) : () -> ()
    } else {
    }
    %lt3A_8 = arith.constant 15 : i32
    %lt3A_9 = arith.cmpi slt, %arg1, %lt3A_8 : i32
    %convert_element_type3A_10 = arith.extui %lt3A_9 : i1 to i32
    %cond3A_11 = arith.constant 0 : i32
    %cond3A_12 = arith.cmpi ne, %convert_element_type3A_10, %cond3A_11 : i32
    scf.if %cond3A_12 {
      "tpu.region"() ({
        %run_scoped3A_127 = tpu.sem_alloc : memref<!tpu.dma_semaphore, #tpu.memory_space<semaphore_mem>>
        %dma_start3A_128 = arith.constant 0 : i32
        %dma_start3A_129 = tpu.memref_slice %arg9[%multiple_of3A, %dma_start3A_128] : memref<10000x16xf32, #tpu.memory_space<vmem_shared>> -> memref<624x16xf32, #tpu.memory_space<vmem_shared>>
        %dma_start3A_130 = arith.constant 0 : i32
        %dma_start3A_131 = tpu.memref_slice %arg4[%multiple_of3A, %dma_start3A_130] : memref<10000x16xf32, #tpu.memory_space<hbm>> -> memref<624x16xf32, #tpu.memory_space<hbm>>
        tpu.enqueue_dma source(%dma_start3A_131 : memref<624x16xf32, #tpu.memory_space<hbm>>) target(%dma_start3A_129 : memref<624x16xf32, #tpu.memory_space<vmem_shared>>) target_semaphore(%run_scoped3A_127 : memref<!tpu.dma_semaphore, #tpu.memory_space<semaphore_mem>>)
        %dma_wait3A = arith.constant 0 : i32
        %dma_wait3A_132 = tpu.memref_slice %arg9[%multiple_of3A, %dma_wait3A] : memref<10000x16xf32, #tpu.memory_space<vmem_shared>> -> memref<624x16xf32, #tpu.memory_space<vmem_shared>>
        %dma_wait3A_133 = arith.constant 0 : i32
        %dma_wait3A_134 = tpu.memref_slice %arg4[%multiple_of3A, %dma_wait3A_133] : memref<10000x16xf32, #tpu.memory_space<hbm>> -> memref<624x16xf32, #tpu.memory_space<hbm>>
        tpu.wait_dma2 semaphore(%run_scoped3A_127 : memref<!tpu.dma_semaphore, #tpu.memory_space<semaphore_mem>>) src(%dma_wait3A_134 : memref<624x16xf32, #tpu.memory_space<hbm>>) dst(%dma_wait3A_132 : memref<624x16xf32, #tpu.memory_space<vmem_shared>>)
        tpu.yield
      }) : () -> ()
    } else {
    }
    %eq3A = arith.constant 15 : i32
    %eq3A_13 = arith.cmpi eq, %arg1, %eq3A : i32
    %convert_element_type3A_14 = arith.extui %eq3A_13 : i1 to i32
    %cond3A_15 = arith.constant 0 : i32
    %cond3A_16 = arith.cmpi ne, %convert_element_type3A_14, %cond3A_15 : i32
    scf.if %cond3A_16 {
      "tpu.region"() ({
        %run_scoped3A_127 = tpu.sem_alloc : memref<!tpu.dma_semaphore, #tpu.memory_space<semaphore_mem>>
        %dma_start3A_128 = arith.constant 9360 : i32
        %dma_start3A_129 = arith.constant 0 : i32
        %dma_start3A_130 = tpu.memref_slice %arg9[%dma_start3A_128, %dma_start3A_129] : memref<10000x16xf32, #tpu.memory_space<vmem_shared>> -> memref<640x16xf32, #tpu.memory_space<vmem_shared>>
        %dma_start3A_131 = arith.constant 9360 : i32
        %dma_start3A_132 = arith.constant 0 : i32
        %dma_start3A_133 = tpu.memref_slice %arg4[%dma_start3A_131, %dma_start3A_132] : memref<10000x16xf32, #tpu.memory_space<hbm>> -> memref<640x16xf32, #tpu.memory_space<hbm>>
        tpu.enqueue_dma source(%dma_start3A_133 : memref<640x16xf32, #tpu.memory_space<hbm>>) target(%dma_start3A_130 : memref<640x16xf32, #tpu.memory_space<vmem_shared>>) target_semaphore(%run_scoped3A_127 : memref<!tpu.dma_semaphore, #tpu.memory_space<semaphore_mem>>)
        %dma_wait3A = arith.constant 9360 : i32
        %dma_wait3A_134 = arith.constant 0 : i32
        %dma_wait3A_135 = tpu.memref_slice %arg9[%dma_wait3A, %dma_wait3A_134] : memref<10000x16xf32, #tpu.memory_space<vmem_shared>> -> memref<640x16xf32, #tpu.memory_space<vmem_shared>>
        %dma_wait3A_136 = arith.constant 9360 : i32
        %dma_wait3A_137 = arith.constant 0 : i32
        %dma_wait3A_138 = tpu.memref_slice %arg4[%dma_wait3A_136, %dma_wait3A_137] : memref<10000x16xf32, #tpu.memory_space<hbm>> -> memref<640x16xf32, #tpu.memory_space<hbm>>
        tpu.wait_dma2 semaphore(%run_scoped3A_127 : memref<!tpu.dma_semaphore, #tpu.memory_space<semaphore_mem>>) src(%dma_wait3A_138 : memref<640x16xf32, #tpu.memory_space<hbm>>) dst(%dma_wait3A_135 : memref<640x16xf32, #tpu.memory_space<vmem_shared>>)
        tpu.yield
      }) : () -> ()
    } else {
    }
    %barrier3A = arith.constant 0 : index
    tpu.barrier barrier_id(%barrier3A)
    %dma_start3A = arith.constant 0 : i32
    %dma_start3A_17 = arith.constant 0 : i32
    %dma_start3A_18 = arith.constant 0 : i32
    %dma_start3A_19 = arith.constant 0 : i32
    %dma_start3A_20 = arith.constant 0 : i32
    %dma_start3A_21 = tpu.memref_slice %arg8[%dma_start3A_17, %dma_start3A_19, %dma_start3A_20] : memref<6x128x16xf32, #tpu.memory_space<vmem>> -> memref<1x128x16xf32, #tpu.memory_space<vmem>>
    %dma_start3A_22 = tpu.memref_squeeze %dma_start3A_21 : memref<1x128x16xf32, #tpu.memory_space<vmem>> -> memref<128x16xf32, #tpu.memory_space<vmem>>
    %dma_start3A_23 = arith.constant 0 : i32
    %dma_start3A_24 = tpu.memref_slice %arg6[%dma_start3A, %dma_start3A_23] : memref<79x128xi32, #tpu.memory_space<vmem>> -> memref<1x128xi32, #tpu.memory_space<vmem>>
    %dma_start3A_25 = tpu.memref_squeeze %dma_start3A_24 : memref<1x128xi32, #tpu.memory_space<vmem>> -> memref<128xi32, #tpu.memory_space<vmem>>
    %dma_start3A_26 = arith.constant 0 : i32
    %dma_start3A_27 = arith.constant 0 : i32
    %dma_start3A_28 = tpu.memref_slice %arg3[%dma_start3A_26, %dma_start3A_27] : memref<10000x16xf32, #tpu.memory_space<hbm>> -> memref<10000x16xf32, #tpu.memory_space<hbm>>
    %dma_start3A_29 = tpu.memref_slice %arg10[%dma_start3A_18] : memref<6x!tpu.dma_semaphore, #tpu.memory_space<semaphore_mem>> -> memref<1x!tpu.dma_semaphore, #tpu.memory_space<semaphore_mem>>
    %dma_start3A_30 = tpu.memref_squeeze %dma_start3A_29 : memref<1x!tpu.dma_semaphore, #tpu.memory_space<semaphore_mem>> -> memref<!tpu.dma_semaphore, #tpu.memory_space<semaphore_mem>>
    tpu.enqueue_indirect_dma source(%dma_start3A_28 : memref<10000x16xf32, #tpu.memory_space<hbm>>) target(%dma_start3A_22 : memref<128x16xf32, #tpu.memory_space<vmem>>) offsets(%dma_start3A_25 : memref<128xi32, #tpu.memory_space<vmem>>) semaphore(%dma_start3A_30 : memref<!tpu.dma_semaphore, #tpu.memory_space<semaphore_mem>>)
    %dma_start3A_31 = arith.constant 1 : i32
    %dma_start3A_32 = arith.constant 1 : i32
    %dma_start3A_33 = arith.constant 1 : i32
    %dma_start3A_34 = arith.constant 0 : i32
    %dma_start3A_35 = arith.constant 0 : i32
    %dma_start3A_36 = tpu.memref_slice %arg8[%dma_start3A_32, %dma_start3A_34, %dma_start3A_35] : memref<6x128x16xf32, #tpu.memory_space<vmem>> -> memref<1x128x16xf32, #tpu.memory_space<vmem>>
    %dma_start3A_37 = tpu.memref_squeeze %dma_start3A_36 : memref<1x128x16xf32, #tpu.memory_space<vmem>> -> memref<128x16xf32, #tpu.memory_space<vmem>>
    %dma_start3A_38 = arith.constant 0 : i32
    %dma_start3A_39 = tpu.memref_slice %arg6[%dma_start3A_31, %dma_start3A_38] : memref<79x128xi32, #tpu.memory_space<vmem>> -> memref<1x128xi32, #tpu.memory_space<vmem>>
    %dma_start3A_40 = tpu.memref_squeeze %dma_start3A_39 : memref<1x128xi32, #tpu.memory_space<vmem>> -> memref<128xi32, #tpu.memory_space<vmem>>
    %dma_start3A_41 = arith.constant 0 : i32
    %dma_start3A_42 = arith.constant 0 : i32
    %dma_start3A_43 = tpu.memref_slice %arg3[%dma_start3A_41, %dma_start3A_42] : memref<10000x16xf32, #tpu.memory_space<hbm>> -> memref<10000x16xf32, #tpu.memory_space<hbm>>
    %dma_start3A_44 = tpu.memref_slice %arg10[%dma_start3A_33] : memref<6x!tpu.dma_semaphore, #tpu.memory_space<semaphore_mem>> -> memref<1x!tpu.dma_semaphore, #tpu.memory_space<semaphore_mem>>
    %dma_start3A_45 = tpu.memref_squeeze %dma_start3A_44 : memref<1x!tpu.dma_semaphore, #tpu.memory_space<semaphore_mem>> -> memref<!tpu.dma_semaphore, #tpu.memory_space<semaphore_mem>>
    tpu.enqueue_indirect_dma source(%dma_start3A_43 : memref<10000x16xf32, #tpu.memory_space<hbm>>) target(%dma_start3A_37 : memref<128x16xf32, #tpu.memory_space<vmem>>) offsets(%dma_start3A_40 : memref<128xi32, #tpu.memory_space<vmem>>) semaphore(%dma_start3A_45 : memref<!tpu.dma_semaphore, #tpu.memory_space<semaphore_mem>>)
    %dma_start3A_46 = arith.constant 2 : i32
    %dma_start3A_47 = arith.constant 2 : i32
    %dma_start3A_48 = arith.constant 2 : i32
    %dma_start3A_49 = arith.constant 0 : i32
    %dma_start3A_50 = arith.constant 0 : i32
    %dma_start3A_51 = tpu.memref_slice %arg8[%dma_start3A_47, %dma_start3A_49, %dma_start3A_50] : memref<6x128x16xf32, #tpu.memory_space<vmem>> -> memref<1x128x16xf32, #tpu.memory_space<vmem>>
    %dma_start3A_52 = tpu.memref_squeeze %dma_start3A_51 : memref<1x128x16xf32, #tpu.memory_space<vmem>> -> memref<128x16xf32, #tpu.memory_space<vmem>>
    %dma_start3A_53 = arith.constant 0 : i32
    %dma_start3A_54 = tpu.memref_slice %arg6[%dma_start3A_46, %dma_start3A_53] : memref<79x128xi32, #tpu.memory_space<vmem>> -> memref<1x128xi32, #tpu.memory_space<vmem>>
    %dma_start3A_55 = tpu.memref_squeeze %dma_start3A_54 : memref<1x128xi32, #tpu.memory_space<vmem>> -> memref<128xi32, #tpu.memory_space<vmem>>
    %dma_start3A_56 = arith.constant 0 : i32
    %dma_start3A_57 = arith.constant 0 : i32
    %dma_start3A_58 = tpu.memref_slice %arg3[%dma_start3A_56, %dma_start3A_57] : memref<10000x16xf32, #tpu.memory_space<hbm>> -> memref<10000x16xf32, #tpu.memory_space<hbm>>
    %dma_start3A_59 = tpu.memref_slice %arg10[%dma_start3A_48] : memref<6x!tpu.dma_semaphore, #tpu.memory_space<semaphore_mem>> -> memref<1x!tpu.dma_semaphore, #tpu.memory_space<semaphore_mem>>
    %dma_start3A_60 = tpu.memref_squeeze %dma_start3A_59 : memref<1x!tpu.dma_semaphore, #tpu.memory_space<semaphore_mem>> -> memref<!tpu.dma_semaphore, #tpu.memory_space<semaphore_mem>>
    tpu.enqueue_indirect_dma source(%dma_start3A_58 : memref<10000x16xf32, #tpu.memory_space<hbm>>) target(%dma_start3A_52 : memref<128x16xf32, #tpu.memory_space<vmem>>) offsets(%dma_start3A_55 : memref<128xi32, #tpu.memory_space<vmem>>) semaphore(%dma_start3A_60 : memref<!tpu.dma_semaphore, #tpu.memory_space<semaphore_mem>>)
    %dma_start3A_61 = arith.constant 3 : i32
    %dma_start3A_62 = arith.constant 3 : i32
    %dma_start3A_63 = arith.constant 3 : i32
    %dma_start3A_64 = arith.constant 0 : i32
    %dma_start3A_65 = arith.constant 0 : i32
    %dma_start3A_66 = tpu.memref_slice %arg8[%dma_start3A_62, %dma_start3A_64, %dma_start3A_65] : memref<6x128x16xf32, #tpu.memory_space<vmem>> -> memref<1x128x16xf32, #tpu.memory_space<vmem>>
    %dma_start3A_67 = tpu.memref_squeeze %dma_start3A_66 : memref<1x128x16xf32, #tpu.memory_space<vmem>> -> memref<128x16xf32, #tpu.memory_space<vmem>>
    %dma_start3A_68 = arith.constant 0 : i32
    %dma_start3A_69 = tpu.memref_slice %arg6[%dma_start3A_61, %dma_start3A_68] : memref<79x128xi32, #tpu.memory_space<vmem>> -> memref<1x128xi32, #tpu.memory_space<vmem>>
    %dma_start3A_70 = tpu.memref_squeeze %dma_start3A_69 : memref<1x128xi32, #tpu.memory_space<vmem>> -> memref<128xi32, #tpu.memory_space<vmem>>
    %dma_start3A_71 = arith.constant 0 : i32
    %dma_start3A_72 = arith.constant 0 : i32
    %dma_start3A_73 = tpu.memref_slice %arg3[%dma_start3A_71, %dma_start3A_72] : memref<10000x16xf32, #tpu.memory_space<hbm>> -> memref<10000x16xf32, #tpu.memory_space<hbm>>
    %dma_start3A_74 = tpu.memref_slice %arg10[%dma_start3A_63] : memref<6x!tpu.dma_semaphore, #tpu.memory_space<semaphore_mem>> -> memref<1x!tpu.dma_semaphore, #tpu.memory_space<semaphore_mem>>
    %dma_start3A_75 = tpu.memref_squeeze %dma_start3A_74 : memref<1x!tpu.dma_semaphore, #tpu.memory_space<semaphore_mem>> -> memref<!tpu.dma_semaphore, #tpu.memory_space<semaphore_mem>>
    tpu.enqueue_indirect_dma source(%dma_start3A_73 : memref<10000x16xf32, #tpu.memory_space<hbm>>) target(%dma_start3A_67 : memref<128x16xf32, #tpu.memory_space<vmem>>) offsets(%dma_start3A_70 : memref<128xi32, #tpu.memory_space<vmem>>) semaphore(%dma_start3A_75 : memref<!tpu.dma_semaphore, #tpu.memory_space<semaphore_mem>>)
    %dma_start3A_76 = arith.constant 4 : i32
    %dma_start3A_77 = arith.constant 4 : i32
    %dma_start3A_78 = arith.constant 4 : i32
    %dma_start3A_79 = arith.constant 0 : i32
    %dma_start3A_80 = arith.constant 0 : i32
    %dma_start3A_81 = tpu.memref_slice %arg8[%dma_start3A_77, %dma_start3A_79, %dma_start3A_80] : memref<6x128x16xf32, #tpu.memory_space<vmem>> -> memref<1x128x16xf32, #tpu.memory_space<vmem>>
    %dma_start3A_82 = tpu.memref_squeeze %dma_start3A_81 : memref<1x128x16xf32, #tpu.memory_space<vmem>> -> memref<128x16xf32, #tpu.memory_space<vmem>>
    %dma_start3A_83 = arith.constant 0 : i32
    %dma_start3A_84 = tpu.memref_slice %arg6[%dma_start3A_76, %dma_start3A_83] : memref<79x128xi32, #tpu.memory_space<vmem>> -> memref<1x128xi32, #tpu.memory_space<vmem>>
    %dma_start3A_85 = tpu.memref_squeeze %dma_start3A_84 : memref<1x128xi32, #tpu.memory_space<vmem>> -> memref<128xi32, #tpu.memory_space<vmem>>
    %dma_start3A_86 = arith.constant 0 : i32
    %dma_start3A_87 = arith.constant 0 : i32
    %dma_start3A_88 = tpu.memref_slice %arg3[%dma_start3A_86, %dma_start3A_87] : memref<10000x16xf32, #tpu.memory_space<hbm>> -> memref<10000x16xf32, #tpu.memory_space<hbm>>
    %dma_start3A_89 = tpu.memref_slice %arg10[%dma_start3A_78] : memref<6x!tpu.dma_semaphore, #tpu.memory_space<semaphore_mem>> -> memref<1x!tpu.dma_semaphore, #tpu.memory_space<semaphore_mem>>
    %dma_start3A_90 = tpu.memref_squeeze %dma_start3A_89 : memref<1x!tpu.dma_semaphore, #tpu.memory_space<semaphore_mem>> -> memref<!tpu.dma_semaphore, #tpu.memory_space<semaphore_mem>>
    tpu.enqueue_indirect_dma source(%dma_start3A_88 : memref<10000x16xf32, #tpu.memory_space<hbm>>) target(%dma_start3A_82 : memref<128x16xf32, #tpu.memory_space<vmem>>) offsets(%dma_start3A_85 : memref<128xi32, #tpu.memory_space<vmem>>) semaphore(%dma_start3A_90 : memref<!tpu.dma_semaphore, #tpu.memory_space<semaphore_mem>>)
    %dma_start3A_91 = arith.constant 5 : i32
    %dma_start3A_92 = arith.constant 5 : i32
    %dma_start3A_93 = arith.constant 5 : i32
    %dma_start3A_94 = arith.constant 0 : i32
    %dma_start3A_95 = arith.constant 0 : i32
    %dma_start3A_96 = tpu.memref_slice %arg8[%dma_start3A_92, %dma_start3A_94, %dma_start3A_95] : memref<6x128x16xf32, #tpu.memory_space<vmem>> -> memref<1x128x16xf32, #tpu.memory_space<vmem>>
    %dma_start3A_97 = tpu.memref_squeeze %dma_start3A_96 : memref<1x128x16xf32, #tpu.memory_space<vmem>> -> memref<128x16xf32, #tpu.memory_space<vmem>>
    %dma_start3A_98 = arith.constant 0 : i32
    %dma_start3A_99 = tpu.memref_slice %arg6[%dma_start3A_91, %dma_start3A_98] : memref<79x128xi32, #tpu.memory_space<vmem>> -> memref<1x128xi32, #tpu.memory_space<vmem>>
    %dma_start3A_100 = tpu.memref_squeeze %dma_start3A_99 : memref<1x128xi32, #tpu.memory_space<vmem>> -> memref<128xi32, #tpu.memory_space<vmem>>
    %dma_start3A_101 = arith.constant 0 : i32
    %dma_start3A_102 = arith.constant 0 : i32
    %dma_start3A_103 = tpu.memref_slice %arg3[%dma_start3A_101, %dma_start3A_102] : memref<10000x16xf32, #tpu.memory_space<hbm>> -> memref<10000x16xf32, #tpu.memory_space<hbm>>
    %dma_start3A_104 = tpu.memref_slice %arg10[%dma_start3A_93] : memref<6x!tpu.dma_semaphore, #tpu.memory_space<semaphore_mem>> -> memref<1x!tpu.dma_semaphore, #tpu.memory_space<semaphore_mem>>
    %dma_start3A_105 = tpu.memref_squeeze %dma_start3A_104 : memref<1x!tpu.dma_semaphore, #tpu.memory_space<semaphore_mem>> -> memref<!tpu.dma_semaphore, #tpu.memory_space<semaphore_mem>>
    tpu.enqueue_indirect_dma source(%dma_start3A_103 : memref<10000x16xf32, #tpu.memory_space<hbm>>) target(%dma_start3A_97 : memref<128x16xf32, #tpu.memory_space<vmem>>) offsets(%dma_start3A_100 : memref<128xi32, #tpu.memory_space<vmem>>) semaphore(%dma_start3A_105 : memref<!tpu.dma_semaphore, #tpu.memory_space<semaphore_mem>>)
    %scan3A = arith.constant 0 : i32
    %scan3A_106 = arith.constant 0 : i32
    %scan3A_107 = arith.constant 13 : i32
    %scan3A_108 = arith.addi %scan3A_106, %scan3A_107 : i32
    %scan3A_109 = arith.constant 1 : i32
    scf.for %scan3A_127 = %scan3A_106 to %scan3A_108 step %scan3A_109  : i32 {
      %mul3A_128 = arith.constant 6 : i32
      %mul3A_129 = arith.muli %scan3A_127, %mul3A_128 : i32
      %add3A_130 = arith.constant 0 : i32
      %add3A_131 = arith.addi %mul3A_129, %add3A_130 : i32
      %dma_wait3A = arith.constant 0 : i32
      %dma_wait3A_132 = arith.constant 0 : i32
      %dma_wait3A_133 = arith.constant 0 : i32
      %dma_wait3A_134 = arith.constant 0 : i32
      %dma_wait3A_135 = tpu.memref_slice %arg8[%dma_wait3A, %dma_wait3A_133, %dma_wait3A_134] : memref<6x128x16xf32, #tpu.memory_space<vmem>> -> memref<1x128x16xf32, #tpu.memory_space<vmem>>
      %dma_wait3A_136 = tpu.memref_squeeze %dma_wait3A_135 : memref<1x128x16xf32, #tpu.memory_space<vmem>> -> memref<128x16xf32, #tpu.memory_space<vmem>>
      %dma_wait3A_137 = arith.constant 0 : i32
      %dma_wait3A_138 = tpu.memref_slice %arg6[%add3A_131, %dma_wait3A_137] : memref<79x128xi32, #tpu.memory_space<vmem>> -> memref<1x128xi32, #tpu.memory_space<vmem>>
      %dma_wait3A_139 = tpu.memref_squeeze %dma_wait3A_138 : memref<1x128xi32, #tpu.memory_space<vmem>> -> memref<128xi32, #tpu.memory_space<vmem>>
      %dma_wait3A_140 = arith.constant 0 : i32
      %dma_wait3A_141 = arith.constant 0 : i32
      %dma_wait3A_142 = tpu.memref_slice %arg3[%dma_wait3A_140, %dma_wait3A_141] : memref<10000x16xf32, #tpu.memory_space<hbm>> -> memref<10000x16xf32, #tpu.memory_space<hbm>>
      %dma_wait3A_143 = tpu.memref_slice %arg10[%dma_wait3A_132] : memref<6x!tpu.dma_semaphore, #tpu.memory_space<semaphore_mem>> -> memref<1x!tpu.dma_semaphore, #tpu.memory_space<semaphore_mem>>
      %dma_wait3A_144 = tpu.memref_squeeze %dma_wait3A_143 : memref<1x!tpu.dma_semaphore, #tpu.memory_space<semaphore_mem>> -> memref<!tpu.dma_semaphore, #tpu.memory_space<semaphore_mem>>
      tpu.wait_indirect_dma semaphore(%dma_wait3A_144 : memref<!tpu.dma_semaphore, #tpu.memory_space<semaphore_mem>>) src(%dma_wait3A_142 : memref<10000x16xf32, #tpu.memory_space<hbm>>) dst(%dma_wait3A_136 : memref<128x16xf32, #tpu.memory_space<vmem>>)
      %dma_start3A_145 = arith.constant 0 : i32
      %dma_start3A_146 = arith.constant 0 : i32
      %dma_start3A_147 = arith.constant 0 : i32
      %dma_start3A_148 = arith.constant 0 : i32
      %dma_start3A_149 = tpu.memref_slice %arg8[%dma_start3A_145, %dma_start3A_147, %dma_start3A_148] : memref<6x128x16xf32, #tpu.memory_space<vmem>> -> memref<1x128x16xf32, #tpu.memory_space<vmem>>
      %dma_start3A_150 = tpu.memref_squeeze %dma_start3A_149 : memref<1x128x16xf32, #tpu.memory_space<vmem>> -> memref<128x16xf32, #tpu.memory_space<vmem>>
      %dma_start3A_151 = arith.constant 0 : i32
      %dma_start3A_152 = tpu.memref_slice %arg7[%add3A_131, %dma_start3A_151] : memref<79x128xi32, #tpu.memory_space<vmem>> -> memref<1x128xi32, #tpu.memory_space<vmem>>
      %dma_start3A_153 = tpu.memref_squeeze %dma_start3A_152 : memref<1x128xi32, #tpu.memory_space<vmem>> -> memref<128xi32, #tpu.memory_space<vmem>>
      %dma_start3A_154 = arith.constant 0 : i32
      %dma_start3A_155 = arith.constant 0 : i32
      %dma_start3A_156 = tpu.memref_slice %arg9[%dma_start3A_154, %dma_start3A_155] : memref<10000x16xf32, #tpu.memory_space<vmem_shared>> -> memref<10000x16xf32, #tpu.memory_space<vmem_shared>>
      %dma_start3A_157 = tpu.memref_slice %arg11[%dma_start3A_146] : memref<6x!tpu.dma_semaphore, #tpu.memory_space<semaphore_mem>> -> memref<1x!tpu.dma_semaphore, #tpu.memory_space<semaphore_mem>>
      %dma_start3A_158 = tpu.memref_squeeze %dma_start3A_157 : memref<1x!tpu.dma_semaphore, #tpu.memory_space<semaphore_mem>> -> memref<!tpu.dma_semaphore, #tpu.memory_space<semaphore_mem>>
      tpu.enqueue_indirect_dma source(%dma_start3A_150 : memref<128x16xf32, #tpu.memory_space<vmem>>) target(%dma_start3A_156 : memref<10000x16xf32, #tpu.memory_space<vmem_shared>>) offsets(%dma_start3A_153 : memref<128xi32, #tpu.memory_space<vmem>>) semaphore(%dma_start3A_158 : memref<!tpu.dma_semaphore, #tpu.memory_space<semaphore_mem>>) {add = true}
      %dma_wait3A_159 = arith.constant 0 : i32
      %dma_wait3A_160 = arith.constant 0 : i32
      %dma_wait3A_161 = arith.constant 0 : i32
      %dma_wait3A_162 = arith.constant 0 : i32
      %dma_wait3A_163 = tpu.memref_slice %arg8[%dma_wait3A_159, %dma_wait3A_161, %dma_wait3A_162] : memref<6x128x16xf32, #tpu.memory_space<vmem>> -> memref<1x128x16xf32, #tpu.memory_space<vmem>>
      %dma_wait3A_164 = tpu.memref_squeeze %dma_wait3A_163 : memref<1x128x16xf32, #tpu.memory_space<vmem>> -> memref<128x16xf32, #tpu.memory_space<vmem>>
      %dma_wait3A_165 = arith.constant 0 : i32
      %dma_wait3A_166 = tpu.memref_slice %arg7[%add3A_131, %dma_wait3A_165] : memref<79x128xi32, #tpu.memory_space<vmem>> -> memref<1x128xi32, #tpu.memory_space<vmem>>
      %dma_wait3A_167 = tpu.memref_squeeze %dma_wait3A_166 : memref<1x128xi32, #tpu.memory_space<vmem>> -> memref<128xi32, #tpu.memory_space<vmem>>
      %dma_wait3A_168 = arith.constant 0 : i32
      %dma_wait3A_169 = arith.constant 0 : i32
      %dma_wait3A_170 = tpu.memref_slice %arg9[%dma_wait3A_168, %dma_wait3A_169] : memref<10000x16xf32, #tpu.memory_space<vmem_shared>> -> memref<10000x16xf32, #tpu.memory_space<vmem_shared>>
      %dma_wait3A_171 = tpu.memref_slice %arg11[%dma_wait3A_160] : memref<6x!tpu.dma_semaphore, #tpu.memory_space<semaphore_mem>> -> memref<1x!tpu.dma_semaphore, #tpu.memory_space<semaphore_mem>>
      %dma_wait3A_172 = tpu.memref_squeeze %dma_wait3A_171 : memref<1x!tpu.dma_semaphore, #tpu.memory_space<semaphore_mem>> -> memref<!tpu.dma_semaphore, #tpu.memory_space<semaphore_mem>>
      tpu.wait_indirect_dma semaphore(%dma_wait3A_172 : memref<!tpu.dma_semaphore, #tpu.memory_space<semaphore_mem>>) src(%dma_wait3A_164 : memref<128x16xf32, #tpu.memory_space<vmem>>) dst(%dma_wait3A_170 : memref<10000x16xf32, #tpu.memory_space<vmem_shared>>)
      %add3A_173 = arith.constant 6 : i32
      %add3A_174 = arith.addi %add3A_131, %add3A_173 : i32
      %lt3A_175 = arith.constant 78 : i32
      %lt3A_176 = arith.cmpi slt, %add3A_174, %lt3A_175 : i32
      %convert_element_type3A_177 = arith.extui %lt3A_176 : i1 to i32
      %cond3A_178 = arith.constant 0 : i32
      %cond3A_179 = arith.cmpi ne, %convert_element_type3A_177, %cond3A_178 : i32
      scf.if %cond3A_179 {
        %add3A_445 = arith.constant 6 : i32
        %add3A_446 = arith.addi %add3A_131, %add3A_445 : i32
        %dma_start3A_447 = arith.constant 0 : i32
        %dma_start3A_448 = arith.constant 0 : i32
        %dma_start3A_449 = arith.constant 0 : i32
        %dma_start3A_450 = arith.constant 0 : i32
        %dma_start3A_451 = tpu.memref_slice %arg8[%dma_start3A_447, %dma_start3A_449, %dma_start3A_450] : memref<6x128x16xf32, #tpu.memory_space<vmem>> -> memref<1x128x16xf32, #tpu.memory_space<vmem>>
        %dma_start3A_452 = tpu.memref_squeeze %dma_start3A_451 : memref<1x128x16xf32, #tpu.memory_space<vmem>> -> memref<128x16xf32, #tpu.memory_space<vmem>>
        %dma_start3A_453 = arith.constant 0 : i32
        %dma_start3A_454 = tpu.memref_slice %arg6[%add3A_446, %dma_start3A_453] : memref<79x128xi32, #tpu.memory_space<vmem>> -> memref<1x128xi32, #tpu.memory_space<vmem>>
        %dma_start3A_455 = tpu.memref_squeeze %dma_start3A_454 : memref<1x128xi32, #tpu.memory_space<vmem>> -> memref<128xi32, #tpu.memory_space<vmem>>
        %dma_start3A_456 = arith.constant 0 : i32
        %dma_start3A_457 = arith.constant 0 : i32
        %dma_start3A_458 = tpu.memref_slice %arg3[%dma_start3A_456, %dma_start3A_457] : memref<10000x16xf32, #tpu.memory_space<hbm>> -> memref<10000x16xf32, #tpu.memory_space<hbm>>
        %dma_start3A_459 = tpu.memref_slice %arg10[%dma_start3A_448] : memref<6x!tpu.dma_semaphore, #tpu.memory_space<semaphore_mem>> -> memref<1x!tpu.dma_semaphore, #tpu.memory_space<semaphore_mem>>
        %dma_start3A_460 = tpu.memref_squeeze %dma_start3A_459 : memref<1x!tpu.dma_semaphore, #tpu.memory_space<semaphore_mem>> -> memref<!tpu.dma_semaphore, #tpu.memory_space<semaphore_mem>>
        tpu.enqueue_indirect_dma source(%dma_start3A_458 : memref<10000x16xf32, #tpu.memory_space<hbm>>) target(%dma_start3A_452 : memref<128x16xf32, #tpu.memory_space<vmem>>) offsets(%dma_start3A_455 : memref<128xi32, #tpu.memory_space<vmem>>) semaphore(%dma_start3A_460 : memref<!tpu.dma_semaphore, #tpu.memory_space<semaphore_mem>>)
      } else {
      }
      %mul3A_180 = arith.constant 6 : i32
      %mul3A_181 = arith.muli %scan3A_127, %mul3A_180 : i32
      %add3A_182 = arith.constant 1 : i32
      %add3A_183 = arith.addi %mul3A_181, %add3A_182 : i32
      %dma_wait3A_184 = arith.constant 1 : i32
      %dma_wait3A_185 = arith.constant 1 : i32
      %dma_wait3A_186 = arith.constant 0 : i32
      %dma_wait3A_187 = arith.constant 0 : i32
      %dma_wait3A_188 = tpu.memref_slice %arg8[%dma_wait3A_184, %dma_wait3A_186, %dma_wait3A_187] : memref<6x128x16xf32, #tpu.memory_space<vmem>> -> memref<1x128x16xf32, #tpu.memory_space<vmem>>
      %dma_wait3A_189 = tpu.memref_squeeze %dma_wait3A_188 : memref<1x128x16xf32, #tpu.memory_space<vmem>> -> memref<128x16xf32, #tpu.memory_space<vmem>>
      %dma_wait3A_190 = arith.constant 0 : i32
      %dma_wait3A_191 = tpu.memref_slice %arg6[%add3A_183, %dma_wait3A_190] : memref<79x128xi32, #tpu.memory_space<vmem>> -> memref<1x128xi32, #tpu.memory_space<vmem>>
      %dma_wait3A_192 = tpu.memref_squeeze %dma_wait3A_191 : memref<1x128xi32, #tpu.memory_space<vmem>> -> memref<128xi32, #tpu.memory_space<vmem>>
      %dma_wait3A_193 = arith.constant 0 : i32
      %dma_wait3A_194 = arith.constant 0 : i32
      %dma_wait3A_195 = tpu.memref_slice %arg3[%dma_wait3A_193, %dma_wait3A_194] : memref<10000x16xf32, #tpu.memory_space<hbm>> -> memref<10000x16xf32, #tpu.memory_space<hbm>>
      %dma_wait3A_196 = tpu.memref_slice %arg10[%dma_wait3A_185] : memref<6x!tpu.dma_semaphore, #tpu.memory_space<semaphore_mem>> -> memref<1x!tpu.dma_semaphore, #tpu.memory_space<semaphore_mem>>
      %dma_wait3A_197 = tpu.memref_squeeze %dma_wait3A_196 : memref<1x!tpu.dma_semaphore, #tpu.memory_space<semaphore_mem>> -> memref<!tpu.dma_semaphore, #tpu.memory_space<semaphore_mem>>
      tpu.wait_indirect_dma semaphore(%dma_wait3A_197 : memref<!tpu.dma_semaphore, #tpu.memory_space<semaphore_mem>>) src(%dma_wait3A_195 : memref<10000x16xf32, #tpu.memory_space<hbm>>) dst(%dma_wait3A_189 : memref<128x16xf32, #tpu.memory_space<vmem>>)
      %dma_start3A_198 = arith.constant 1 : i32
      %dma_start3A_199 = arith.constant 1 : i32
      %dma_start3A_200 = arith.constant 0 : i32
      %dma_start3A_201 = arith.constant 0 : i32
      %dma_start3A_202 = tpu.memref_slice %arg8[%dma_start3A_198, %dma_start3A_200, %dma_start3A_201] : memref<6x128x16xf32, #tpu.memory_space<vmem>> -> memref<1x128x16xf32, #tpu.memory_space<vmem>>
      %dma_start3A_203 = tpu.memref_squeeze %dma_start3A_202 : memref<1x128x16xf32, #tpu.memory_space<vmem>> -> memref<128x16xf32, #tpu.memory_space<vmem>>
      %dma_start3A_204 = arith.constant 0 : i32
      %dma_start3A_205 = tpu.memref_slice %arg7[%add3A_183, %dma_start3A_204] : memref<79x128xi32, #tpu.memory_space<vmem>> -> memref<1x128xi32, #tpu.memory_space<vmem>>
      %dma_start3A_206 = tpu.memref_squeeze %dma_start3A_205 : memref<1x128xi32, #tpu.memory_space<vmem>> -> memref<128xi32, #tpu.memory_space<vmem>>
      %dma_start3A_207 = arith.constant 0 : i32
      %dma_start3A_208 = arith.constant 0 : i32
      %dma_start3A_209 = tpu.memref_slice %arg9[%dma_start3A_207, %dma_start3A_208] : memref<10000x16xf32, #tpu.memory_space<vmem_shared>> -> memref<10000x16xf32, #tpu.memory_space<vmem_shared>>
      %dma_start3A_210 = tpu.memref_slice %arg11[%dma_start3A_199] : memref<6x!tpu.dma_semaphore, #tpu.memory_space<semaphore_mem>> -> memref<1x!tpu.dma_semaphore, #tpu.memory_space<semaphore_mem>>
      %dma_start3A_211 = tpu.memref_squeeze %dma_start3A_210 : memref<1x!tpu.dma_semaphore, #tpu.memory_space<semaphore_mem>> -> memref<!tpu.dma_semaphore, #tpu.memory_space<semaphore_mem>>
      tpu.enqueue_indirect_dma source(%dma_start3A_203 : memref<128x16xf32, #tpu.memory_space<vmem>>) target(%dma_start3A_209 : memref<10000x16xf32, #tpu.memory_space<vmem_shared>>) offsets(%dma_start3A_206 : memref<128xi32, #tpu.memory_space<vmem>>) semaphore(%dma_start3A_211 : memref<!tpu.dma_semaphore, #tpu.memory_space<semaphore_mem>>) {add = true}
      %dma_wait3A_212 = arith.constant 1 : i32
      %dma_wait3A_213 = arith.constant 1 : i32
      %dma_wait3A_214 = arith.constant 0 : i32
      %dma_wait3A_215 = arith.constant 0 : i32
      %dma_wait3A_216 = tpu.memref_slice %arg8[%dma_wait3A_212, %dma_wait3A_214, %dma_wait3A_215] : memref<6x128x16xf32, #tpu.memory_space<vmem>> -> memref<1x128x16xf32, #tpu.memory_space<vmem>>
      %dma_wait3A_217 = tpu.memref_squeeze %dma_wait3A_216 : memref<1x128x16xf32, #tpu.memory_space<vmem>> -> memref<128x16xf32, #tpu.memory_space<vmem>>
      %dma_wait3A_218 = arith.constant 0 : i32
      %dma_wait3A_219 = tpu.memref_slice %arg7[%add3A_183, %dma_wait3A_218] : memref<79x128xi32, #tpu.memory_space<vmem>> -> memref<1x128xi32, #tpu.memory_space<vmem>>
      %dma_wait3A_220 = tpu.memref_squeeze %dma_wait3A_219 : memref<1x128xi32, #tpu.memory_space<vmem>> -> memref<128xi32, #tpu.memory_space<vmem>>
      %dma_wait3A_221 = arith.constant 0 : i32
      %dma_wait3A_222 = arith.constant 0 : i32
      %dma_wait3A_223 = tpu.memref_slice %arg9[%dma_wait3A_221, %dma_wait3A_222] : memref<10000x16xf32, #tpu.memory_space<vmem_shared>> -> memref<10000x16xf32, #tpu.memory_space<vmem_shared>>
      %dma_wait3A_224 = tpu.memref_slice %arg11[%dma_wait3A_213] : memref<6x!tpu.dma_semaphore, #tpu.memory_space<semaphore_mem>> -> memref<1x!tpu.dma_semaphore, #tpu.memory_space<semaphore_mem>>
      %dma_wait3A_225 = tpu.memref_squeeze %dma_wait3A_224 : memref<1x!tpu.dma_semaphore, #tpu.memory_space<semaphore_mem>> -> memref<!tpu.dma_semaphore, #tpu.memory_space<semaphore_mem>>
      tpu.wait_indirect_dma semaphore(%dma_wait3A_225 : memref<!tpu.dma_semaphore, #tpu.memory_space<semaphore_mem>>) src(%dma_wait3A_217 : memref<128x16xf32, #tpu.memory_space<vmem>>) dst(%dma_wait3A_223 : memref<10000x16xf32, #tpu.memory_space<vmem_shared>>)
      %add3A_226 = arith.constant 6 : i32
      %add3A_227 = arith.addi %add3A_183, %add3A_226 : i32
      %lt3A_228 = arith.constant 78 : i32
      %lt3A_229 = arith.cmpi slt, %add3A_227, %lt3A_228 : i32
      %convert_element_type3A_230 = arith.extui %lt3A_229 : i1 to i32
      %cond3A_231 = arith.constant 0 : i32
      %cond3A_232 = arith.cmpi ne, %convert_element_type3A_230, %cond3A_231 : i32
      scf.if %cond3A_232 {
        %add3A_445 = arith.constant 6 : i32
        %add3A_446 = arith.addi %add3A_183, %add3A_445 : i32
        %dma_start3A_447 = arith.constant 1 : i32
        %dma_start3A_448 = arith.constant 1 : i32
        %dma_start3A_449 = arith.constant 0 : i32
        %dma_start3A_450 = arith.constant 0 : i32
        %dma_start3A_451 = tpu.memref_slice %arg8[%dma_start3A_447, %dma_start3A_449, %dma_start3A_450] : memref<6x128x16xf32, #tpu.memory_space<vmem>> -> memref<1x128x16xf32, #tpu.memory_space<vmem>>
        %dma_start3A_452 = tpu.memref_squeeze %dma_start3A_451 : memref<1x128x16xf32, #tpu.memory_space<vmem>> -> memref<128x16xf32, #tpu.memory_space<vmem>>
        %dma_start3A_453 = arith.constant 0 : i32
        %dma_start3A_454 = tpu.memref_slice %arg6[%add3A_446, %dma_start3A_453] : memref<79x128xi32, #tpu.memory_space<vmem>> -> memref<1x128xi32, #tpu.memory_space<vmem>>
        %dma_start3A_455 = tpu.memref_squeeze %dma_start3A_454 : memref<1x128xi32, #tpu.memory_space<vmem>> -> memref<128xi32, #tpu.memory_space<vmem>>
        %dma_start3A_456 = arith.constant 0 : i32
        %dma_start3A_457 = arith.constant 0 : i32
        %dma_start3A_458 = tpu.memref_slice %arg3[%dma_start3A_456, %dma_start3A_457] : memref<10000x16xf32, #tpu.memory_space<hbm>> -> memref<10000x16xf32, #tpu.memory_space<hbm>>
        %dma_start3A_459 = tpu.memref_slice %arg10[%dma_start3A_448] : memref<6x!tpu.dma_semaphore, #tpu.memory_space<semaphore_mem>> -> memref<1x!tpu.dma_semaphore, #tpu.memory_space<semaphore_mem>>
        %dma_start3A_460 = tpu.memref_squeeze %dma_start3A_459 : memref<1x!tpu.dma_semaphore, #tpu.memory_space<semaphore_mem>> -> memref<!tpu.dma_semaphore, #tpu.memory_space<semaphore_mem>>
        tpu.enqueue_indirect_dma source(%dma_start3A_458 : memref<10000x16xf32, #tpu.memory_space<hbm>>) target(%dma_start3A_452 : memref<128x16xf32, #tpu.memory_space<vmem>>) offsets(%dma_start3A_455 : memref<128xi32, #tpu.memory_space<vmem>>) semaphore(%dma_start3A_460 : memref<!tpu.dma_semaphore, #tpu.memory_space<semaphore_mem>>)
      } else {
      }
      %mul3A_233 = arith.constant 6 : i32
      %mul3A_234 = arith.muli %scan3A_127, %mul3A_233 : i32
      %add3A_235 = arith.constant 2 : i32
      %add3A_236 = arith.addi %mul3A_234, %add3A_235 : i32
      %dma_wait3A_237 = arith.constant 2 : i32
      %dma_wait3A_238 = arith.constant 2 : i32
      %dma_wait3A_239 = arith.constant 0 : i32
      %dma_wait3A_240 = arith.constant 0 : i32
      %dma_wait3A_241 = tpu.memref_slice %arg8[%dma_wait3A_237, %dma_wait3A_239, %dma_wait3A_240] : memref<6x128x16xf32, #tpu.memory_space<vmem>> -> memref<1x128x16xf32, #tpu.memory_space<vmem>>
      %dma_wait3A_242 = tpu.memref_squeeze %dma_wait3A_241 : memref<1x128x16xf32, #tpu.memory_space<vmem>> -> memref<128x16xf32, #tpu.memory_space<vmem>>
      %dma_wait3A_243 = arith.constant 0 : i32
      %dma_wait3A_244 = tpu.memref_slice %arg6[%add3A_236, %dma_wait3A_243] : memref<79x128xi32, #tpu.memory_space<vmem>> -> memref<1x128xi32, #tpu.memory_space<vmem>>
      %dma_wait3A_245 = tpu.memref_squeeze %dma_wait3A_244 : memref<1x128xi32, #tpu.memory_space<vmem>> -> memref<128xi32, #tpu.memory_space<vmem>>
      %dma_wait3A_246 = arith.constant 0 : i32
      %dma_wait3A_247 = arith.constant 0 : i32
      %dma_wait3A_248 = tpu.memref_slice %arg3[%dma_wait3A_246, %dma_wait3A_247] : memref<10000x16xf32, #tpu.memory_space<hbm>> -> memref<10000x16xf32, #tpu.memory_space<hbm>>
      %dma_wait3A_249 = tpu.memref_slice %arg10[%dma_wait3A_238] : memref<6x!tpu.dma_semaphore, #tpu.memory_space<semaphore_mem>> -> memref<1x!tpu.dma_semaphore, #tpu.memory_space<semaphore_mem>>
      %dma_wait3A_250 = tpu.memref_squeeze %dma_wait3A_249 : memref<1x!tpu.dma_semaphore, #tpu.memory_space<semaphore_mem>> -> memref<!tpu.dma_semaphore, #tpu.memory_space<semaphore_mem>>
      tpu.wait_indirect_dma semaphore(%dma_wait3A_250 : memref<!tpu.dma_semaphore, #tpu.memory_space<semaphore_mem>>) src(%dma_wait3A_248 : memref<10000x16xf32, #tpu.memory_space<hbm>>) dst(%dma_wait3A_242 : memref<128x16xf32, #tpu.memory_space<vmem>>)
      %dma_start3A_251 = arith.constant 2 : i32
      %dma_start3A_252 = arith.constant 2 : i32
      %dma_start3A_253 = arith.constant 0 : i32
      %dma_start3A_254 = arith.constant 0 : i32
      %dma_start3A_255 = tpu.memref_slice %arg8[%dma_start3A_251, %dma_start3A_253, %dma_start3A_254] : memref<6x128x16xf32, #tpu.memory_space<vmem>> -> memref<1x128x16xf32, #tpu.memory_space<vmem>>
      %dma_start3A_256 = tpu.memref_squeeze %dma_start3A_255 : memref<1x128x16xf32, #tpu.memory_space<vmem>> -> memref<128x16xf32, #tpu.memory_space<vmem>>
      %dma_start3A_257 = arith.constant 0 : i32
      %dma_start3A_258 = tpu.memref_slice %arg7[%add3A_236, %dma_start3A_257] : memref<79x128xi32, #tpu.memory_space<vmem>> -> memref<1x128xi32, #tpu.memory_space<vmem>>
      %dma_start3A_259 = tpu.memref_squeeze %dma_start3A_258 : memref<1x128xi32, #tpu.memory_space<vmem>> -> memref<128xi32, #tpu.memory_space<vmem>>
      %dma_start3A_260 = arith.constant 0 : i32
      %dma_start3A_261 = arith.constant 0 : i32
      %dma_start3A_262 = tpu.memref_slice %arg9[%dma_start3A_260, %dma_start3A_261] : memref<10000x16xf32, #tpu.memory_space<vmem_shared>> -> memref<10000x16xf32, #tpu.memory_space<vmem_shared>>
      %dma_start3A_263 = tpu.memref_slice %arg11[%dma_start3A_252] : memref<6x!tpu.dma_semaphore, #tpu.memory_space<semaphore_mem>> -> memref<1x!tpu.dma_semaphore, #tpu.memory_space<semaphore_mem>>
      %dma_start3A_264 = tpu.memref_squeeze %dma_start3A_263 : memref<1x!tpu.dma_semaphore, #tpu.memory_space<semaphore_mem>> -> memref<!tpu.dma_semaphore, #tpu.memory_space<semaphore_mem>>
      tpu.enqueue_indirect_dma source(%dma_start3A_256 : memref<128x16xf32, #tpu.memory_space<vmem>>) target(%dma_start3A_262 : memref<10000x16xf32, #tpu.memory_space<vmem_shared>>) offsets(%dma_start3A_259 : memref<128xi32, #tpu.memory_space<vmem>>) semaphore(%dma_start3A_264 : memref<!tpu.dma_semaphore, #tpu.memory_space<semaphore_mem>>) {add = true}
      %dma_wait3A_265 = arith.constant 2 : i32
      %dma_wait3A_266 = arith.constant 2 : i32
      %dma_wait3A_267 = arith.constant 0 : i32
      %dma_wait3A_268 = arith.constant 0 : i32
      %dma_wait3A_269 = tpu.memref_slice %arg8[%dma_wait3A_265, %dma_wait3A_267, %dma_wait3A_268] : memref<6x128x16xf32, #tpu.memory_space<vmem>> -> memref<1x128x16xf32, #tpu.memory_space<vmem>>
      %dma_wait3A_270 = tpu.memref_squeeze %dma_wait3A_269 : memref<1x128x16xf32, #tpu.memory_space<vmem>> -> memref<128x16xf32, #tpu.memory_space<vmem>>
      %dma_wait3A_271 = arith.constant 0 : i32
      %dma_wait3A_272 = tpu.memref_slice %arg7[%add3A_236, %dma_wait3A_271] : memref<79x128xi32, #tpu.memory_space<vmem>> -> memref<1x128xi32, #tpu.memory_space<vmem>>
      %dma_wait3A_273 = tpu.memref_squeeze %dma_wait3A_272 : memref<1x128xi32, #tpu.memory_space<vmem>> -> memref<128xi32, #tpu.memory_space<vmem>>
      %dma_wait3A_274 = arith.constant 0 : i32
      %dma_wait3A_275 = arith.constant 0 : i32
      %dma_wait3A_276 = tpu.memref_slice %arg9[%dma_wait3A_274, %dma_wait3A_275] : memref<10000x16xf32, #tpu.memory_space<vmem_shared>> -> memref<10000x16xf32, #tpu.memory_space<vmem_shared>>
      %dma_wait3A_277 = tpu.memref_slice %arg11[%dma_wait3A_266] : memref<6x!tpu.dma_semaphore, #tpu.memory_space<semaphore_mem>> -> memref<1x!tpu.dma_semaphore, #tpu.memory_space<semaphore_mem>>
      %dma_wait3A_278 = tpu.memref_squeeze %dma_wait3A_277 : memref<1x!tpu.dma_semaphore, #tpu.memory_space<semaphore_mem>> -> memref<!tpu.dma_semaphore, #tpu.memory_space<semaphore_mem>>
      tpu.wait_indirect_dma semaphore(%dma_wait3A_278 : memref<!tpu.dma_semaphore, #tpu.memory_space<semaphore_mem>>) src(%dma_wait3A_270 : memref<128x16xf32, #tpu.memory_space<vmem>>) dst(%dma_wait3A_276 : memref<10000x16xf32, #tpu.memory_space<vmem_shared>>)
      %add3A_279 = arith.constant 6 : i32
      %add3A_280 = arith.addi %add3A_236, %add3A_279 : i32
      %lt3A_281 = arith.constant 78 : i32
      %lt3A_282 = arith.cmpi slt, %add3A_280, %lt3A_281 : i32
      %convert_element_type3A_283 = arith.extui %lt3A_282 : i1 to i32
      %cond3A_284 = arith.constant 0 : i32
      %cond3A_285 = arith.cmpi ne, %convert_element_type3A_283, %cond3A_284 : i32
      scf.if %cond3A_285 {
        %add3A_445 = arith.constant 6 : i32
        %add3A_446 = arith.addi %add3A_236, %add3A_445 : i32
        %dma_start3A_447 = arith.constant 2 : i32
        %dma_start3A_448 = arith.constant 2 : i32
        %dma_start3A_449 = arith.constant 0 : i32
        %dma_start3A_450 = arith.constant 0 : i32
        %dma_start3A_451 = tpu.memref_slice %arg8[%dma_start3A_447, %dma_start3A_449, %dma_start3A_450] : memref<6x128x16xf32, #tpu.memory_space<vmem>> -> memref<1x128x16xf32, #tpu.memory_space<vmem>>
        %dma_start3A_452 = tpu.memref_squeeze %dma_start3A_451 : memref<1x128x16xf32, #tpu.memory_space<vmem>> -> memref<128x16xf32, #tpu.memory_space<vmem>>
        %dma_start3A_453 = arith.constant 0 : i32
        %dma_start3A_454 = tpu.memref_slice %arg6[%add3A_446, %dma_start3A_453] : memref<79x128xi32, #tpu.memory_space<vmem>> -> memref<1x128xi32, #tpu.memory_space<vmem>>
        %dma_start3A_455 = tpu.memref_squeeze %dma_start3A_454 : memref<1x128xi32, #tpu.memory_space<vmem>> -> memref<128xi32, #tpu.memory_space<vmem>>
        %dma_start3A_456 = arith.constant 0 : i32
        %dma_start3A_457 = arith.constant 0 : i32
        %dma_start3A_458 = tpu.memref_slice %arg3[%dma_start3A_456, %dma_start3A_457] : memref<10000x16xf32, #tpu.memory_space<hbm>> -> memref<10000x16xf32, #tpu.memory_space<hbm>>
        %dma_start3A_459 = tpu.memref_slice %arg10[%dma_start3A_448] : memref<6x!tpu.dma_semaphore, #tpu.memory_space<semaphore_mem>> -> memref<1x!tpu.dma_semaphore, #tpu.memory_space<semaphore_mem>>
        %dma_start3A_460 = tpu.memref_squeeze %dma_start3A_459 : memref<1x!tpu.dma_semaphore, #tpu.memory_space<semaphore_mem>> -> memref<!tpu.dma_semaphore, #tpu.memory_space<semaphore_mem>>
        tpu.enqueue_indirect_dma source(%dma_start3A_458 : memref<10000x16xf32, #tpu.memory_space<hbm>>) target(%dma_start3A_452 : memref<128x16xf32, #tpu.memory_space<vmem>>) offsets(%dma_start3A_455 : memref<128xi32, #tpu.memory_space<vmem>>) semaphore(%dma_start3A_460 : memref<!tpu.dma_semaphore, #tpu.memory_space<semaphore_mem>>)
      } else {
      }
      %mul3A_286 = arith.constant 6 : i32
      %mul3A_287 = arith.muli %scan3A_127, %mul3A_286 : i32
      %add3A_288 = arith.constant 3 : i32
      %add3A_289 = arith.addi %mul3A_287, %add3A_288 : i32
      %dma_wait3A_290 = arith.constant 3 : i32
      %dma_wait3A_291 = arith.constant 3 : i32
      %dma_wait3A_292 = arith.constant 0 : i32
      %dma_wait3A_293 = arith.constant 0 : i32
      %dma_wait3A_294 = tpu.memref_slice %arg8[%dma_wait3A_290, %dma_wait3A_292, %dma_wait3A_293] : memref<6x128x16xf32, #tpu.memory_space<vmem>> -> memref<1x128x16xf32, #tpu.memory_space<vmem>>
      %dma_wait3A_295 = tpu.memref_squeeze %dma_wait3A_294 : memref<1x128x16xf32, #tpu.memory_space<vmem>> -> memref<128x16xf32, #tpu.memory_space<vmem>>
      %dma_wait3A_296 = arith.constant 0 : i32
      %dma_wait3A_297 = tpu.memref_slice %arg6[%add3A_289, %dma_wait3A_296] : memref<79x128xi32, #tpu.memory_space<vmem>> -> memref<1x128xi32, #tpu.memory_space<vmem>>
      %dma_wait3A_298 = tpu.memref_squeeze %dma_wait3A_297 : memref<1x128xi32, #tpu.memory_space<vmem>> -> memref<128xi32, #tpu.memory_space<vmem>>
      %dma_wait3A_299 = arith.constant 0 : i32
      %dma_wait3A_300 = arith.constant 0 : i32
      %dma_wait3A_301 = tpu.memref_slice %arg3[%dma_wait3A_299, %dma_wait3A_300] : memref<10000x16xf32, #tpu.memory_space<hbm>> -> memref<10000x16xf32, #tpu.memory_space<hbm>>
      %dma_wait3A_302 = tpu.memref_slice %arg10[%dma_wait3A_291] : memref<6x!tpu.dma_semaphore, #tpu.memory_space<semaphore_mem>> -> memref<1x!tpu.dma_semaphore, #tpu.memory_space<semaphore_mem>>
      %dma_wait3A_303 = tpu.memref_squeeze %dma_wait3A_302 : memref<1x!tpu.dma_semaphore, #tpu.memory_space<semaphore_mem>> -> memref<!tpu.dma_semaphore, #tpu.memory_space<semaphore_mem>>
      tpu.wait_indirect_dma semaphore(%dma_wait3A_303 : memref<!tpu.dma_semaphore, #tpu.memory_space<semaphore_mem>>) src(%dma_wait3A_301 : memref<10000x16xf32, #tpu.memory_space<hbm>>) dst(%dma_wait3A_295 : memref<128x16xf32, #tpu.memory_space<vmem>>)
      %dma_start3A_304 = arith.constant 3 : i32
      %dma_start3A_305 = arith.constant 3 : i32
      %dma_start3A_306 = arith.constant 0 : i32
      %dma_start3A_307 = arith.constant 0 : i32
      %dma_start3A_308 = tpu.memref_slice %arg8[%dma_start3A_304, %dma_start3A_306, %dma_start3A_307] : memref<6x128x16xf32, #tpu.memory_space<vmem>> -> memref<1x128x16xf32, #tpu.memory_space<vmem>>
      %dma_start3A_309 = tpu.memref_squeeze %dma_start3A_308 : memref<1x128x16xf32, #tpu.memory_space<vmem>> -> memref<128x16xf32, #tpu.memory_space<vmem>>
      %dma_start3A_310 = arith.constant 0 : i32
      %dma_start3A_311 = tpu.memref_slice %arg7[%add3A_289, %dma_start3A_310] : memref<79x128xi32, #tpu.memory_space<vmem>> -> memref<1x128xi32, #tpu.memory_space<vmem>>
      %dma_start3A_312 = tpu.memref_squeeze %dma_start3A_311 : memref<1x128xi32, #tpu.memory_space<vmem>> -> memref<128xi32, #tpu.memory_space<vmem>>
      %dma_start3A_313 = arith.constant 0 : i32
      %dma_start3A_314 = arith.constant 0 : i32
      %dma_start3A_315 = tpu.memref_slice %arg9[%dma_start3A_313, %dma_start3A_314] : memref<10000x16xf32, #tpu.memory_space<vmem_shared>> -> memref<10000x16xf32, #tpu.memory_space<vmem_shared>>
      %dma_start3A_316 = tpu.memref_slice %arg11[%dma_start3A_305] : memref<6x!tpu.dma_semaphore, #tpu.memory_space<semaphore_mem>> -> memref<1x!tpu.dma_semaphore, #tpu.memory_space<semaphore_mem>>
      %dma_start3A_317 = tpu.memref_squeeze %dma_start3A_316 : memref<1x!tpu.dma_semaphore, #tpu.memory_space<semaphore_mem>> -> memref<!tpu.dma_semaphore, #tpu.memory_space<semaphore_mem>>
      tpu.enqueue_indirect_dma source(%dma_start3A_309 : memref<128x16xf32, #tpu.memory_space<vmem>>) target(%dma_start3A_315 : memref<10000x16xf32, #tpu.memory_space<vmem_shared>>) offsets(%dma_start3A_312 : memref<128xi32, #tpu.memory_space<vmem>>) semaphore(%dma_start3A_317 : memref<!tpu.dma_semaphore, #tpu.memory_space<semaphore_mem>>) {add = true}
      %dma_wait3A_318 = arith.constant 3 : i32
      %dma_wait3A_319 = arith.constant 3 : i32
      %dma_wait3A_320 = arith.constant 0 : i32
      %dma_wait3A_321 = arith.constant 0 : i32
      %dma_wait3A_322 = tpu.memref_slice %arg8[%dma_wait3A_318, %dma_wait3A_320, %dma_wait3A_321] : memref<6x128x16xf32, #tpu.memory_space<vmem>> -> memref<1x128x16xf32, #tpu.memory_space<vmem>>
      %dma_wait3A_323 = tpu.memref_squeeze %dma_wait3A_322 : memref<1x128x16xf32, #tpu.memory_space<vmem>> -> memref<128x16xf32, #tpu.memory_space<vmem>>
      %dma_wait3A_324 = arith.constant 0 : i32
      %dma_wait3A_325 = tpu.memref_slice %arg7[%add3A_289, %dma_wait3A_324] : memref<79x128xi32, #tpu.memory_space<vmem>> -> memref<1x128xi32, #tpu.memory_space<vmem>>
      %dma_wait3A_326 = tpu.memref_squeeze %dma_wait3A_325 : memref<1x128xi32, #tpu.memory_space<vmem>> -> memref<128xi32, #tpu.memory_space<vmem>>
      %dma_wait3A_327 = arith.constant 0 : i32
      %dma_wait3A_328 = arith.constant 0 : i32
      %dma_wait3A_329 = tpu.memref_slice %arg9[%dma_wait3A_327, %dma_wait3A_328] : memref<10000x16xf32, #tpu.memory_space<vmem_shared>> -> memref<10000x16xf32, #tpu.memory_space<vmem_shared>>
      %dma_wait3A_330 = tpu.memref_slice %arg11[%dma_wait3A_319] : memref<6x!tpu.dma_semaphore, #tpu.memory_space<semaphore_mem>> -> memref<1x!tpu.dma_semaphore, #tpu.memory_space<semaphore_mem>>
      %dma_wait3A_331 = tpu.memref_squeeze %dma_wait3A_330 : memref<1x!tpu.dma_semaphore, #tpu.memory_space<semaphore_mem>> -> memref<!tpu.dma_semaphore, #tpu.memory_space<semaphore_mem>>
      tpu.wait_indirect_dma semaphore(%dma_wait3A_331 : memref<!tpu.dma_semaphore, #tpu.memory_space<semaphore_mem>>) src(%dma_wait3A_323 : memref<128x16xf32, #tpu.memory_space<vmem>>) dst(%dma_wait3A_329 : memref<10000x16xf32, #tpu.memory_space<vmem_shared>>)
      %add3A_332 = arith.constant 6 : i32
      %add3A_333 = arith.addi %add3A_289, %add3A_332 : i32
      %lt3A_334 = arith.constant 78 : i32
      %lt3A_335 = arith.cmpi slt, %add3A_333, %lt3A_334 : i32
      %convert_element_type3A_336 = arith.extui %lt3A_335 : i1 to i32
      %cond3A_337 = arith.constant 0 : i32
      %cond3A_338 = arith.cmpi ne, %convert_element_type3A_336, %cond3A_337 : i32
      scf.if %cond3A_338 {
        %add3A_445 = arith.constant 6 : i32
        %add3A_446 = arith.addi %add3A_289, %add3A_445 : i32
        %dma_start3A_447 = arith.constant 3 : i32
        %dma_start3A_448 = arith.constant 3 : i32
        %dma_start3A_449 = arith.constant 0 : i32
        %dma_start3A_450 = arith.constant 0 : i32
        %dma_start3A_451 = tpu.memref_slice %arg8[%dma_start3A_447, %dma_start3A_449, %dma_start3A_450] : memref<6x128x16xf32, #tpu.memory_space<vmem>> -> memref<1x128x16xf32, #tpu.memory_space<vmem>>
        %dma_start3A_452 = tpu.memref_squeeze %dma_start3A_451 : memref<1x128x16xf32, #tpu.memory_space<vmem>> -> memref<128x16xf32, #tpu.memory_space<vmem>>
        %dma_start3A_453 = arith.constant 0 : i32
        %dma_start3A_454 = tpu.memref_slice %arg6[%add3A_446, %dma_start3A_453] : memref<79x128xi32, #tpu.memory_space<vmem>> -> memref<1x128xi32, #tpu.memory_space<vmem>>
        %dma_start3A_455 = tpu.memref_squeeze %dma_start3A_454 : memref<1x128xi32, #tpu.memory_space<vmem>> -> memref<128xi32, #tpu.memory_space<vmem>>
        %dma_start3A_456 = arith.constant 0 : i32
        %dma_start3A_457 = arith.constant 0 : i32
        %dma_start3A_458 = tpu.memref_slice %arg3[%dma_start3A_456, %dma_start3A_457] : memref<10000x16xf32, #tpu.memory_space<hbm>> -> memref<10000x16xf32, #tpu.memory_space<hbm>>
        %dma_start3A_459 = tpu.memref_slice %arg10[%dma_start3A_448] : memref<6x!tpu.dma_semaphore, #tpu.memory_space<semaphore_mem>> -> memref<1x!tpu.dma_semaphore, #tpu.memory_space<semaphore_mem>>
        %dma_start3A_460 = tpu.memref_squeeze %dma_start3A_459 : memref<1x!tpu.dma_semaphore, #tpu.memory_space<semaphore_mem>> -> memref<!tpu.dma_semaphore, #tpu.memory_space<semaphore_mem>>
        tpu.enqueue_indirect_dma source(%dma_start3A_458 : memref<10000x16xf32, #tpu.memory_space<hbm>>) target(%dma_start3A_452 : memref<128x16xf32, #tpu.memory_space<vmem>>) offsets(%dma_start3A_455 : memref<128xi32, #tpu.memory_space<vmem>>) semaphore(%dma_start3A_460 : memref<!tpu.dma_semaphore, #tpu.memory_space<semaphore_mem>>)
      } else {
      }
      %mul3A_339 = arith.constant 6 : i32
      %mul3A_340 = arith.muli %scan3A_127, %mul3A_339 : i32
      %add3A_341 = arith.constant 4 : i32
      %add3A_342 = arith.addi %mul3A_340, %add3A_341 : i32
      %dma_wait3A_343 = arith.constant 4 : i32
      %dma_wait3A_344 = arith.constant 4 : i32
      %dma_wait3A_345 = arith.constant 0 : i32
      %dma_wait3A_346 = arith.constant 0 : i32
      %dma_wait3A_347 = tpu.memref_slice %arg8[%dma_wait3A_343, %dma_wait3A_345, %dma_wait3A_346] : memref<6x128x16xf32, #tpu.memory_space<vmem>> -> memref<1x128x16xf32, #tpu.memory_space<vmem>>
      %dma_wait3A_348 = tpu.memref_squeeze %dma_wait3A_347 : memref<1x128x16xf32, #tpu.memory_space<vmem>> -> memref<128x16xf32, #tpu.memory_space<vmem>>
      %dma_wait3A_349 = arith.constant 0 : i32
      %dma_wait3A_350 = tpu.memref_slice %arg6[%add3A_342, %dma_wait3A_349] : memref<79x128xi32, #tpu.memory_space<vmem>> -> memref<1x128xi32, #tpu.memory_space<vmem>>
      %dma_wait3A_351 = tpu.memref_squeeze %dma_wait3A_350 : memref<1x128xi32, #tpu.memory_space<vmem>> -> memref<128xi32, #tpu.memory_space<vmem>>
      %dma_wait3A_352 = arith.constant 0 : i32
      %dma_wait3A_353 = arith.constant 0 : i32
      %dma_wait3A_354 = tpu.memref_slice %arg3[%dma_wait3A_352, %dma_wait3A_353] : memref<10000x16xf32, #tpu.memory_space<hbm>> -> memref<10000x16xf32, #tpu.memory_space<hbm>>
      %dma_wait3A_355 = tpu.memref_slice %arg10[%dma_wait3A_344] : memref<6x!tpu.dma_semaphore, #tpu.memory_space<semaphore_mem>> -> memref<1x!tpu.dma_semaphore, #tpu.memory_space<semaphore_mem>>
      %dma_wait3A_356 = tpu.memref_squeeze %dma_wait3A_355 : memref<1x!tpu.dma_semaphore, #tpu.memory_space<semaphore_mem>> -> memref<!tpu.dma_semaphore, #tpu.memory_space<semaphore_mem>>
      tpu.wait_indirect_dma semaphore(%dma_wait3A_356 : memref<!tpu.dma_semaphore, #tpu.memory_space<semaphore_mem>>) src(%dma_wait3A_354 : memref<10000x16xf32, #tpu.memory_space<hbm>>) dst(%dma_wait3A_348 : memref<128x16xf32, #tpu.memory_space<vmem>>)
      %dma_start3A_357 = arith.constant 4 : i32
      %dma_start3A_358 = arith.constant 4 : i32
      %dma_start3A_359 = arith.constant 0 : i32
      %dma_start3A_360 = arith.constant 0 : i32
      %dma_start3A_361 = tpu.memref_slice %arg8[%dma_start3A_357, %dma_start3A_359, %dma_start3A_360] : memref<6x128x16xf32, #tpu.memory_space<vmem>> -> memref<1x128x16xf32, #tpu.memory_space<vmem>>
      %dma_start3A_362 = tpu.memref_squeeze %dma_start3A_361 : memref<1x128x16xf32, #tpu.memory_space<vmem>> -> memref<128x16xf32, #tpu.memory_space<vmem>>
      %dma_start3A_363 = arith.constant 0 : i32
      %dma_start3A_364 = tpu.memref_slice %arg7[%add3A_342, %dma_start3A_363] : memref<79x128xi32, #tpu.memory_space<vmem>> -> memref<1x128xi32, #tpu.memory_space<vmem>>
      %dma_start3A_365 = tpu.memref_squeeze %dma_start3A_364 : memref<1x128xi32, #tpu.memory_space<vmem>> -> memref<128xi32, #tpu.memory_space<vmem>>
      %dma_start3A_366 = arith.constant 0 : i32
      %dma_start3A_367 = arith.constant 0 : i32
      %dma_start3A_368 = tpu.memref_slice %arg9[%dma_start3A_366, %dma_start3A_367] : memref<10000x16xf32, #tpu.memory_space<vmem_shared>> -> memref<10000x16xf32, #tpu.memory_space<vmem_shared>>
      %dma_start3A_369 = tpu.memref_slice %arg11[%dma_start3A_358] : memref<6x!tpu.dma_semaphore, #tpu.memory_space<semaphore_mem>> -> memref<1x!tpu.dma_semaphore, #tpu.memory_space<semaphore_mem>>
      %dma_start3A_370 = tpu.memref_squeeze %dma_start3A_369 : memref<1x!tpu.dma_semaphore, #tpu.memory_space<semaphore_mem>> -> memref<!tpu.dma_semaphore, #tpu.memory_space<semaphore_mem>>
      tpu.enqueue_indirect_dma source(%dma_start3A_362 : memref<128x16xf32, #tpu.memory_space<vmem>>) target(%dma_start3A_368 : memref<10000x16xf32, #tpu.memory_space<vmem_shared>>) offsets(%dma_start3A_365 : memref<128xi32, #tpu.memory_space<vmem>>) semaphore(%dma_start3A_370 : memref<!tpu.dma_semaphore, #tpu.memory_space<semaphore_mem>>) {add = true}
      %dma_wait3A_371 = arith.constant 4 : i32
      %dma_wait3A_372 = arith.constant 4 : i32
      %dma_wait3A_373 = arith.constant 0 : i32
      %dma_wait3A_374 = arith.constant 0 : i32
      %dma_wait3A_375 = tpu.memref_slice %arg8[%dma_wait3A_371, %dma_wait3A_373, %dma_wait3A_374] : memref<6x128x16xf32, #tpu.memory_space<vmem>> -> memref<1x128x16xf32, #tpu.memory_space<vmem>>
      %dma_wait3A_376 = tpu.memref_squeeze %dma_wait3A_375 : memref<1x128x16xf32, #tpu.memory_space<vmem>> -> memref<128x16xf32, #tpu.memory_space<vmem>>
      %dma_wait3A_377 = arith.constant 0 : i32
      %dma_wait3A_378 = tpu.memref_slice %arg7[%add3A_342, %dma_wait3A_377] : memref<79x128xi32, #tpu.memory_space<vmem>> -> memref<1x128xi32, #tpu.memory_space<vmem>>
      %dma_wait3A_379 = tpu.memref_squeeze %dma_wait3A_378 : memref<1x128xi32, #tpu.memory_space<vmem>> -> memref<128xi32, #tpu.memory_space<vmem>>
      %dma_wait3A_380 = arith.constant 0 : i32
      %dma_wait3A_381 = arith.constant 0 : i32
      %dma_wait3A_382 = tpu.memref_slice %arg9[%dma_wait3A_380, %dma_wait3A_381] : memref<10000x16xf32, #tpu.memory_space<vmem_shared>> -> memref<10000x16xf32, #tpu.memory_space<vmem_shared>>
      %dma_wait3A_383 = tpu.memref_slice %arg11[%dma_wait3A_372] : memref<6x!tpu.dma_semaphore, #tpu.memory_space<semaphore_mem>> -> memref<1x!tpu.dma_semaphore, #tpu.memory_space<semaphore_mem>>
      %dma_wait3A_384 = tpu.memref_squeeze %dma_wait3A_383 : memref<1x!tpu.dma_semaphore, #tpu.memory_space<semaphore_mem>> -> memref<!tpu.dma_semaphore, #tpu.memory_space<semaphore_mem>>
      tpu.wait_indirect_dma semaphore(%dma_wait3A_384 : memref<!tpu.dma_semaphore, #tpu.memory_space<semaphore_mem>>) src(%dma_wait3A_376 : memref<128x16xf32, #tpu.memory_space<vmem>>) dst(%dma_wait3A_382 : memref<10000x16xf32, #tpu.memory_space<vmem_shared>>)
      %add3A_385 = arith.constant 6 : i32
      %add3A_386 = arith.addi %add3A_342, %add3A_385 : i32
      %lt3A_387 = arith.constant 78 : i32
      %lt3A_388 = arith.cmpi slt, %add3A_386, %lt3A_387 : i32
      %convert_element_type3A_389 = arith.extui %lt3A_388 : i1 to i32
      %cond3A_390 = arith.constant 0 : i32
      %cond3A_391 = arith.cmpi ne, %convert_element_type3A_389, %cond3A_390 : i32
      scf.if %cond3A_391 {
        %add3A_445 = arith.constant 6 : i32
        %add3A_446 = arith.addi %add3A_342, %add3A_445 : i32
        %dma_start3A_447 = arith.constant 4 : i32
        %dma_start3A_448 = arith.constant 4 : i32
        %dma_start3A_449 = arith.constant 0 : i32
        %dma_start3A_450 = arith.constant 0 : i32
        %dma_start3A_451 = tpu.memref_slice %arg8[%dma_start3A_447, %dma_start3A_449, %dma_start3A_450] : memref<6x128x16xf32, #tpu.memory_space<vmem>> -> memref<1x128x16xf32, #tpu.memory_space<vmem>>
        %dma_start3A_452 = tpu.memref_squeeze %dma_start3A_451 : memref<1x128x16xf32, #tpu.memory_space<vmem>> -> memref<128x16xf32, #tpu.memory_space<vmem>>
        %dma_start3A_453 = arith.constant 0 : i32
        %dma_start3A_454 = tpu.memref_slice %arg6[%add3A_446, %dma_start3A_453] : memref<79x128xi32, #tpu.memory_space<vmem>> -> memref<1x128xi32, #tpu.memory_space<vmem>>
        %dma_start3A_455 = tpu.memref_squeeze %dma_start3A_454 : memref<1x128xi32, #tpu.memory_space<vmem>> -> memref<128xi32, #tpu.memory_space<vmem>>
        %dma_start3A_456 = arith.constant 0 : i32
        %dma_start3A_457 = arith.constant 0 : i32
        %dma_start3A_458 = tpu.memref_slice %arg3[%dma_start3A_456, %dma_start3A_457] : memref<10000x16xf32, #tpu.memory_space<hbm>> -> memref<10000x16xf32, #tpu.memory_space<hbm>>
        %dma_start3A_459 = tpu.memref_slice %arg10[%dma_start3A_448] : memref<6x!tpu.dma_semaphore, #tpu.memory_space<semaphore_mem>> -> memref<1x!tpu.dma_semaphore, #tpu.memory_space<semaphore_mem>>
        %dma_start3A_460 = tpu.memref_squeeze %dma_start3A_459 : memref<1x!tpu.dma_semaphore, #tpu.memory_space<semaphore_mem>> -> memref<!tpu.dma_semaphore, #tpu.memory_space<semaphore_mem>>
        tpu.enqueue_indirect_dma source(%dma_start3A_458 : memref<10000x16xf32, #tpu.memory_space<hbm>>) target(%dma_start3A_452 : memref<128x16xf32, #tpu.memory_space<vmem>>) offsets(%dma_start3A_455 : memref<128xi32, #tpu.memory_space<vmem>>) semaphore(%dma_start3A_460 : memref<!tpu.dma_semaphore, #tpu.memory_space<semaphore_mem>>)
      } else {
      }
      %mul3A_392 = arith.constant 6 : i32
      %mul3A_393 = arith.muli %scan3A_127, %mul3A_392 : i32
      %add3A_394 = arith.constant 5 : i32
      %add3A_395 = arith.addi %mul3A_393, %add3A_394 : i32
      %dma_wait3A_396 = arith.constant 5 : i32
      %dma_wait3A_397 = arith.constant 5 : i32
      %dma_wait3A_398 = arith.constant 0 : i32
      %dma_wait3A_399 = arith.constant 0 : i32
      %dma_wait3A_400 = tpu.memref_slice %arg8[%dma_wait3A_396, %dma_wait3A_398, %dma_wait3A_399] : memref<6x128x16xf32, #tpu.memory_space<vmem>> -> memref<1x128x16xf32, #tpu.memory_space<vmem>>
      %dma_wait3A_401 = tpu.memref_squeeze %dma_wait3A_400 : memref<1x128x16xf32, #tpu.memory_space<vmem>> -> memref<128x16xf32, #tpu.memory_space<vmem>>
      %dma_wait3A_402 = arith.constant 0 : i32
      %dma_wait3A_403 = tpu.memref_slice %arg6[%add3A_395, %dma_wait3A_402] : memref<79x128xi32, #tpu.memory_space<vmem>> -> memref<1x128xi32, #tpu.memory_space<vmem>>
      %dma_wait3A_404 = tpu.memref_squeeze %dma_wait3A_403 : memref<1x128xi32, #tpu.memory_space<vmem>> -> memref<128xi32, #tpu.memory_space<vmem>>
      %dma_wait3A_405 = arith.constant 0 : i32
      %dma_wait3A_406 = arith.constant 0 : i32
      %dma_wait3A_407 = tpu.memref_slice %arg3[%dma_wait3A_405, %dma_wait3A_406] : memref<10000x16xf32, #tpu.memory_space<hbm>> -> memref<10000x16xf32, #tpu.memory_space<hbm>>
      %dma_wait3A_408 = tpu.memref_slice %arg10[%dma_wait3A_397] : memref<6x!tpu.dma_semaphore, #tpu.memory_space<semaphore_mem>> -> memref<1x!tpu.dma_semaphore, #tpu.memory_space<semaphore_mem>>
      %dma_wait3A_409 = tpu.memref_squeeze %dma_wait3A_408 : memref<1x!tpu.dma_semaphore, #tpu.memory_space<semaphore_mem>> -> memref<!tpu.dma_semaphore, #tpu.memory_space<semaphore_mem>>
      tpu.wait_indirect_dma semaphore(%dma_wait3A_409 : memref<!tpu.dma_semaphore, #tpu.memory_space<semaphore_mem>>) src(%dma_wait3A_407 : memref<10000x16xf32, #tpu.memory_space<hbm>>) dst(%dma_wait3A_401 : memref<128x16xf32, #tpu.memory_space<vmem>>)
      %dma_start3A_410 = arith.constant 5 : i32
      %dma_start3A_411 = arith.constant 5 : i32
      %dma_start3A_412 = arith.constant 0 : i32
      %dma_start3A_413 = arith.constant 0 : i32
      %dma_start3A_414 = tpu.memref_slice %arg8[%dma_start3A_410, %dma_start3A_412, %dma_start3A_413] : memref<6x128x16xf32, #tpu.memory_space<vmem>> -> memref<1x128x16xf32, #tpu.memory_space<vmem>>
      %dma_start3A_415 = tpu.memref_squeeze %dma_start3A_414 : memref<1x128x16xf32, #tpu.memory_space<vmem>> -> memref<128x16xf32, #tpu.memory_space<vmem>>
      %dma_start3A_416 = arith.constant 0 : i32
      %dma_start3A_417 = tpu.memref_slice %arg7[%add3A_395, %dma_start3A_416] : memref<79x128xi32, #tpu.memory_space<vmem>> -> memref<1x128xi32, #tpu.memory_space<vmem>>
      %dma_start3A_418 = tpu.memref_squeeze %dma_start3A_417 : memref<1x128xi32, #tpu.memory_space<vmem>> -> memref<128xi32, #tpu.memory_space<vmem>>
      %dma_start3A_419 = arith.constant 0 : i32
      %dma_start3A_420 = arith.constant 0 : i32
      %dma_start3A_421 = tpu.memref_slice %arg9[%dma_start3A_419, %dma_start3A_420] : memref<10000x16xf32, #tpu.memory_space<vmem_shared>> -> memref<10000x16xf32, #tpu.memory_space<vmem_shared>>
      %dma_start3A_422 = tpu.memref_slice %arg11[%dma_start3A_411] : memref<6x!tpu.dma_semaphore, #tpu.memory_space<semaphore_mem>> -> memref<1x!tpu.dma_semaphore, #tpu.memory_space<semaphore_mem>>
      %dma_start3A_423 = tpu.memref_squeeze %dma_start3A_422 : memref<1x!tpu.dma_semaphore, #tpu.memory_space<semaphore_mem>> -> memref<!tpu.dma_semaphore, #tpu.memory_space<semaphore_mem>>
      tpu.enqueue_indirect_dma source(%dma_start3A_415 : memref<128x16xf32, #tpu.memory_space<vmem>>) target(%dma_start3A_421 : memref<10000x16xf32, #tpu.memory_space<vmem_shared>>) offsets(%dma_start3A_418 : memref<128xi32, #tpu.memory_space<vmem>>) semaphore(%dma_start3A_423 : memref<!tpu.dma_semaphore, #tpu.memory_space<semaphore_mem>>) {add = true}
      %dma_wait3A_424 = arith.constant 5 : i32
      %dma_wait3A_425 = arith.constant 5 : i32
      %dma_wait3A_426 = arith.constant 0 : i32
      %dma_wait3A_427 = arith.constant 0 : i32
      %dma_wait3A_428 = tpu.memref_slice %arg8[%dma_wait3A_424, %dma_wait3A_426, %dma_wait3A_427] : memref<6x128x16xf32, #tpu.memory_space<vmem>> -> memref<1x128x16xf32, #tpu.memory_space<vmem>>
      %dma_wait3A_429 = tpu.memref_squeeze %dma_wait3A_428 : memref<1x128x16xf32, #tpu.memory_space<vmem>> -> memref<128x16xf32, #tpu.memory_space<vmem>>
      %dma_wait3A_430 = arith.constant 0 : i32
      %dma_wait3A_431 = tpu.memref_slice %arg7[%add3A_395, %dma_wait3A_430] : memref<79x128xi32, #tpu.memory_space<vmem>> -> memref<1x128xi32, #tpu.memory_space<vmem>>
      %dma_wait3A_432 = tpu.memref_squeeze %dma_wait3A_431 : memref<1x128xi32, #tpu.memory_space<vmem>> -> memref<128xi32, #tpu.memory_space<vmem>>
      %dma_wait3A_433 = arith.constant 0 : i32
      %dma_wait3A_434 = arith.constant 0 : i32
      %dma_wait3A_435 = tpu.memref_slice %arg9[%dma_wait3A_433, %dma_wait3A_434] : memref<10000x16xf32, #tpu.memory_space<vmem_shared>> -> memref<10000x16xf32, #tpu.memory_space<vmem_shared>>
      %dma_wait3A_436 = tpu.memref_slice %arg11[%dma_wait3A_425] : memref<6x!tpu.dma_semaphore, #tpu.memory_space<semaphore_mem>> -> memref<1x!tpu.dma_semaphore, #tpu.memory_space<semaphore_mem>>
      %dma_wait3A_437 = tpu.memref_squeeze %dma_wait3A_436 : memref<1x!tpu.dma_semaphore, #tpu.memory_space<semaphore_mem>> -> memref<!tpu.dma_semaphore, #tpu.memory_space<semaphore_mem>>
      tpu.wait_indirect_dma semaphore(%dma_wait3A_437 : memref<!tpu.dma_semaphore, #tpu.memory_space<semaphore_mem>>) src(%dma_wait3A_429 : memref<128x16xf32, #tpu.memory_space<vmem>>) dst(%dma_wait3A_435 : memref<10000x16xf32, #tpu.memory_space<vmem_shared>>)
      %add3A_438 = arith.constant 6 : i32
      %add3A_439 = arith.addi %add3A_395, %add3A_438 : i32
      %lt3A_440 = arith.constant 78 : i32
      %lt3A_441 = arith.cmpi slt, %add3A_439, %lt3A_440 : i32
      %convert_element_type3A_442 = arith.extui %lt3A_441 : i1 to i32
      %cond3A_443 = arith.constant 0 : i32
      %cond3A_444 = arith.cmpi ne, %convert_element_type3A_442, %cond3A_443 : i32
      scf.if %cond3A_444 {
        %add3A_445 = arith.constant 6 : i32
        %add3A_446 = arith.addi %add3A_395, %add3A_445 : i32
        %dma_start3A_447 = arith.constant 5 : i32
        %dma_start3A_448 = arith.constant 5 : i32
        %dma_start3A_449 = arith.constant 0 : i32
        %dma_start3A_450 = arith.constant 0 : i32
        %dma_start3A_451 = tpu.memref_slice %arg8[%dma_start3A_447, %dma_start3A_449, %dma_start3A_450] : memref<6x128x16xf32, #tpu.memory_space<vmem>> -> memref<1x128x16xf32, #tpu.memory_space<vmem>>
        %dma_start3A_452 = tpu.memref_squeeze %dma_start3A_451 : memref<1x128x16xf32, #tpu.memory_space<vmem>> -> memref<128x16xf32, #tpu.memory_space<vmem>>
        %dma_start3A_453 = arith.constant 0 : i32
        %dma_start3A_454 = tpu.memref_slice %arg6[%add3A_446, %dma_start3A_453] : memref<79x128xi32, #tpu.memory_space<vmem>> -> memref<1x128xi32, #tpu.memory_space<vmem>>
        %dma_start3A_455 = tpu.memref_squeeze %dma_start3A_454 : memref<1x128xi32, #tpu.memory_space<vmem>> -> memref<128xi32, #tpu.memory_space<vmem>>
        %dma_start3A_456 = arith.constant 0 : i32
        %dma_start3A_457 = arith.constant 0 : i32
        %dma_start3A_458 = tpu.memref_slice %arg3[%dma_start3A_456, %dma_start3A_457] : memref<10000x16xf32, #tpu.memory_space<hbm>> -> memref<10000x16xf32, #tpu.memory_space<hbm>>
        %dma_start3A_459 = tpu.memref_slice %arg10[%dma_start3A_448] : memref<6x!tpu.dma_semaphore, #tpu.memory_space<semaphore_mem>> -> memref<1x!tpu.dma_semaphore, #tpu.memory_space<semaphore_mem>>
        %dma_start3A_460 = tpu.memref_squeeze %dma_start3A_459 : memref<1x!tpu.dma_semaphore, #tpu.memory_space<semaphore_mem>> -> memref<!tpu.dma_semaphore, #tpu.memory_space<semaphore_mem>>
        tpu.enqueue_indirect_dma source(%dma_start3A_458 : memref<10000x16xf32, #tpu.memory_space<hbm>>) target(%dma_start3A_452 : memref<128x16xf32, #tpu.memory_space<vmem>>) offsets(%dma_start3A_455 : memref<128xi32, #tpu.memory_space<vmem>>) semaphore(%dma_start3A_460 : memref<!tpu.dma_semaphore, #tpu.memory_space<semaphore_mem>>)
      } else {
      }
    }
    %scan3A_110 = arith.constant 13 : i32
    %lt3A_111 = arith.constant 4 : i32
    %lt3A_112 = arith.cmpi slt, %add3A, %lt3A_111 : i32
    %convert_element_type3A_113 = arith.extui %lt3A_112 : i1 to i32
    %cond3A_114 = arith.constant 0 : i32
    %cond3A_115 = arith.cmpi ne, %convert_element_type3A_113, %cond3A_114 : i32
    scf.if %cond3A_115 {
      %dma_start3A_127 = arith.constant 78 : i32
      %dma_start3A_128 = arith.constant 0 : i32
      %dma_start3A_129 = arith.constant 0 : i32
      %dma_start3A_130 = arith.constant 0 : i32
      %dma_start3A_131 = arith.constant 0 : i32
      %dma_start3A_132 = tpu.memref_slice %arg8[%dma_start3A_128, %dma_start3A_130, %dma_start3A_131] : memref<6x128x16xf32, #tpu.memory_space<vmem>> -> memref<1x128x16xf32, #tpu.memory_space<vmem>>
      %dma_start3A_133 = tpu.memref_squeeze %dma_start3A_132 : memref<1x128x16xf32, #tpu.memory_space<vmem>> -> memref<128x16xf32, #tpu.memory_space<vmem>>
      %dma_start3A_134 = arith.constant 0 : i32
      %dma_start3A_135 = tpu.memref_slice %arg6[%dma_start3A_127, %dma_start3A_134] : memref<79x128xi32, #tpu.memory_space<vmem>> -> memref<1x128xi32, #tpu.memory_space<vmem>>
      %dma_start3A_136 = tpu.memref_squeeze %dma_start3A_135 : memref<1x128xi32, #tpu.memory_space<vmem>> -> memref<128xi32, #tpu.memory_space<vmem>>
      %dma_start3A_137 = arith.constant 0 : i32
      %dma_start3A_138 = arith.constant 0 : i32
      %dma_start3A_139 = tpu.memref_slice %arg3[%dma_start3A_137, %dma_start3A_138] : memref<10000x16xf32, #tpu.memory_space<hbm>> -> memref<10000x16xf32, #tpu.memory_space<hbm>>
      %dma_start3A_140 = tpu.memref_slice %arg10[%dma_start3A_129] : memref<6x!tpu.dma_semaphore, #tpu.memory_space<semaphore_mem>> -> memref<1x!tpu.dma_semaphore, #tpu.memory_space<semaphore_mem>>
      %dma_start3A_141 = tpu.memref_squeeze %dma_start3A_140 : memref<1x!tpu.dma_semaphore, #tpu.memory_space<semaphore_mem>> -> memref<!tpu.dma_semaphore, #tpu.memory_space<semaphore_mem>>
      tpu.enqueue_indirect_dma source(%dma_start3A_139 : memref<10000x16xf32, #tpu.memory_space<hbm>>) target(%dma_start3A_133 : memref<128x16xf32, #tpu.memory_space<vmem>>) offsets(%dma_start3A_136 : memref<128xi32, #tpu.memory_space<vmem>>) semaphore(%dma_start3A_141 : memref<!tpu.dma_semaphore, #tpu.memory_space<semaphore_mem>>)
      %dma_wait3A = arith.constant 78 : i32
      %dma_wait3A_142 = arith.constant 0 : i32
      %dma_wait3A_143 = arith.constant 0 : i32
      %dma_wait3A_144 = arith.constant 0 : i32
      %dma_wait3A_145 = arith.constant 0 : i32
      %dma_wait3A_146 = tpu.memref_slice %arg8[%dma_wait3A_142, %dma_wait3A_144, %dma_wait3A_145] : memref<6x128x16xf32, #tpu.memory_space<vmem>> -> memref<1x128x16xf32, #tpu.memory_space<vmem>>
      %dma_wait3A_147 = tpu.memref_squeeze %dma_wait3A_146 : memref<1x128x16xf32, #tpu.memory_space<vmem>> -> memref<128x16xf32, #tpu.memory_space<vmem>>
      %dma_wait3A_148 = arith.constant 0 : i32
      %dma_wait3A_149 = tpu.memref_slice %arg6[%dma_wait3A, %dma_wait3A_148] : memref<79x128xi32, #tpu.memory_space<vmem>> -> memref<1x128xi32, #tpu.memory_space<vmem>>
      %dma_wait3A_150 = tpu.memref_squeeze %dma_wait3A_149 : memref<1x128xi32, #tpu.memory_space<vmem>> -> memref<128xi32, #tpu.memory_space<vmem>>
      %dma_wait3A_151 = arith.constant 0 : i32
      %dma_wait3A_152 = arith.constant 0 : i32
      %dma_wait3A_153 = tpu.memref_slice %arg3[%dma_wait3A_151, %dma_wait3A_152] : memref<10000x16xf32, #tpu.memory_space<hbm>> -> memref<10000x16xf32, #tpu.memory_space<hbm>>
      %dma_wait3A_154 = tpu.memref_slice %arg10[%dma_wait3A_143] : memref<6x!tpu.dma_semaphore, #tpu.memory_space<semaphore_mem>> -> memref<1x!tpu.dma_semaphore, #tpu.memory_space<semaphore_mem>>
      %dma_wait3A_155 = tpu.memref_squeeze %dma_wait3A_154 : memref<1x!tpu.dma_semaphore, #tpu.memory_space<semaphore_mem>> -> memref<!tpu.dma_semaphore, #tpu.memory_space<semaphore_mem>>
      tpu.wait_indirect_dma semaphore(%dma_wait3A_155 : memref<!tpu.dma_semaphore, #tpu.memory_space<semaphore_mem>>) src(%dma_wait3A_153 : memref<10000x16xf32, #tpu.memory_space<hbm>>) dst(%dma_wait3A_147 : memref<128x16xf32, #tpu.memory_space<vmem>>)
      %dma_start3A_156 = arith.constant 0 : i32
      %dma_start3A_157 = arith.constant 78 : i32
      %dma_start3A_158 = arith.constant 0 : i32
      %dma_start3A_159 = arith.constant 0 : i32
      %dma_start3A_160 = arith.constant 0 : i32
      %dma_start3A_161 = tpu.memref_slice %arg8[%dma_start3A_156, %dma_start3A_159, %dma_start3A_160] : memref<6x128x16xf32, #tpu.memory_space<vmem>> -> memref<1x128x16xf32, #tpu.memory_space<vmem>>
      %dma_start3A_162 = tpu.memref_squeeze %dma_start3A_161 : memref<1x128x16xf32, #tpu.memory_space<vmem>> -> memref<128x16xf32, #tpu.memory_space<vmem>>
      %dma_start3A_163 = arith.constant 0 : i32
      %dma_start3A_164 = tpu.memref_slice %arg7[%dma_start3A_157, %dma_start3A_163] : memref<79x128xi32, #tpu.memory_space<vmem>> -> memref<1x128xi32, #tpu.memory_space<vmem>>
      %dma_start3A_165 = tpu.memref_squeeze %dma_start3A_164 : memref<1x128xi32, #tpu.memory_space<vmem>> -> memref<128xi32, #tpu.memory_space<vmem>>
      %dma_start3A_166 = arith.constant 0 : i32
      %dma_start3A_167 = arith.constant 0 : i32
      %dma_start3A_168 = tpu.memref_slice %arg9[%dma_start3A_166, %dma_start3A_167] : memref<10000x16xf32, #tpu.memory_space<vmem_shared>> -> memref<10000x16xf32, #tpu.memory_space<vmem_shared>>
      %dma_start3A_169 = tpu.memref_slice %arg11[%dma_start3A_158] : memref<6x!tpu.dma_semaphore, #tpu.memory_space<semaphore_mem>> -> memref<1x!tpu.dma_semaphore, #tpu.memory_space<semaphore_mem>>
      %dma_start3A_170 = tpu.memref_squeeze %dma_start3A_169 : memref<1x!tpu.dma_semaphore, #tpu.memory_space<semaphore_mem>> -> memref<!tpu.dma_semaphore, #tpu.memory_space<semaphore_mem>>
      tpu.enqueue_indirect_dma source(%dma_start3A_162 : memref<128x16xf32, #tpu.memory_space<vmem>>) target(%dma_start3A_168 : memref<10000x16xf32, #tpu.memory_space<vmem_shared>>) offsets(%dma_start3A_165 : memref<128xi32, #tpu.memory_space<vmem>>) semaphore(%dma_start3A_170 : memref<!tpu.dma_semaphore, #tpu.memory_space<semaphore_mem>>) {add = true}
      %dma_wait3A_171 = arith.constant 0 : i32
      %dma_wait3A_172 = arith.constant 78 : i32
      %dma_wait3A_173 = arith.constant 0 : i32
      %dma_wait3A_174 = arith.constant 0 : i32
      %dma_wait3A_175 = arith.constant 0 : i32
      %dma_wait3A_176 = tpu.memref_slice %arg8[%dma_wait3A_171, %dma_wait3A_174, %dma_wait3A_175] : memref<6x128x16xf32, #tpu.memory_space<vmem>> -> memref<1x128x16xf32, #tpu.memory_space<vmem>>
      %dma_wait3A_177 = tpu.memref_squeeze %dma_wait3A_176 : memref<1x128x16xf32, #tpu.memory_space<vmem>> -> memref<128x16xf32, #tpu.memory_space<vmem>>
      %dma_wait3A_178 = arith.constant 0 : i32
      %dma_wait3A_179 = tpu.memref_slice %arg7[%dma_wait3A_172, %dma_wait3A_178] : memref<79x128xi32, #tpu.memory_space<vmem>> -> memref<1x128xi32, #tpu.memory_space<vmem>>
      %dma_wait3A_180 = tpu.memref_squeeze %dma_wait3A_179 : memref<1x128xi32, #tpu.memory_space<vmem>> -> memref<128xi32, #tpu.memory_space<vmem>>
      %dma_wait3A_181 = arith.constant 0 : i32
      %dma_wait3A_182 = arith.constant 0 : i32
      %dma_wait3A_183 = tpu.memref_slice %arg9[%dma_wait3A_181, %dma_wait3A_182] : memref<10000x16xf32, #tpu.memory_space<vmem_shared>> -> memref<10000x16xf32, #tpu.memory_space<vmem_shared>>
      %dma_wait3A_184 = tpu.memref_slice %arg11[%dma_wait3A_173] : memref<6x!tpu.dma_semaphore, #tpu.memory_space<semaphore_mem>> -> memref<1x!tpu.dma_semaphore, #tpu.memory_space<semaphore_mem>>
      %dma_wait3A_185 = tpu.memref_squeeze %dma_wait3A_184 : memref<1x!tpu.dma_semaphore, #tpu.memory_space<semaphore_mem>> -> memref<!tpu.dma_semaphore, #tpu.memory_space<semaphore_mem>>
      tpu.wait_indirect_dma semaphore(%dma_wait3A_185 : memref<!tpu.dma_semaphore, #tpu.memory_space<semaphore_mem>>) src(%dma_wait3A_177 : memref<128x16xf32, #tpu.memory_space<vmem>>) dst(%dma_wait3A_183 : memref<10000x16xf32, #tpu.memory_space<vmem_shared>>)
    } else {
    }
    %barrier3A_116 = arith.constant 0 : index
    tpu.barrier barrier_id(%barrier3A_116)
    %lt3A_117 = arith.constant 15 : i32
    %lt3A_118 = arith.cmpi slt, %arg1, %lt3A_117 : i32
    %convert_element_type3A_119 = arith.extui %lt3A_118 : i1 to i32
    %cond3A_120 = arith.constant 0 : i32
    %cond3A_121 = arith.cmpi ne, %convert_element_type3A_119, %cond3A_120 : i32
    scf.if %cond3A_121 {
      "tpu.region"() ({
        %run_scoped3A_127 = tpu.sem_alloc : memref<!tpu.dma_semaphore, #tpu.memory_space<semaphore_mem>>
        %dma_start3A_128 = arith.constant 0 : i32
        %dma_start3A_129 = tpu.memref_slice %arg5[%arg0, %multiple_of3A, %dma_start3A_128] : memref<2x10000x16xf32, #tpu.memory_space<hbm>> -> memref<1x624x16xf32, #tpu.memory_space<hbm>>
        %dma_start3A_130 = tpu.memref_squeeze %dma_start3A_129 : memref<1x624x16xf32, #tpu.memory_space<hbm>> -> memref<624x16xf32, #tpu.memory_space<hbm>>
        %dma_start3A_131 = arith.constant 0 : i32
        %dma_start3A_132 = tpu.memref_slice %arg9[%multiple_of3A, %dma_start3A_131] : memref<10000x16xf32, #tpu.memory_space<vmem_shared>> -> memref<624x16xf32, #tpu.memory_space<vmem_shared>>
        tpu.enqueue_dma source(%dma_start3A_132 : memref<624x16xf32, #tpu.memory_space<vmem_shared>>) target(%dma_start3A_130 : memref<624x16xf32, #tpu.memory_space<hbm>>) target_semaphore(%run_scoped3A_127 : memref<!tpu.dma_semaphore, #tpu.memory_space<semaphore_mem>>)
        %dma_wait3A = arith.constant 0 : i32
        %dma_wait3A_133 = tpu.memref_slice %arg5[%arg0, %multiple_of3A, %dma_wait3A] : memref<2x10000x16xf32, #tpu.memory_space<hbm>> -> memref<1x624x16xf32, #tpu.memory_space<hbm>>
        %dma_wait3A_134 = tpu.memref_squeeze %dma_wait3A_133 : memref<1x624x16xf32, #tpu.memory_space<hbm>> -> memref<624x16xf32, #tpu.memory_space<hbm>>
        %dma_wait3A_135 = arith.constant 0 : i32
        %dma_wait3A_136 = tpu.memref_slice %arg9[%multiple_of3A, %dma_wait3A_135] : memref<10000x16xf32, #tpu.memory_space<vmem_shared>> -> memref<624x16xf32, #tpu.memory_space<vmem_shared>>
        tpu.wait_dma2 semaphore(%run_scoped3A_127 : memref<!tpu.dma_semaphore, #tpu.memory_space<semaphore_mem>>) src(%dma_wait3A_136 : memref<624x16xf32, #tpu.memory_space<vmem_shared>>) dst(%dma_wait3A_134 : memref<624x16xf32, #tpu.memory_space<hbm>>)
        tpu.yield
      }) : () -> ()
    } else {
    }
    %eq3A_122 = arith.constant 15 : i32
    %eq3A_123 = arith.cmpi eq, %arg1, %eq3A_122 : i32
    %convert_element_type3A_124 = arith.extui %eq3A_123 : i1 to i32
    %cond3A_125 = arith.constant 0 : i32
    %cond3A_126 = arith.cmpi ne, %convert_element_type3A_124, %cond3A_125 : i32
    scf.if %cond3A_126 {
      "tpu.region"() ({
        %run_scoped3A_127 = tpu.sem_alloc : memref<!tpu.dma_semaphore, #tpu.memory_space<semaphore_mem>>
        %dma_start3A_128 = arith.constant 9360 : i32
        %dma_start3A_129 = arith.constant 0 : i32
        %dma_start3A_130 = tpu.memref_slice %arg5[%arg0, %dma_start3A_128, %dma_start3A_129] : memref<2x10000x16xf32, #tpu.memory_space<hbm>> -> memref<1x640x16xf32, #tpu.memory_space<hbm>>
        %dma_start3A_131 = tpu.memref_squeeze %dma_start3A_130 : memref<1x640x16xf32, #tpu.memory_space<hbm>> -> memref<640x16xf32, #tpu.memory_space<hbm>>
        %dma_start3A_132 = arith.constant 9360 : i32
        %dma_start3A_133 = arith.constant 0 : i32
        %dma_start3A_134 = tpu.memref_slice %arg9[%dma_start3A_132, %dma_start3A_133] : memref<10000x16xf32, #tpu.memory_space<vmem_shared>> -> memref<640x16xf32, #tpu.memory_space<vmem_shared>>
        tpu.enqueue_dma source(%dma_start3A_134 : memref<640x16xf32, #tpu.memory_space<vmem_shared>>) target(%dma_start3A_131 : memref<640x16xf32, #tpu.memory_space<hbm>>) target_semaphore(%run_scoped3A_127 : memref<!tpu.dma_semaphore, #tpu.memory_space<semaphore_mem>>)
        %dma_wait3A = arith.constant 9360 : i32
        %dma_wait3A_135 = arith.constant 0 : i32
        %dma_wait3A_136 = tpu.memref_slice %arg5[%arg0, %dma_wait3A, %dma_wait3A_135] : memref<2x10000x16xf32, #tpu.memory_space<hbm>> -> memref<1x640x16xf32, #tpu.memory_space<hbm>>
        %dma_wait3A_137 = tpu.memref_squeeze %dma_wait3A_136 : memref<1x640x16xf32, #tpu.memory_space<hbm>> -> memref<640x16xf32, #tpu.memory_space<hbm>>
        %dma_wait3A_138 = arith.constant 9360 : i32
        %dma_wait3A_139 = arith.constant 0 : i32
        %dma_wait3A_140 = tpu.memref_slice %arg9[%dma_wait3A_138, %dma_wait3A_139] : memref<10000x16xf32, #tpu.memory_space<vmem_shared>> -> memref<640x16xf32, #tpu.memory_space<vmem_shared>>
        tpu.wait_dma2 semaphore(%run_scoped3A_127 : memref<!tpu.dma_semaphore, #tpu.memory_space<semaphore_mem>>) src(%dma_wait3A_140 : memref<640x16xf32, #tpu.memory_space<vmem_shared>>) dst(%dma_wait3A_137 : memref<640x16xf32, #tpu.memory_space<hbm>>)
        tpu.yield
      }) : () -> ()
    } else {
    }
    return
  }
}

#map = affine_map<(d0, d1) -> (0, 0, 0)>
#map1 = affine_map<(d0, d1) -> (0, 0)>
module attributes {stable_mosaic.version = 14 : i64} {
  func.func @scatter(%arg0: i32, %arg1: i32, %arg2: memref<2x2500x128xi32, #tpu.memory_space<hbm>>, %arg3: memref<10000x64xf32, #tpu.memory_space<hbm>>, %arg4: memref<10000x64xf32, #tpu.memory_space<hbm>>, %arg5: memref<2x10000x64xf32, #tpu.memory_space<hbm>>, %arg6: memref<79x128xi32, #tpu.memory_space<vmem>>, %arg7: memref<79x128xi32, #tpu.memory_space<vmem>>, %arg8: memref<6x128x64xf32, #tpu.memory_space<vmem>>, %arg9: memref<10000x64xf32, #tpu.memory_space<vmem_shared>>, %arg10: memref<6x!tpu.dma_semaphore, #tpu.memory_space<semaphore_mem>>, %arg11: memref<6x!tpu.dma_semaphore, #tpu.memory_space<semaphore_mem>>) attributes {dimension_semantics = [#tpu.dimension_semantics<core_parallel>, #tpu.dimension_semantics<subcore_parallel>], iteration_bounds = array<i64: 2, 16>, scalar_prefetch = 0 : i64, scratch_operands = 6 : i64, tpu.core_type = #tpu.core_type<sc_vector_subcore>, window_params = [{transform_indices = #map}, {transform_indices = #map1}, {transform_indices = #map1}, {transform_indices = #map}]} {
    %mul3A = arith.constant 2 : i32
    %mul3A_0 = arith.muli %arg1, %mul3A : i32
    %add3A = arith.addi %mul3A_0, %arg0 : i32
    %mul3A_1 = arith.constant 624 : i32
    %mul3A_2 = arith.muli %arg1, %mul3A_1 : i32
    %multiple_of3A = tpu.assume_multiple %mul3A_2, 8 : i32
    %mul3A_3 = arith.constant 78 : i32
    %mul3A_4 = arith.muli %add3A, %mul3A_3 : i32
    %run_scoped3A = arith.constant 0 : i32
    "tpu.region"() ({
      %run_scoped3A_127 = tpu.sem_alloc : memref<!tpu.dma_semaphore, #tpu.memory_space<semaphore_mem>>
      %dma_start3A_128 = arith.constant 0 : i32
      %dma_start3A_129 = arith.constant 0 : i32
      %dma_start3A_130 = tpu.memref_slice %arg6[%dma_start3A_128, %dma_start3A_129] : memref<79x128xi32, #tpu.memory_space<vmem>> -> memref<78x128xi32, #tpu.memory_space<vmem>>
      %dma_start3A_131 = arith.constant 0 : i32
      %dma_start3A_132 = tpu.memref_slice %arg2[%run_scoped3A, %mul3A_4, %dma_start3A_131] : memref<2x2500x128xi32, #tpu.memory_space<hbm>> -> memref<1x78x128xi32, #tpu.memory_space<hbm>>
      %dma_start3A_133 = tpu.memref_squeeze %dma_start3A_132 : memref<1x78x128xi32, #tpu.memory_space<hbm>> -> memref<78x128xi32, #tpu.memory_space<hbm>>
      %dma_start3A_134 = arith.constant 0 : i32
      %dma_start3A_135 = arith.constant 0 : i32
      %dma_start3A_136 = tpu.memref_slice %arg6[%dma_start3A_134, %dma_start3A_135] : memref<79x128xi32, #tpu.memory_space<vmem>> -> memref<78x128xi32, #tpu.memory_space<vmem>>
      %dma_start3A_137 = arith.constant 0 : i32
      %dma_start3A_138 = tpu.memref_slice %arg2[%run_scoped3A, %mul3A_4, %dma_start3A_137] : memref<2x2500x128xi32, #tpu.memory_space<hbm>> -> memref<1x78x128xi32, #tpu.memory_space<hbm>>
      %dma_start3A_139 = tpu.memref_squeeze %dma_start3A_138 : memref<1x78x128xi32, #tpu.memory_space<hbm>> -> memref<78x128xi32, #tpu.memory_space<hbm>>
      tpu.enqueue_dma source(%dma_start3A_139 : memref<78x128xi32, #tpu.memory_space<hbm>>) target(%dma_start3A_136 : memref<78x128xi32, #tpu.memory_space<vmem>>) target_semaphore(%run_scoped3A_127 : memref<!tpu.dma_semaphore, #tpu.memory_space<semaphore_mem>>)
      %dma_wait3A = arith.constant 0 : i32
      %dma_wait3A_140 = arith.constant 0 : i32
      %dma_wait3A_141 = tpu.memref_slice %arg6[%dma_wait3A, %dma_wait3A_140] : memref<79x128xi32, #tpu.memory_space<vmem>> -> memref<78x128xi32, #tpu.memory_space<vmem>>
      %dma_wait3A_142 = arith.constant 0 : i32
      %dma_wait3A_143 = tpu.memref_slice %arg2[%run_scoped3A, %mul3A_4, %dma_wait3A_142] : memref<2x2500x128xi32, #tpu.memory_space<hbm>> -> memref<1x78x128xi32, #tpu.memory_space<hbm>>
      %dma_wait3A_144 = tpu.memref_squeeze %dma_wait3A_143 : memref<1x78x128xi32, #tpu.memory_space<hbm>> -> memref<78x128xi32, #tpu.memory_space<hbm>>
      %dma_wait3A_145 = arith.constant 0 : i32
      %dma_wait3A_146 = arith.constant 0 : i32
      %dma_wait3A_147 = tpu.memref_slice %arg6[%dma_wait3A_145, %dma_wait3A_146] : memref<79x128xi32, #tpu.memory_space<vmem>> -> memref<78x128xi32, #tpu.memory_space<vmem>>
      %dma_wait3A_148 = arith.constant 0 : i32
      %dma_wait3A_149 = tpu.memref_slice %arg2[%run_scoped3A, %mul3A_4, %dma_wait3A_148] : memref<2x2500x128xi32, #tpu.memory_space<hbm>> -> memref<1x78x128xi32, #tpu.memory_space<hbm>>
      %dma_wait3A_150 = tpu.memref_squeeze %dma_wait3A_149 : memref<1x78x128xi32, #tpu.memory_space<hbm>> -> memref<78x128xi32, #tpu.memory_space<hbm>>
      tpu.wait_dma2 semaphore(%run_scoped3A_127 : memref<!tpu.dma_semaphore, #tpu.memory_space<semaphore_mem>>) src(%dma_wait3A_150 : memref<78x128xi32, #tpu.memory_space<hbm>>) dst(%dma_wait3A_147 : memref<78x128xi32, #tpu.memory_space<vmem>>)
      tpu.yield
    }) : () -> ()
    %run_scoped3A_5 = arith.constant 1 : i32
    "tpu.region"() ({
      %run_scoped3A_127 = tpu.sem_alloc : memref<!tpu.dma_semaphore, #tpu.memory_space<semaphore_mem>>
      %dma_start3A_128 = arith.constant 0 : i32
      %dma_start3A_129 = arith.constant 0 : i32
      %dma_start3A_130 = tpu.memref_slice %arg7[%dma_start3A_128, %dma_start3A_129] : memref<79x128xi32, #tpu.memory_space<vmem>> -> memref<78x128xi32, #tpu.memory_space<vmem>>
      %dma_start3A_131 = arith.constant 0 : i32
      %dma_start3A_132 = tpu.memref_slice %arg2[%run_scoped3A_5, %mul3A_4, %dma_start3A_131] : memref<2x2500x128xi32, #tpu.memory_space<hbm>> -> memref<1x78x128xi32, #tpu.memory_space<hbm>>
      %dma_start3A_133 = tpu.memref_squeeze %dma_start3A_132 : memref<1x78x128xi32, #tpu.memory_space<hbm>> -> memref<78x128xi32, #tpu.memory_space<hbm>>
      %dma_start3A_134 = arith.constant 0 : i32
      %dma_start3A_135 = arith.constant 0 : i32
      %dma_start3A_136 = tpu.memref_slice %arg7[%dma_start3A_134, %dma_start3A_135] : memref<79x128xi32, #tpu.memory_space<vmem>> -> memref<78x128xi32, #tpu.memory_space<vmem>>
      %dma_start3A_137 = arith.constant 0 : i32
      %dma_start3A_138 = tpu.memref_slice %arg2[%run_scoped3A_5, %mul3A_4, %dma_start3A_137] : memref<2x2500x128xi32, #tpu.memory_space<hbm>> -> memref<1x78x128xi32, #tpu.memory_space<hbm>>
      %dma_start3A_139 = tpu.memref_squeeze %dma_start3A_138 : memref<1x78x128xi32, #tpu.memory_space<hbm>> -> memref<78x128xi32, #tpu.memory_space<hbm>>
      tpu.enqueue_dma source(%dma_start3A_139 : memref<78x128xi32, #tpu.memory_space<hbm>>) target(%dma_start3A_136 : memref<78x128xi32, #tpu.memory_space<vmem>>) target_semaphore(%run_scoped3A_127 : memref<!tpu.dma_semaphore, #tpu.memory_space<semaphore_mem>>)
      %dma_wait3A = arith.constant 0 : i32
      %dma_wait3A_140 = arith.constant 0 : i32
      %dma_wait3A_141 = tpu.memref_slice %arg7[%dma_wait3A, %dma_wait3A_140] : memref<79x128xi32, #tpu.memory_space<vmem>> -> memref<78x128xi32, #tpu.memory_space<vmem>>
      %dma_wait3A_142 = arith.constant 0 : i32
      %dma_wait3A_143 = tpu.memref_slice %arg2[%run_scoped3A_5, %mul3A_4, %dma_wait3A_142] : memref<2x2500x128xi32, #tpu.memory_space<hbm>> -> memref<1x78x128xi32, #tpu.memory_space<hbm>>
      %dma_wait3A_144 = tpu.memref_squeeze %dma_wait3A_143 : memref<1x78x128xi32, #tpu.memory_space<hbm>> -> memref<78x128xi32, #tpu.memory_space<hbm>>
      %dma_wait3A_145 = arith.constant 0 : i32
      %dma_wait3A_146 = arith.constant 0 : i32
      %dma_wait3A_147 = tpu.memref_slice %arg7[%dma_wait3A_145, %dma_wait3A_146] : memref<79x128xi32, #tpu.memory_space<vmem>> -> memref<78x128xi32, #tpu.memory_space<vmem>>
      %dma_wait3A_148 = arith.constant 0 : i32
      %dma_wait3A_149 = tpu.memref_slice %arg2[%run_scoped3A_5, %mul3A_4, %dma_wait3A_148] : memref<2x2500x128xi32, #tpu.memory_space<hbm>> -> memref<1x78x128xi32, #tpu.memory_space<hbm>>
      %dma_wait3A_150 = tpu.memref_squeeze %dma_wait3A_149 : memref<1x78x128xi32, #tpu.memory_space<hbm>> -> memref<78x128xi32, #tpu.memory_space<hbm>>
      tpu.wait_dma2 semaphore(%run_scoped3A_127 : memref<!tpu.dma_semaphore, #tpu.memory_space<semaphore_mem>>) src(%dma_wait3A_150 : memref<78x128xi32, #tpu.memory_space<hbm>>) dst(%dma_wait3A_147 : memref<78x128xi32, #tpu.memory_space<vmem>>)
      tpu.yield
    }) : () -> ()
    %lt3A = arith.constant 4 : i32
    %lt3A_6 = arith.cmpi slt, %add3A, %lt3A : i32
    %convert_element_type3A = arith.extui %lt3A_6 : i1 to i32
    %cond3A = arith.constant 0 : i32
    %cond3A_7 = arith.cmpi ne, %convert_element_type3A, %cond3A : i32
    scf.if %cond3A_7 {
      %add3A_127 = arith.constant 2496 : i32
      %add3A_128 = arith.addi %add3A_127, %add3A : i32
      %run_scoped3A_129 = arith.constant 0 : i32
      "tpu.region"() ({
        %run_scoped3A_131 = tpu.sem_alloc : memref<!tpu.dma_semaphore, #tpu.memory_space<semaphore_mem>>
        %dma_start3A_132 = arith.constant 78 : i32
        %dma_start3A_133 = arith.constant 0 : i32
        %dma_start3A_134 = tpu.memref_slice %arg6[%dma_start3A_132, %dma_start3A_133] : memref<79x128xi32, #tpu.memory_space<vmem>> -> memref<1x128xi32, #tpu.memory_space<vmem>>
        %dma_start3A_135 = arith.constant 0 : i32
        %dma_start3A_136 = tpu.memref_slice %arg2[%run_scoped3A_129, %add3A_128, %dma_start3A_135] : memref<2x2500x128xi32, #tpu.memory_space<hbm>> -> memref<1x1x128xi32, #tpu.memory_space<hbm>>
        %dma_start3A_137 = tpu.memref_squeeze %dma_start3A_136 : memref<1x1x128xi32, #tpu.memory_space<hbm>> -> memref<1x128xi32, #tpu.memory_space<hbm>>
        %dma_start3A_138 = arith.constant 78 : i32
        %dma_start3A_139 = arith.constant 0 : i32
        %dma_start3A_140 = tpu.memref_slice %arg6[%dma_start3A_138, %dma_start3A_139] : memref<79x128xi32, #tpu.memory_space<vmem>> -> memref<1x128xi32, #tpu.memory_space<vmem>>
        %dma_start3A_141 = arith.constant 0 : i32
        %dma_start3A_142 = tpu.memref_slice %arg2[%run_scoped3A_129, %add3A_128, %dma_start3A_141] : memref<2x2500x128xi32, #tpu.memory_space<hbm>> -> memref<1x1x128xi32, #tpu.memory_space<hbm>>
        %dma_start3A_143 = tpu.memref_squeeze %dma_start3A_142 : memref<1x1x128xi32, #tpu.memory_space<hbm>> -> memref<1x128xi32, #tpu.memory_space<hbm>>
        tpu.enqueue_dma source(%dma_start3A_143 : memref<1x128xi32, #tpu.memory_space<hbm>>) target(%dma_start3A_140 : memref<1x128xi32, #tpu.memory_space<vmem>>) target_semaphore(%run_scoped3A_131 : memref<!tpu.dma_semaphore, #tpu.memory_space<semaphore_mem>>)
        %dma_wait3A = arith.constant 78 : i32
        %dma_wait3A_144 = arith.constant 0 : i32
        %dma_wait3A_145 = tpu.memref_slice %arg6[%dma_wait3A, %dma_wait3A_144] : memref<79x128xi32, #tpu.memory_space<vmem>> -> memref<1x128xi32, #tpu.memory_space<vmem>>
        %dma_wait3A_146 = arith.constant 0 : i32
        %dma_wait3A_147 = tpu.memref_slice %arg2[%run_scoped3A_129, %add3A_128, %dma_wait3A_146] : memref<2x2500x128xi32, #tpu.memory_space<hbm>> -> memref<1x1x128xi32, #tpu.memory_space<hbm>>
        %dma_wait3A_148 = tpu.memref_squeeze %dma_wait3A_147 : memref<1x1x128xi32, #tpu.memory_space<hbm>> -> memref<1x128xi32, #tpu.memory_space<hbm>>
        %dma_wait3A_149 = arith.constant 78 : i32
        %dma_wait3A_150 = arith.constant 0 : i32
        %dma_wait3A_151 = tpu.memref_slice %arg6[%dma_wait3A_149, %dma_wait3A_150] : memref<79x128xi32, #tpu.memory_space<vmem>> -> memref<1x128xi32, #tpu.memory_space<vmem>>
        %dma_wait3A_152 = arith.constant 0 : i32
        %dma_wait3A_153 = tpu.memref_slice %arg2[%run_scoped3A_129, %add3A_128, %dma_wait3A_152] : memref<2x2500x128xi32, #tpu.memory_space<hbm>> -> memref<1x1x128xi32, #tpu.memory_space<hbm>>
        %dma_wait3A_154 = tpu.memref_squeeze %dma_wait3A_153 : memref<1x1x128xi32, #tpu.memory_space<hbm>> -> memref<1x128xi32, #tpu.memory_space<hbm>>
        tpu.wait_dma2 semaphore(%run_scoped3A_131 : memref<!tpu.dma_semaphore, #tpu.memory_space<semaphore_mem>>) src(%dma_wait3A_154 : memref<1x128xi32, #tpu.memory_space<hbm>>) dst(%dma_wait3A_151 : memref<1x128xi32, #tpu.memory_space<vmem>>)
        tpu.yield
      }) : () -> ()
      %run_scoped3A_130 = arith.constant 1 : i32
      "tpu.region"() ({
        %run_scoped3A_131 = tpu.sem_alloc : memref<!tpu.dma_semaphore, #tpu.memory_space<semaphore_mem>>
        %dma_start3A_132 = arith.constant 78 : i32
        %dma_start3A_133 = arith.constant 0 : i32
        %dma_start3A_134 = tpu.memref_slice %arg7[%dma_start3A_132, %dma_start3A_133] : memref<79x128xi32, #tpu.memory_space<vmem>> -> memref<1x128xi32, #tpu.memory_space<vmem>>
        %dma_start3A_135 = arith.constant 0 : i32
        %dma_start3A_136 = tpu.memref_slice %arg2[%run_scoped3A_130, %add3A_128, %dma_start3A_135] : memref<2x2500x128xi32, #tpu.memory_space<hbm>> -> memref<1x1x128xi32, #tpu.memory_space<hbm>>
        %dma_start3A_137 = tpu.memref_squeeze %dma_start3A_136 : memref<1x1x128xi32, #tpu.memory_space<hbm>> -> memref<1x128xi32, #tpu.memory_space<hbm>>
        %dma_start3A_138 = arith.constant 78 : i32
        %dma_start3A_139 = arith.constant 0 : i32
        %dma_start3A_140 = tpu.memref_slice %arg7[%dma_start3A_138, %dma_start3A_139] : memref<79x128xi32, #tpu.memory_space<vmem>> -> memref<1x128xi32, #tpu.memory_space<vmem>>
        %dma_start3A_141 = arith.constant 0 : i32
        %dma_start3A_142 = tpu.memref_slice %arg2[%run_scoped3A_130, %add3A_128, %dma_start3A_141] : memref<2x2500x128xi32, #tpu.memory_space<hbm>> -> memref<1x1x128xi32, #tpu.memory_space<hbm>>
        %dma_start3A_143 = tpu.memref_squeeze %dma_start3A_142 : memref<1x1x128xi32, #tpu.memory_space<hbm>> -> memref<1x128xi32, #tpu.memory_space<hbm>>
        tpu.enqueue_dma source(%dma_start3A_143 : memref<1x128xi32, #tpu.memory_space<hbm>>) target(%dma_start3A_140 : memref<1x128xi32, #tpu.memory_space<vmem>>) target_semaphore(%run_scoped3A_131 : memref<!tpu.dma_semaphore, #tpu.memory_space<semaphore_mem>>)
        %dma_wait3A = arith.constant 78 : i32
        %dma_wait3A_144 = arith.constant 0 : i32
        %dma_wait3A_145 = tpu.memref_slice %arg7[%dma_wait3A, %dma_wait3A_144] : memref<79x128xi32, #tpu.memory_space<vmem>> -> memref<1x128xi32, #tpu.memory_space<vmem>>
        %dma_wait3A_146 = arith.constant 0 : i32
        %dma_wait3A_147 = tpu.memref_slice %arg2[%run_scoped3A_130, %add3A_128, %dma_wait3A_146] : memref<2x2500x128xi32, #tpu.memory_space<hbm>> -> memref<1x1x128xi32, #tpu.memory_space<hbm>>
        %dma_wait3A_148 = tpu.memref_squeeze %dma_wait3A_147 : memref<1x1x128xi32, #tpu.memory_space<hbm>> -> memref<1x128xi32, #tpu.memory_space<hbm>>
        %dma_wait3A_149 = arith.constant 78 : i32
        %dma_wait3A_150 = arith.constant 0 : i32
        %dma_wait3A_151 = tpu.memref_slice %arg7[%dma_wait3A_149, %dma_wait3A_150] : memref<79x128xi32, #tpu.memory_space<vmem>> -> memref<1x128xi32, #tpu.memory_space<vmem>>
        %dma_wait3A_152 = arith.constant 0 : i32
        %dma_wait3A_153 = tpu.memref_slice %arg2[%run_scoped3A_130, %add3A_128, %dma_wait3A_152] : memref<2x2500x128xi32, #tpu.memory_space<hbm>> -> memref<1x1x128xi32, #tpu.memory_space<hbm>>
        %dma_wait3A_154 = tpu.memref_squeeze %dma_wait3A_153 : memref<1x1x128xi32, #tpu.memory_space<hbm>> -> memref<1x128xi32, #tpu.memory_space<hbm>>
        tpu.wait_dma2 semaphore(%run_scoped3A_131 : memref<!tpu.dma_semaphore, #tpu.memory_space<semaphore_mem>>) src(%dma_wait3A_154 : memref<1x128xi32, #tpu.memory_space<hbm>>) dst(%dma_wait3A_151 : memref<1x128xi32, #tpu.memory_space<vmem>>)
        tpu.yield
      }) : () -> ()
    } else {
    }
    %lt3A_8 = arith.constant 15 : i32
    %lt3A_9 = arith.cmpi slt, %arg1, %lt3A_8 : i32
    %convert_element_type3A_10 = arith.extui %lt3A_9 : i1 to i32
    %cond3A_11 = arith.constant 0 : i32
    %cond3A_12 = arith.cmpi ne, %convert_element_type3A_10, %cond3A_11 : i32
    scf.if %cond3A_12 {
      "tpu.region"() ({
        %run_scoped3A_127 = tpu.sem_alloc : memref<!tpu.dma_semaphore, #tpu.memory_space<semaphore_mem>>
        %dma_start3A_128 = arith.constant 0 : i32
        %dma_start3A_129 = tpu.memref_slice %arg9[%multiple_of3A, %dma_start3A_128] : memref<10000x64xf32, #tpu.memory_space<vmem_shared>> -> memref<624x64xf32, #tpu.memory_space<vmem_shared>>
        %dma_start3A_130 = arith.constant 0 : i32
        %dma_start3A_131 = tpu.memref_slice %arg4[%multiple_of3A, %dma_start3A_130] : memref<10000x64xf32, #tpu.memory_space<hbm>> -> memref<624x64xf32, #tpu.memory_space<hbm>>
        tpu.enqueue_dma source(%dma_start3A_131 : memref<624x64xf32, #tpu.memory_space<hbm>>) target(%dma_start3A_129 : memref<624x64xf32, #tpu.memory_space<vmem_shared>>) target_semaphore(%run_scoped3A_127 : memref<!tpu.dma_semaphore, #tpu.memory_space<semaphore_mem>>)
        %dma_wait3A = arith.constant 0 : i32
        %dma_wait3A_132 = tpu.memref_slice %arg9[%multiple_of3A, %dma_wait3A] : memref<10000x64xf32, #tpu.memory_space<vmem_shared>> -> memref<624x64xf32, #tpu.memory_space<vmem_shared>>
        %dma_wait3A_133 = arith.constant 0 : i32
        %dma_wait3A_134 = tpu.memref_slice %arg4[%multiple_of3A, %dma_wait3A_133] : memref<10000x64xf32, #tpu.memory_space<hbm>> -> memref<624x64xf32, #tpu.memory_space<hbm>>
        tpu.wait_dma2 semaphore(%run_scoped3A_127 : memref<!tpu.dma_semaphore, #tpu.memory_space<semaphore_mem>>) src(%dma_wait3A_134 : memref<624x64xf32, #tpu.memory_space<hbm>>) dst(%dma_wait3A_132 : memref<624x64xf32, #tpu.memory_space<vmem_shared>>)
        tpu.yield
      }) : () -> ()
    } else {
    }
    %eq3A = arith.constant 15 : i32
    %eq3A_13 = arith.cmpi eq, %arg1, %eq3A : i32
    %convert_element_type3A_14 = arith.extui %eq3A_13 : i1 to i32
    %cond3A_15 = arith.constant 0 : i32
    %cond3A_16 = arith.cmpi ne, %convert_element_type3A_14, %cond3A_15 : i32
    scf.if %cond3A_16 {
      "tpu.region"() ({
        %run_scoped3A_127 = tpu.sem_alloc : memref<!tpu.dma_semaphore, #tpu.memory_space<semaphore_mem>>
        %dma_start3A_128 = arith.constant 9360 : i32
        %dma_start3A_129 = arith.constant 0 : i32
        %dma_start3A_130 = tpu.memref_slice %arg9[%dma_start3A_128, %dma_start3A_129] : memref<10000x64xf32, #tpu.memory_space<vmem_shared>> -> memref<640x64xf32, #tpu.memory_space<vmem_shared>>
        %dma_start3A_131 = arith.constant 9360 : i32
        %dma_start3A_132 = arith.constant 0 : i32
        %dma_start3A_133 = tpu.memref_slice %arg4[%dma_start3A_131, %dma_start3A_132] : memref<10000x64xf32, #tpu.memory_space<hbm>> -> memref<640x64xf32, #tpu.memory_space<hbm>>
        tpu.enqueue_dma source(%dma_start3A_133 : memref<640x64xf32, #tpu.memory_space<hbm>>) target(%dma_start3A_130 : memref<640x64xf32, #tpu.memory_space<vmem_shared>>) target_semaphore(%run_scoped3A_127 : memref<!tpu.dma_semaphore, #tpu.memory_space<semaphore_mem>>)
        %dma_wait3A = arith.constant 9360 : i32
        %dma_wait3A_134 = arith.constant 0 : i32
        %dma_wait3A_135 = tpu.memref_slice %arg9[%dma_wait3A, %dma_wait3A_134] : memref<10000x64xf32, #tpu.memory_space<vmem_shared>> -> memref<640x64xf32, #tpu.memory_space<vmem_shared>>
        %dma_wait3A_136 = arith.constant 9360 : i32
        %dma_wait3A_137 = arith.constant 0 : i32
        %dma_wait3A_138 = tpu.memref_slice %arg4[%dma_wait3A_136, %dma_wait3A_137] : memref<10000x64xf32, #tpu.memory_space<hbm>> -> memref<640x64xf32, #tpu.memory_space<hbm>>
        tpu.wait_dma2 semaphore(%run_scoped3A_127 : memref<!tpu.dma_semaphore, #tpu.memory_space<semaphore_mem>>) src(%dma_wait3A_138 : memref<640x64xf32, #tpu.memory_space<hbm>>) dst(%dma_wait3A_135 : memref<640x64xf32, #tpu.memory_space<vmem_shared>>)
        tpu.yield
      }) : () -> ()
    } else {
    }
    %barrier3A = arith.constant 0 : index
    tpu.barrier barrier_id(%barrier3A)
    %dma_start3A = arith.constant 0 : i32
    %dma_start3A_17 = arith.constant 0 : i32
    %dma_start3A_18 = arith.constant 0 : i32
    %dma_start3A_19 = arith.constant 0 : i32
    %dma_start3A_20 = arith.constant 0 : i32
    %dma_start3A_21 = tpu.memref_slice %arg8[%dma_start3A_17, %dma_start3A_19, %dma_start3A_20] : memref<6x128x64xf32, #tpu.memory_space<vmem>> -> memref<1x128x64xf32, #tpu.memory_space<vmem>>
    %dma_start3A_22 = tpu.memref_squeeze %dma_start3A_21 : memref<1x128x64xf32, #tpu.memory_space<vmem>> -> memref<128x64xf32, #tpu.memory_space<vmem>>
    %dma_start3A_23 = arith.constant 0 : i32
    %dma_start3A_24 = tpu.memref_slice %arg6[%dma_start3A, %dma_start3A_23] : memref<79x128xi32, #tpu.memory_space<vmem>> -> memref<1x128xi32, #tpu.memory_space<vmem>>
    %dma_start3A_25 = tpu.memref_squeeze %dma_start3A_24 : memref<1x128xi32, #tpu.memory_space<vmem>> -> memref<128xi32, #tpu.memory_space<vmem>>
    %dma_start3A_26 = arith.constant 0 : i32
    %dma_start3A_27 = arith.constant 0 : i32
    %dma_start3A_28 = tpu.memref_slice %arg3[%dma_start3A_26, %dma_start3A_27] : memref<10000x64xf32, #tpu.memory_space<hbm>> -> memref<10000x64xf32, #tpu.memory_space<hbm>>
    %dma_start3A_29 = tpu.memref_slice %arg10[%dma_start3A_18] : memref<6x!tpu.dma_semaphore, #tpu.memory_space<semaphore_mem>> -> memref<1x!tpu.dma_semaphore, #tpu.memory_space<semaphore_mem>>
    %dma_start3A_30 = tpu.memref_squeeze %dma_start3A_29 : memref<1x!tpu.dma_semaphore, #tpu.memory_space<semaphore_mem>> -> memref<!tpu.dma_semaphore, #tpu.memory_space<semaphore_mem>>
    tpu.enqueue_indirect_dma source(%dma_start3A_28 : memref<10000x64xf32, #tpu.memory_space<hbm>>) target(%dma_start3A_22 : memref<128x64xf32, #tpu.memory_space<vmem>>) offsets(%dma_start3A_25 : memref<128xi32, #tpu.memory_space<vmem>>) semaphore(%dma_start3A_30 : memref<!tpu.dma_semaphore, #tpu.memory_space<semaphore_mem>>)
    %dma_start3A_31 = arith.constant 1 : i32
    %dma_start3A_32 = arith.constant 1 : i32
    %dma_start3A_33 = arith.constant 1 : i32
    %dma_start3A_34 = arith.constant 0 : i32
    %dma_start3A_35 = arith.constant 0 : i32
    %dma_start3A_36 = tpu.memref_slice %arg8[%dma_start3A_32, %dma_start3A_34, %dma_start3A_35] : memref<6x128x64xf32, #tpu.memory_space<vmem>> -> memref<1x128x64xf32, #tpu.memory_space<vmem>>
    %dma_start3A_37 = tpu.memref_squeeze %dma_start3A_36 : memref<1x128x64xf32, #tpu.memory_space<vmem>> -> memref<128x64xf32, #tpu.memory_space<vmem>>
    %dma_start3A_38 = arith.constant 0 : i32
    %dma_start3A_39 = tpu.memref_slice %arg6[%dma_start3A_31, %dma_start3A_38] : memref<79x128xi32, #tpu.memory_space<vmem>> -> memref<1x128xi32, #tpu.memory_space<vmem>>
    %dma_start3A_40 = tpu.memref_squeeze %dma_start3A_39 : memref<1x128xi32, #tpu.memory_space<vmem>> -> memref<128xi32, #tpu.memory_space<vmem>>
    %dma_start3A_41 = arith.constant 0 : i32
    %dma_start3A_42 = arith.constant 0 : i32
    %dma_start3A_43 = tpu.memref_slice %arg3[%dma_start3A_41, %dma_start3A_42] : memref<10000x64xf32, #tpu.memory_space<hbm>> -> memref<10000x64xf32, #tpu.memory_space<hbm>>
    %dma_start3A_44 = tpu.memref_slice %arg10[%dma_start3A_33] : memref<6x!tpu.dma_semaphore, #tpu.memory_space<semaphore_mem>> -> memref<1x!tpu.dma_semaphore, #tpu.memory_space<semaphore_mem>>
    %dma_start3A_45 = tpu.memref_squeeze %dma_start3A_44 : memref<1x!tpu.dma_semaphore, #tpu.memory_space<semaphore_mem>> -> memref<!tpu.dma_semaphore, #tpu.memory_space<semaphore_mem>>
    tpu.enqueue_indirect_dma source(%dma_start3A_43 : memref<10000x64xf32, #tpu.memory_space<hbm>>) target(%dma_start3A_37 : memref<128x64xf32, #tpu.memory_space<vmem>>) offsets(%dma_start3A_40 : memref<128xi32, #tpu.memory_space<vmem>>) semaphore(%dma_start3A_45 : memref<!tpu.dma_semaphore, #tpu.memory_space<semaphore_mem>>)
    %dma_start3A_46 = arith.constant 2 : i32
    %dma_start3A_47 = arith.constant 2 : i32
    %dma_start3A_48 = arith.constant 2 : i32
    %dma_start3A_49 = arith.constant 0 : i32
    %dma_start3A_50 = arith.constant 0 : i32
    %dma_start3A_51 = tpu.memref_slice %arg8[%dma_start3A_47, %dma_start3A_49, %dma_start3A_50] : memref<6x128x64xf32, #tpu.memory_space<vmem>> -> memref<1x128x64xf32, #tpu.memory_space<vmem>>
    %dma_start3A_52 = tpu.memref_squeeze %dma_start3A_51 : memref<1x128x64xf32, #tpu.memory_space<vmem>> -> memref<128x64xf32, #tpu.memory_space<vmem>>
    %dma_start3A_53 = arith.constant 0 : i32
    %dma_start3A_54 = tpu.memref_slice %arg6[%dma_start3A_46, %dma_start3A_53] : memref<79x128xi32, #tpu.memory_space<vmem>> -> memref<1x128xi32, #tpu.memory_space<vmem>>
    %dma_start3A_55 = tpu.memref_squeeze %dma_start3A_54 : memref<1x128xi32, #tpu.memory_space<vmem>> -> memref<128xi32, #tpu.memory_space<vmem>>
    %dma_start3A_56 = arith.constant 0 : i32
    %dma_start3A_57 = arith.constant 0 : i32
    %dma_start3A_58 = tpu.memref_slice %arg3[%dma_start3A_56, %dma_start3A_57] : memref<10000x64xf32, #tpu.memory_space<hbm>> -> memref<10000x64xf32, #tpu.memory_space<hbm>>
    %dma_start3A_59 = tpu.memref_slice %arg10[%dma_start3A_48] : memref<6x!tpu.dma_semaphore, #tpu.memory_space<semaphore_mem>> -> memref<1x!tpu.dma_semaphore, #tpu.memory_space<semaphore_mem>>
    %dma_start3A_60 = tpu.memref_squeeze %dma_start3A_59 : memref<1x!tpu.dma_semaphore, #tpu.memory_space<semaphore_mem>> -> memref<!tpu.dma_semaphore, #tpu.memory_space<semaphore_mem>>
    tpu.enqueue_indirect_dma source(%dma_start3A_58 : memref<10000x64xf32, #tpu.memory_space<hbm>>) target(%dma_start3A_52 : memref<128x64xf32, #tpu.memory_space<vmem>>) offsets(%dma_start3A_55 : memref<128xi32, #tpu.memory_space<vmem>>) semaphore(%dma_start3A_60 : memref<!tpu.dma_semaphore, #tpu.memory_space<semaphore_mem>>)
    %dma_start3A_61 = arith.constant 3 : i32
    %dma_start3A_62 = arith.constant 3 : i32
    %dma_start3A_63 = arith.constant 3 : i32
    %dma_start3A_64 = arith.constant 0 : i32
    %dma_start3A_65 = arith.constant 0 : i32
    %dma_start3A_66 = tpu.memref_slice %arg8[%dma_start3A_62, %dma_start3A_64, %dma_start3A_65] : memref<6x128x64xf32, #tpu.memory_space<vmem>> -> memref<1x128x64xf32, #tpu.memory_space<vmem>>
    %dma_start3A_67 = tpu.memref_squeeze %dma_start3A_66 : memref<1x128x64xf32, #tpu.memory_space<vmem>> -> memref<128x64xf32, #tpu.memory_space<vmem>>
    %dma_start3A_68 = arith.constant 0 : i32
    %dma_start3A_69 = tpu.memref_slice %arg6[%dma_start3A_61, %dma_start3A_68] : memref<79x128xi32, #tpu.memory_space<vmem>> -> memref<1x128xi32, #tpu.memory_space<vmem>>
    %dma_start3A_70 = tpu.memref_squeeze %dma_start3A_69 : memref<1x128xi32, #tpu.memory_space<vmem>> -> memref<128xi32, #tpu.memory_space<vmem>>
    %dma_start3A_71 = arith.constant 0 : i32
    %dma_start3A_72 = arith.constant 0 : i32
    %dma_start3A_73 = tpu.memref_slice %arg3[%dma_start3A_71, %dma_start3A_72] : memref<10000x64xf32, #tpu.memory_space<hbm>> -> memref<10000x64xf32, #tpu.memory_space<hbm>>
    %dma_start3A_74 = tpu.memref_slice %arg10[%dma_start3A_63] : memref<6x!tpu.dma_semaphore, #tpu.memory_space<semaphore_mem>> -> memref<1x!tpu.dma_semaphore, #tpu.memory_space<semaphore_mem>>
    %dma_start3A_75 = tpu.memref_squeeze %dma_start3A_74 : memref<1x!tpu.dma_semaphore, #tpu.memory_space<semaphore_mem>> -> memref<!tpu.dma_semaphore, #tpu.memory_space<semaphore_mem>>
    tpu.enqueue_indirect_dma source(%dma_start3A_73 : memref<10000x64xf32, #tpu.memory_space<hbm>>) target(%dma_start3A_67 : memref<128x64xf32, #tpu.memory_space<vmem>>) offsets(%dma_start3A_70 : memref<128xi32, #tpu.memory_space<vmem>>) semaphore(%dma_start3A_75 : memref<!tpu.dma_semaphore, #tpu.memory_space<semaphore_mem>>)
    %dma_start3A_76 = arith.constant 4 : i32
    %dma_start3A_77 = arith.constant 4 : i32
    %dma_start3A_78 = arith.constant 4 : i32
    %dma_start3A_79 = arith.constant 0 : i32
    %dma_start3A_80 = arith.constant 0 : i32
    %dma_start3A_81 = tpu.memref_slice %arg8[%dma_start3A_77, %dma_start3A_79, %dma_start3A_80] : memref<6x128x64xf32, #tpu.memory_space<vmem>> -> memref<1x128x64xf32, #tpu.memory_space<vmem>>
    %dma_start3A_82 = tpu.memref_squeeze %dma_start3A_81 : memref<1x128x64xf32, #tpu.memory_space<vmem>> -> memref<128x64xf32, #tpu.memory_space<vmem>>
    %dma_start3A_83 = arith.constant 0 : i32
    %dma_start3A_84 = tpu.memref_slice %arg6[%dma_start3A_76, %dma_start3A_83] : memref<79x128xi32, #tpu.memory_space<vmem>> -> memref<1x128xi32, #tpu.memory_space<vmem>>
    %dma_start3A_85 = tpu.memref_squeeze %dma_start3A_84 : memref<1x128xi32, #tpu.memory_space<vmem>> -> memref<128xi32, #tpu.memory_space<vmem>>
    %dma_start3A_86 = arith.constant 0 : i32
    %dma_start3A_87 = arith.constant 0 : i32
    %dma_start3A_88 = tpu.memref_slice %arg3[%dma_start3A_86, %dma_start3A_87] : memref<10000x64xf32, #tpu.memory_space<hbm>> -> memref<10000x64xf32, #tpu.memory_space<hbm>>
    %dma_start3A_89 = tpu.memref_slice %arg10[%dma_start3A_78] : memref<6x!tpu.dma_semaphore, #tpu.memory_space<semaphore_mem>> -> memref<1x!tpu.dma_semaphore, #tpu.memory_space<semaphore_mem>>
    %dma_start3A_90 = tpu.memref_squeeze %dma_start3A_89 : memref<1x!tpu.dma_semaphore, #tpu.memory_space<semaphore_mem>> -> memref<!tpu.dma_semaphore, #tpu.memory_space<semaphore_mem>>
    tpu.enqueue_indirect_dma source(%dma_start3A_88 : memref<10000x64xf32, #tpu.memory_space<hbm>>) target(%dma_start3A_82 : memref<128x64xf32, #tpu.memory_space<vmem>>) offsets(%dma_start3A_85 : memref<128xi32, #tpu.memory_space<vmem>>) semaphore(%dma_start3A_90 : memref<!tpu.dma_semaphore, #tpu.memory_space<semaphore_mem>>)
    %dma_start3A_91 = arith.constant 5 : i32
    %dma_start3A_92 = arith.constant 5 : i32
    %dma_start3A_93 = arith.constant 5 : i32
    %dma_start3A_94 = arith.constant 0 : i32
    %dma_start3A_95 = arith.constant 0 : i32
    %dma_start3A_96 = tpu.memref_slice %arg8[%dma_start3A_92, %dma_start3A_94, %dma_start3A_95] : memref<6x128x64xf32, #tpu.memory_space<vmem>> -> memref<1x128x64xf32, #tpu.memory_space<vmem>>
    %dma_start3A_97 = tpu.memref_squeeze %dma_start3A_96 : memref<1x128x64xf32, #tpu.memory_space<vmem>> -> memref<128x64xf32, #tpu.memory_space<vmem>>
    %dma_start3A_98 = arith.constant 0 : i32
    %dma_start3A_99 = tpu.memref_slice %arg6[%dma_start3A_91, %dma_start3A_98] : memref<79x128xi32, #tpu.memory_space<vmem>> -> memref<1x128xi32, #tpu.memory_space<vmem>>
    %dma_start3A_100 = tpu.memref_squeeze %dma_start3A_99 : memref<1x128xi32, #tpu.memory_space<vmem>> -> memref<128xi32, #tpu.memory_space<vmem>>
    %dma_start3A_101 = arith.constant 0 : i32
    %dma_start3A_102 = arith.constant 0 : i32
    %dma_start3A_103 = tpu.memref_slice %arg3[%dma_start3A_101, %dma_start3A_102] : memref<10000x64xf32, #tpu.memory_space<hbm>> -> memref<10000x64xf32, #tpu.memory_space<hbm>>
    %dma_start3A_104 = tpu.memref_slice %arg10[%dma_start3A_93] : memref<6x!tpu.dma_semaphore, #tpu.memory_space<semaphore_mem>> -> memref<1x!tpu.dma_semaphore, #tpu.memory_space<semaphore_mem>>
    %dma_start3A_105 = tpu.memref_squeeze %dma_start3A_104 : memref<1x!tpu.dma_semaphore, #tpu.memory_space<semaphore_mem>> -> memref<!tpu.dma_semaphore, #tpu.memory_space<semaphore_mem>>
    tpu.enqueue_indirect_dma source(%dma_start3A_103 : memref<10000x64xf32, #tpu.memory_space<hbm>>) target(%dma_start3A_97 : memref<128x64xf32, #tpu.memory_space<vmem>>) offsets(%dma_start3A_100 : memref<128xi32, #tpu.memory_space<vmem>>) semaphore(%dma_start3A_105 : memref<!tpu.dma_semaphore, #tpu.memory_space<semaphore_mem>>)
    %scan3A = arith.constant 0 : i32
    %scan3A_106 = arith.constant 0 : i32
    %scan3A_107 = arith.constant 13 : i32
    %scan3A_108 = arith.addi %scan3A_106, %scan3A_107 : i32
    %scan3A_109 = arith.constant 1 : i32
    scf.for %scan3A_127 = %scan3A_106 to %scan3A_108 step %scan3A_109  : i32 {
      %mul3A_128 = arith.constant 6 : i32
      %mul3A_129 = arith.muli %scan3A_127, %mul3A_128 : i32
      %add3A_130 = arith.constant 0 : i32
      %add3A_131 = arith.addi %mul3A_129, %add3A_130 : i32
      %dma_wait3A = arith.constant 0 : i32
      %dma_wait3A_132 = arith.constant 0 : i32
      %dma_wait3A_133 = arith.constant 0 : i32
      %dma_wait3A_134 = arith.constant 0 : i32
      %dma_wait3A_135 = tpu.memref_slice %arg8[%dma_wait3A, %dma_wait3A_133, %dma_wait3A_134] : memref<6x128x64xf32, #tpu.memory_space<vmem>> -> memref<1x128x64xf32, #tpu.memory_space<vmem>>
      %dma_wait3A_136 = tpu.memref_squeeze %dma_wait3A_135 : memref<1x128x64xf32, #tpu.memory_space<vmem>> -> memref<128x64xf32, #tpu.memory_space<vmem>>
      %dma_wait3A_137 = arith.constant 0 : i32
      %dma_wait3A_138 = tpu.memref_slice %arg6[%add3A_131, %dma_wait3A_137] : memref<79x128xi32, #tpu.memory_space<vmem>> -> memref<1x128xi32, #tpu.memory_space<vmem>>
      %dma_wait3A_139 = tpu.memref_squeeze %dma_wait3A_138 : memref<1x128xi32, #tpu.memory_space<vmem>> -> memref<128xi32, #tpu.memory_space<vmem>>
      %dma_wait3A_140 = arith.constant 0 : i32
      %dma_wait3A_141 = arith.constant 0 : i32
      %dma_wait3A_142 = tpu.memref_slice %arg3[%dma_wait3A_140, %dma_wait3A_141] : memref<10000x64xf32, #tpu.memory_space<hbm>> -> memref<10000x64xf32, #tpu.memory_space<hbm>>
      %dma_wait3A_143 = tpu.memref_slice %arg10[%dma_wait3A_132] : memref<6x!tpu.dma_semaphore, #tpu.memory_space<semaphore_mem>> -> memref<1x!tpu.dma_semaphore, #tpu.memory_space<semaphore_mem>>
      %dma_wait3A_144 = tpu.memref_squeeze %dma_wait3A_143 : memref<1x!tpu.dma_semaphore, #tpu.memory_space<semaphore_mem>> -> memref<!tpu.dma_semaphore, #tpu.memory_space<semaphore_mem>>
      tpu.wait_indirect_dma semaphore(%dma_wait3A_144 : memref<!tpu.dma_semaphore, #tpu.memory_space<semaphore_mem>>) src(%dma_wait3A_142 : memref<10000x64xf32, #tpu.memory_space<hbm>>) dst(%dma_wait3A_136 : memref<128x64xf32, #tpu.memory_space<vmem>>)
      %dma_start3A_145 = arith.constant 0 : i32
      %dma_start3A_146 = arith.constant 0 : i32
      %dma_start3A_147 = arith.constant 0 : i32
      %dma_start3A_148 = arith.constant 0 : i32
      %dma_start3A_149 = tpu.memref_slice %arg8[%dma_start3A_145, %dma_start3A_147, %dma_start3A_148] : memref<6x128x64xf32, #tpu.memory_space<vmem>> -> memref<1x128x64xf32, #tpu.memory_space<vmem>>
      %dma_start3A_150 = tpu.memref_squeeze %dma_start3A_149 : memref<1x128x64xf32, #tpu.memory_space<vmem>> -> memref<128x64xf32, #tpu.memory_space<vmem>>
      %dma_start3A_151 = arith.constant 0 : i32
      %dma_start3A_152 = tpu.memref_slice %arg7[%add3A_131, %dma_start3A_151] : memref<79x128xi32, #tpu.memory_space<vmem>> -> memref<1x128xi32, #tpu.memory_space<vmem>>
      %dma_start3A_153 = tpu.memref_squeeze %dma_start3A_152 : memref<1x128xi32, #tpu.memory_space<vmem>> -> memref<128xi32, #tpu.memory_space<vmem>>
      %dma_start3A_154 = arith.constant 0 : i32
      %dma_start3A_155 = arith.constant 0 : i32
      %dma_start3A_156 = tpu.memref_slice %arg9[%dma_start3A_154, %dma_start3A_155] : memref<10000x64xf32, #tpu.memory_space<vmem_shared>> -> memref<10000x64xf32, #tpu.memory_space<vmem_shared>>
      %dma_start3A_157 = tpu.memref_slice %arg11[%dma_start3A_146] : memref<6x!tpu.dma_semaphore, #tpu.memory_space<semaphore_mem>> -> memref<1x!tpu.dma_semaphore, #tpu.memory_space<semaphore_mem>>
      %dma_start3A_158 = tpu.memref_squeeze %dma_start3A_157 : memref<1x!tpu.dma_semaphore, #tpu.memory_space<semaphore_mem>> -> memref<!tpu.dma_semaphore, #tpu.memory_space<semaphore_mem>>
      tpu.enqueue_indirect_dma source(%dma_start3A_150 : memref<128x64xf32, #tpu.memory_space<vmem>>) target(%dma_start3A_156 : memref<10000x64xf32, #tpu.memory_space<vmem_shared>>) offsets(%dma_start3A_153 : memref<128xi32, #tpu.memory_space<vmem>>) semaphore(%dma_start3A_158 : memref<!tpu.dma_semaphore, #tpu.memory_space<semaphore_mem>>) {add = true}
      %dma_wait3A_159 = arith.constant 0 : i32
      %dma_wait3A_160 = arith.constant 0 : i32
      %dma_wait3A_161 = arith.constant 0 : i32
      %dma_wait3A_162 = arith.constant 0 : i32
      %dma_wait3A_163 = tpu.memref_slice %arg8[%dma_wait3A_159, %dma_wait3A_161, %dma_wait3A_162] : memref<6x128x64xf32, #tpu.memory_space<vmem>> -> memref<1x128x64xf32, #tpu.memory_space<vmem>>
      %dma_wait3A_164 = tpu.memref_squeeze %dma_wait3A_163 : memref<1x128x64xf32, #tpu.memory_space<vmem>> -> memref<128x64xf32, #tpu.memory_space<vmem>>
      %dma_wait3A_165 = arith.constant 0 : i32
      %dma_wait3A_166 = tpu.memref_slice %arg7[%add3A_131, %dma_wait3A_165] : memref<79x128xi32, #tpu.memory_space<vmem>> -> memref<1x128xi32, #tpu.memory_space<vmem>>
      %dma_wait3A_167 = tpu.memref_squeeze %dma_wait3A_166 : memref<1x128xi32, #tpu.memory_space<vmem>> -> memref<128xi32, #tpu.memory_space<vmem>>
      %dma_wait3A_168 = arith.constant 0 : i32
      %dma_wait3A_169 = arith.constant 0 : i32
      %dma_wait3A_170 = tpu.memref_slice %arg9[%dma_wait3A_168, %dma_wait3A_169] : memref<10000x64xf32, #tpu.memory_space<vmem_shared>> -> memref<10000x64xf32, #tpu.memory_space<vmem_shared>>
      %dma_wait3A_171 = tpu.memref_slice %arg11[%dma_wait3A_160] : memref<6x!tpu.dma_semaphore, #tpu.memory_space<semaphore_mem>> -> memref<1x!tpu.dma_semaphore, #tpu.memory_space<semaphore_mem>>
      %dma_wait3A_172 = tpu.memref_squeeze %dma_wait3A_171 : memref<1x!tpu.dma_semaphore, #tpu.memory_space<semaphore_mem>> -> memref<!tpu.dma_semaphore, #tpu.memory_space<semaphore_mem>>
      tpu.wait_indirect_dma semaphore(%dma_wait3A_172 : memref<!tpu.dma_semaphore, #tpu.memory_space<semaphore_mem>>) src(%dma_wait3A_164 : memref<128x64xf32, #tpu.memory_space<vmem>>) dst(%dma_wait3A_170 : memref<10000x64xf32, #tpu.memory_space<vmem_shared>>)
      %add3A_173 = arith.constant 6 : i32
      %add3A_174 = arith.addi %add3A_131, %add3A_173 : i32
      %lt3A_175 = arith.constant 78 : i32
      %lt3A_176 = arith.cmpi slt, %add3A_174, %lt3A_175 : i32
      %convert_element_type3A_177 = arith.extui %lt3A_176 : i1 to i32
      %cond3A_178 = arith.constant 0 : i32
      %cond3A_179 = arith.cmpi ne, %convert_element_type3A_177, %cond3A_178 : i32
      scf.if %cond3A_179 {
        %add3A_445 = arith.constant 6 : i32
        %add3A_446 = arith.addi %add3A_131, %add3A_445 : i32
        %dma_start3A_447 = arith.constant 0 : i32
        %dma_start3A_448 = arith.constant 0 : i32
        %dma_start3A_449 = arith.constant 0 : i32
        %dma_start3A_450 = arith.constant 0 : i32
        %dma_start3A_451 = tpu.memref_slice %arg8[%dma_start3A_447, %dma_start3A_449, %dma_start3A_450] : memref<6x128x64xf32, #tpu.memory_space<vmem>> -> memref<1x128x64xf32, #tpu.memory_space<vmem>>
        %dma_start3A_452 = tpu.memref_squeeze %dma_start3A_451 : memref<1x128x64xf32, #tpu.memory_space<vmem>> -> memref<128x64xf32, #tpu.memory_space<vmem>>
        %dma_start3A_453 = arith.constant 0 : i32
        %dma_start3A_454 = tpu.memref_slice %arg6[%add3A_446, %dma_start3A_453] : memref<79x128xi32, #tpu.memory_space<vmem>> -> memref<1x128xi32, #tpu.memory_space<vmem>>
        %dma_start3A_455 = tpu.memref_squeeze %dma_start3A_454 : memref<1x128xi32, #tpu.memory_space<vmem>> -> memref<128xi32, #tpu.memory_space<vmem>>
        %dma_start3A_456 = arith.constant 0 : i32
        %dma_start3A_457 = arith.constant 0 : i32
        %dma_start3A_458 = tpu.memref_slice %arg3[%dma_start3A_456, %dma_start3A_457] : memref<10000x64xf32, #tpu.memory_space<hbm>> -> memref<10000x64xf32, #tpu.memory_space<hbm>>
        %dma_start3A_459 = tpu.memref_slice %arg10[%dma_start3A_448] : memref<6x!tpu.dma_semaphore, #tpu.memory_space<semaphore_mem>> -> memref<1x!tpu.dma_semaphore, #tpu.memory_space<semaphore_mem>>
        %dma_start3A_460 = tpu.memref_squeeze %dma_start3A_459 : memref<1x!tpu.dma_semaphore, #tpu.memory_space<semaphore_mem>> -> memref<!tpu.dma_semaphore, #tpu.memory_space<semaphore_mem>>
        tpu.enqueue_indirect_dma source(%dma_start3A_458 : memref<10000x64xf32, #tpu.memory_space<hbm>>) target(%dma_start3A_452 : memref<128x64xf32, #tpu.memory_space<vmem>>) offsets(%dma_start3A_455 : memref<128xi32, #tpu.memory_space<vmem>>) semaphore(%dma_start3A_460 : memref<!tpu.dma_semaphore, #tpu.memory_space<semaphore_mem>>)
      } else {
      }
      %mul3A_180 = arith.constant 6 : i32
      %mul3A_181 = arith.muli %scan3A_127, %mul3A_180 : i32
      %add3A_182 = arith.constant 1 : i32
      %add3A_183 = arith.addi %mul3A_181, %add3A_182 : i32
      %dma_wait3A_184 = arith.constant 1 : i32
      %dma_wait3A_185 = arith.constant 1 : i32
      %dma_wait3A_186 = arith.constant 0 : i32
      %dma_wait3A_187 = arith.constant 0 : i32
      %dma_wait3A_188 = tpu.memref_slice %arg8[%dma_wait3A_184, %dma_wait3A_186, %dma_wait3A_187] : memref<6x128x64xf32, #tpu.memory_space<vmem>> -> memref<1x128x64xf32, #tpu.memory_space<vmem>>
      %dma_wait3A_189 = tpu.memref_squeeze %dma_wait3A_188 : memref<1x128x64xf32, #tpu.memory_space<vmem>> -> memref<128x64xf32, #tpu.memory_space<vmem>>
      %dma_wait3A_190 = arith.constant 0 : i32
      %dma_wait3A_191 = tpu.memref_slice %arg6[%add3A_183, %dma_wait3A_190] : memref<79x128xi32, #tpu.memory_space<vmem>> -> memref<1x128xi32, #tpu.memory_space<vmem>>
      %dma_wait3A_192 = tpu.memref_squeeze %dma_wait3A_191 : memref<1x128xi32, #tpu.memory_space<vmem>> -> memref<128xi32, #tpu.memory_space<vmem>>
      %dma_wait3A_193 = arith.constant 0 : i32
      %dma_wait3A_194 = arith.constant 0 : i32
      %dma_wait3A_195 = tpu.memref_slice %arg3[%dma_wait3A_193, %dma_wait3A_194] : memref<10000x64xf32, #tpu.memory_space<hbm>> -> memref<10000x64xf32, #tpu.memory_space<hbm>>
      %dma_wait3A_196 = tpu.memref_slice %arg10[%dma_wait3A_185] : memref<6x!tpu.dma_semaphore, #tpu.memory_space<semaphore_mem>> -> memref<1x!tpu.dma_semaphore, #tpu.memory_space<semaphore_mem>>
      %dma_wait3A_197 = tpu.memref_squeeze %dma_wait3A_196 : memref<1x!tpu.dma_semaphore, #tpu.memory_space<semaphore_mem>> -> memref<!tpu.dma_semaphore, #tpu.memory_space<semaphore_mem>>
      tpu.wait_indirect_dma semaphore(%dma_wait3A_197 : memref<!tpu.dma_semaphore, #tpu.memory_space<semaphore_mem>>) src(%dma_wait3A_195 : memref<10000x64xf32, #tpu.memory_space<hbm>>) dst(%dma_wait3A_189 : memref<128x64xf32, #tpu.memory_space<vmem>>)
      %dma_start3A_198 = arith.constant 1 : i32
      %dma_start3A_199 = arith.constant 1 : i32
      %dma_start3A_200 = arith.constant 0 : i32
      %dma_start3A_201 = arith.constant 0 : i32
      %dma_start3A_202 = tpu.memref_slice %arg8[%dma_start3A_198, %dma_start3A_200, %dma_start3A_201] : memref<6x128x64xf32, #tpu.memory_space<vmem>> -> memref<1x128x64xf32, #tpu.memory_space<vmem>>
      %dma_start3A_203 = tpu.memref_squeeze %dma_start3A_202 : memref<1x128x64xf32, #tpu.memory_space<vmem>> -> memref<128x64xf32, #tpu.memory_space<vmem>>
      %dma_start3A_204 = arith.constant 0 : i32
      %dma_start3A_205 = tpu.memref_slice %arg7[%add3A_183, %dma_start3A_204] : memref<79x128xi32, #tpu.memory_space<vmem>> -> memref<1x128xi32, #tpu.memory_space<vmem>>
      %dma_start3A_206 = tpu.memref_squeeze %dma_start3A_205 : memref<1x128xi32, #tpu.memory_space<vmem>> -> memref<128xi32, #tpu.memory_space<vmem>>
      %dma_start3A_207 = arith.constant 0 : i32
      %dma_start3A_208 = arith.constant 0 : i32
      %dma_start3A_209 = tpu.memref_slice %arg9[%dma_start3A_207, %dma_start3A_208] : memref<10000x64xf32, #tpu.memory_space<vmem_shared>> -> memref<10000x64xf32, #tpu.memory_space<vmem_shared>>
      %dma_start3A_210 = tpu.memref_slice %arg11[%dma_start3A_199] : memref<6x!tpu.dma_semaphore, #tpu.memory_space<semaphore_mem>> -> memref<1x!tpu.dma_semaphore, #tpu.memory_space<semaphore_mem>>
      %dma_start3A_211 = tpu.memref_squeeze %dma_start3A_210 : memref<1x!tpu.dma_semaphore, #tpu.memory_space<semaphore_mem>> -> memref<!tpu.dma_semaphore, #tpu.memory_space<semaphore_mem>>
      tpu.enqueue_indirect_dma source(%dma_start3A_203 : memref<128x64xf32, #tpu.memory_space<vmem>>) target(%dma_start3A_209 : memref<10000x64xf32, #tpu.memory_space<vmem_shared>>) offsets(%dma_start3A_206 : memref<128xi32, #tpu.memory_space<vmem>>) semaphore(%dma_start3A_211 : memref<!tpu.dma_semaphore, #tpu.memory_space<semaphore_mem>>) {add = true}
      %dma_wait3A_212 = arith.constant 1 : i32
      %dma_wait3A_213 = arith.constant 1 : i32
      %dma_wait3A_214 = arith.constant 0 : i32
      %dma_wait3A_215 = arith.constant 0 : i32
      %dma_wait3A_216 = tpu.memref_slice %arg8[%dma_wait3A_212, %dma_wait3A_214, %dma_wait3A_215] : memref<6x128x64xf32, #tpu.memory_space<vmem>> -> memref<1x128x64xf32, #tpu.memory_space<vmem>>
      %dma_wait3A_217 = tpu.memref_squeeze %dma_wait3A_216 : memref<1x128x64xf32, #tpu.memory_space<vmem>> -> memref<128x64xf32, #tpu.memory_space<vmem>>
      %dma_wait3A_218 = arith.constant 0 : i32
      %dma_wait3A_219 = tpu.memref_slice %arg7[%add3A_183, %dma_wait3A_218] : memref<79x128xi32, #tpu.memory_space<vmem>> -> memref<1x128xi32, #tpu.memory_space<vmem>>
      %dma_wait3A_220 = tpu.memref_squeeze %dma_wait3A_219 : memref<1x128xi32, #tpu.memory_space<vmem>> -> memref<128xi32, #tpu.memory_space<vmem>>
      %dma_wait3A_221 = arith.constant 0 : i32
      %dma_wait3A_222 = arith.constant 0 : i32
      %dma_wait3A_223 = tpu.memref_slice %arg9[%dma_wait3A_221, %dma_wait3A_222] : memref<10000x64xf32, #tpu.memory_space<vmem_shared>> -> memref<10000x64xf32, #tpu.memory_space<vmem_shared>>
      %dma_wait3A_224 = tpu.memref_slice %arg11[%dma_wait3A_213] : memref<6x!tpu.dma_semaphore, #tpu.memory_space<semaphore_mem>> -> memref<1x!tpu.dma_semaphore, #tpu.memory_space<semaphore_mem>>
      %dma_wait3A_225 = tpu.memref_squeeze %dma_wait3A_224 : memref<1x!tpu.dma_semaphore, #tpu.memory_space<semaphore_mem>> -> memref<!tpu.dma_semaphore, #tpu.memory_space<semaphore_mem>>
      tpu.wait_indirect_dma semaphore(%dma_wait3A_225 : memref<!tpu.dma_semaphore, #tpu.memory_space<semaphore_mem>>) src(%dma_wait3A_217 : memref<128x64xf32, #tpu.memory_space<vmem>>) dst(%dma_wait3A_223 : memref<10000x64xf32, #tpu.memory_space<vmem_shared>>)
      %add3A_226 = arith.constant 6 : i32
      %add3A_227 = arith.addi %add3A_183, %add3A_226 : i32
      %lt3A_228 = arith.constant 78 : i32
      %lt3A_229 = arith.cmpi slt, %add3A_227, %lt3A_228 : i32
      %convert_element_type3A_230 = arith.extui %lt3A_229 : i1 to i32
      %cond3A_231 = arith.constant 0 : i32
      %cond3A_232 = arith.cmpi ne, %convert_element_type3A_230, %cond3A_231 : i32
      scf.if %cond3A_232 {
        %add3A_445 = arith.constant 6 : i32
        %add3A_446 = arith.addi %add3A_183, %add3A_445 : i32
        %dma_start3A_447 = arith.constant 1 : i32
        %dma_start3A_448 = arith.constant 1 : i32
        %dma_start3A_449 = arith.constant 0 : i32
        %dma_start3A_450 = arith.constant 0 : i32
        %dma_start3A_451 = tpu.memref_slice %arg8[%dma_start3A_447, %dma_start3A_449, %dma_start3A_450] : memref<6x128x64xf32, #tpu.memory_space<vmem>> -> memref<1x128x64xf32, #tpu.memory_space<vmem>>
        %dma_start3A_452 = tpu.memref_squeeze %dma_start3A_451 : memref<1x128x64xf32, #tpu.memory_space<vmem>> -> memref<128x64xf32, #tpu.memory_space<vmem>>
        %dma_start3A_453 = arith.constant 0 : i32
        %dma_start3A_454 = tpu.memref_slice %arg6[%add3A_446, %dma_start3A_453] : memref<79x128xi32, #tpu.memory_space<vmem>> -> memref<1x128xi32, #tpu.memory_space<vmem>>
        %dma_start3A_455 = tpu.memref_squeeze %dma_start3A_454 : memref<1x128xi32, #tpu.memory_space<vmem>> -> memref<128xi32, #tpu.memory_space<vmem>>
        %dma_start3A_456 = arith.constant 0 : i32
        %dma_start3A_457 = arith.constant 0 : i32
        %dma_start3A_458 = tpu.memref_slice %arg3[%dma_start3A_456, %dma_start3A_457] : memref<10000x64xf32, #tpu.memory_space<hbm>> -> memref<10000x64xf32, #tpu.memory_space<hbm>>
        %dma_start3A_459 = tpu.memref_slice %arg10[%dma_start3A_448] : memref<6x!tpu.dma_semaphore, #tpu.memory_space<semaphore_mem>> -> memref<1x!tpu.dma_semaphore, #tpu.memory_space<semaphore_mem>>
        %dma_start3A_460 = tpu.memref_squeeze %dma_start3A_459 : memref<1x!tpu.dma_semaphore, #tpu.memory_space<semaphore_mem>> -> memref<!tpu.dma_semaphore, #tpu.memory_space<semaphore_mem>>
        tpu.enqueue_indirect_dma source(%dma_start3A_458 : memref<10000x64xf32, #tpu.memory_space<hbm>>) target(%dma_start3A_452 : memref<128x64xf32, #tpu.memory_space<vmem>>) offsets(%dma_start3A_455 : memref<128xi32, #tpu.memory_space<vmem>>) semaphore(%dma_start3A_460 : memref<!tpu.dma_semaphore, #tpu.memory_space<semaphore_mem>>)
      } else {
      }
      %mul3A_233 = arith.constant 6 : i32
      %mul3A_234 = arith.muli %scan3A_127, %mul3A_233 : i32
      %add3A_235 = arith.constant 2 : i32
      %add3A_236 = arith.addi %mul3A_234, %add3A_235 : i32
      %dma_wait3A_237 = arith.constant 2 : i32
      %dma_wait3A_238 = arith.constant 2 : i32
      %dma_wait3A_239 = arith.constant 0 : i32
      %dma_wait3A_240 = arith.constant 0 : i32
      %dma_wait3A_241 = tpu.memref_slice %arg8[%dma_wait3A_237, %dma_wait3A_239, %dma_wait3A_240] : memref<6x128x64xf32, #tpu.memory_space<vmem>> -> memref<1x128x64xf32, #tpu.memory_space<vmem>>
      %dma_wait3A_242 = tpu.memref_squeeze %dma_wait3A_241 : memref<1x128x64xf32, #tpu.memory_space<vmem>> -> memref<128x64xf32, #tpu.memory_space<vmem>>
      %dma_wait3A_243 = arith.constant 0 : i32
      %dma_wait3A_244 = tpu.memref_slice %arg6[%add3A_236, %dma_wait3A_243] : memref<79x128xi32, #tpu.memory_space<vmem>> -> memref<1x128xi32, #tpu.memory_space<vmem>>
      %dma_wait3A_245 = tpu.memref_squeeze %dma_wait3A_244 : memref<1x128xi32, #tpu.memory_space<vmem>> -> memref<128xi32, #tpu.memory_space<vmem>>
      %dma_wait3A_246 = arith.constant 0 : i32
      %dma_wait3A_247 = arith.constant 0 : i32
      %dma_wait3A_248 = tpu.memref_slice %arg3[%dma_wait3A_246, %dma_wait3A_247] : memref<10000x64xf32, #tpu.memory_space<hbm>> -> memref<10000x64xf32, #tpu.memory_space<hbm>>
      %dma_wait3A_249 = tpu.memref_slice %arg10[%dma_wait3A_238] : memref<6x!tpu.dma_semaphore, #tpu.memory_space<semaphore_mem>> -> memref<1x!tpu.dma_semaphore, #tpu.memory_space<semaphore_mem>>
      %dma_wait3A_250 = tpu.memref_squeeze %dma_wait3A_249 : memref<1x!tpu.dma_semaphore, #tpu.memory_space<semaphore_mem>> -> memref<!tpu.dma_semaphore, #tpu.memory_space<semaphore_mem>>
      tpu.wait_indirect_dma semaphore(%dma_wait3A_250 : memref<!tpu.dma_semaphore, #tpu.memory_space<semaphore_mem>>) src(%dma_wait3A_248 : memref<10000x64xf32, #tpu.memory_space<hbm>>) dst(%dma_wait3A_242 : memref<128x64xf32, #tpu.memory_space<vmem>>)
      %dma_start3A_251 = arith.constant 2 : i32
      %dma_start3A_252 = arith.constant 2 : i32
      %dma_start3A_253 = arith.constant 0 : i32
      %dma_start3A_254 = arith.constant 0 : i32
      %dma_start3A_255 = tpu.memref_slice %arg8[%dma_start3A_251, %dma_start3A_253, %dma_start3A_254] : memref<6x128x64xf32, #tpu.memory_space<vmem>> -> memref<1x128x64xf32, #tpu.memory_space<vmem>>
      %dma_start3A_256 = tpu.memref_squeeze %dma_start3A_255 : memref<1x128x64xf32, #tpu.memory_space<vmem>> -> memref<128x64xf32, #tpu.memory_space<vmem>>
      %dma_start3A_257 = arith.constant 0 : i32
      %dma_start3A_258 = tpu.memref_slice %arg7[%add3A_236, %dma_start3A_257] : memref<79x128xi32, #tpu.memory_space<vmem>> -> memref<1x128xi32, #tpu.memory_space<vmem>>
      %dma_start3A_259 = tpu.memref_squeeze %dma_start3A_258 : memref<1x128xi32, #tpu.memory_space<vmem>> -> memref<128xi32, #tpu.memory_space<vmem>>
      %dma_start3A_260 = arith.constant 0 : i32
      %dma_start3A_261 = arith.constant 0 : i32
      %dma_start3A_262 = tpu.memref_slice %arg9[%dma_start3A_260, %dma_start3A_261] : memref<10000x64xf32, #tpu.memory_space<vmem_shared>> -> memref<10000x64xf32, #tpu.memory_space<vmem_shared>>
      %dma_start3A_263 = tpu.memref_slice %arg11[%dma_start3A_252] : memref<6x!tpu.dma_semaphore, #tpu.memory_space<semaphore_mem>> -> memref<1x!tpu.dma_semaphore, #tpu.memory_space<semaphore_mem>>
      %dma_start3A_264 = tpu.memref_squeeze %dma_start3A_263 : memref<1x!tpu.dma_semaphore, #tpu.memory_space<semaphore_mem>> -> memref<!tpu.dma_semaphore, #tpu.memory_space<semaphore_mem>>
      tpu.enqueue_indirect_dma source(%dma_start3A_256 : memref<128x64xf32, #tpu.memory_space<vmem>>) target(%dma_start3A_262 : memref<10000x64xf32, #tpu.memory_space<vmem_shared>>) offsets(%dma_start3A_259 : memref<128xi32, #tpu.memory_space<vmem>>) semaphore(%dma_start3A_264 : memref<!tpu.dma_semaphore, #tpu.memory_space<semaphore_mem>>) {add = true}
      %dma_wait3A_265 = arith.constant 2 : i32
      %dma_wait3A_266 = arith.constant 2 : i32
      %dma_wait3A_267 = arith.constant 0 : i32
      %dma_wait3A_268 = arith.constant 0 : i32
      %dma_wait3A_269 = tpu.memref_slice %arg8[%dma_wait3A_265, %dma_wait3A_267, %dma_wait3A_268] : memref<6x128x64xf32, #tpu.memory_space<vmem>> -> memref<1x128x64xf32, #tpu.memory_space<vmem>>
      %dma_wait3A_270 = tpu.memref_squeeze %dma_wait3A_269 : memref<1x128x64xf32, #tpu.memory_space<vmem>> -> memref<128x64xf32, #tpu.memory_space<vmem>>
      %dma_wait3A_271 = arith.constant 0 : i32
      %dma_wait3A_272 = tpu.memref_slice %arg7[%add3A_236, %dma_wait3A_271] : memref<79x128xi32, #tpu.memory_space<vmem>> -> memref<1x128xi32, #tpu.memory_space<vmem>>
      %dma_wait3A_273 = tpu.memref_squeeze %dma_wait3A_272 : memref<1x128xi32, #tpu.memory_space<vmem>> -> memref<128xi32, #tpu.memory_space<vmem>>
      %dma_wait3A_274 = arith.constant 0 : i32
      %dma_wait3A_275 = arith.constant 0 : i32
      %dma_wait3A_276 = tpu.memref_slice %arg9[%dma_wait3A_274, %dma_wait3A_275] : memref<10000x64xf32, #tpu.memory_space<vmem_shared>> -> memref<10000x64xf32, #tpu.memory_space<vmem_shared>>
      %dma_wait3A_277 = tpu.memref_slice %arg11[%dma_wait3A_266] : memref<6x!tpu.dma_semaphore, #tpu.memory_space<semaphore_mem>> -> memref<1x!tpu.dma_semaphore, #tpu.memory_space<semaphore_mem>>
      %dma_wait3A_278 = tpu.memref_squeeze %dma_wait3A_277 : memref<1x!tpu.dma_semaphore, #tpu.memory_space<semaphore_mem>> -> memref<!tpu.dma_semaphore, #tpu.memory_space<semaphore_mem>>
      tpu.wait_indirect_dma semaphore(%dma_wait3A_278 : memref<!tpu.dma_semaphore, #tpu.memory_space<semaphore_mem>>) src(%dma_wait3A_270 : memref<128x64xf32, #tpu.memory_space<vmem>>) dst(%dma_wait3A_276 : memref<10000x64xf32, #tpu.memory_space<vmem_shared>>)
      %add3A_279 = arith.constant 6 : i32
      %add3A_280 = arith.addi %add3A_236, %add3A_279 : i32
      %lt3A_281 = arith.constant 78 : i32
      %lt3A_282 = arith.cmpi slt, %add3A_280, %lt3A_281 : i32
      %convert_element_type3A_283 = arith.extui %lt3A_282 : i1 to i32
      %cond3A_284 = arith.constant 0 : i32
      %cond3A_285 = arith.cmpi ne, %convert_element_type3A_283, %cond3A_284 : i32
      scf.if %cond3A_285 {
        %add3A_445 = arith.constant 6 : i32
        %add3A_446 = arith.addi %add3A_236, %add3A_445 : i32
        %dma_start3A_447 = arith.constant 2 : i32
        %dma_start3A_448 = arith.constant 2 : i32
        %dma_start3A_449 = arith.constant 0 : i32
        %dma_start3A_450 = arith.constant 0 : i32
        %dma_start3A_451 = tpu.memref_slice %arg8[%dma_start3A_447, %dma_start3A_449, %dma_start3A_450] : memref<6x128x64xf32, #tpu.memory_space<vmem>> -> memref<1x128x64xf32, #tpu.memory_space<vmem>>
        %dma_start3A_452 = tpu.memref_squeeze %dma_start3A_451 : memref<1x128x64xf32, #tpu.memory_space<vmem>> -> memref<128x64xf32, #tpu.memory_space<vmem>>
        %dma_start3A_453 = arith.constant 0 : i32
        %dma_start3A_454 = tpu.memref_slice %arg6[%add3A_446, %dma_start3A_453] : memref<79x128xi32, #tpu.memory_space<vmem>> -> memref<1x128xi32, #tpu.memory_space<vmem>>
        %dma_start3A_455 = tpu.memref_squeeze %dma_start3A_454 : memref<1x128xi32, #tpu.memory_space<vmem>> -> memref<128xi32, #tpu.memory_space<vmem>>
        %dma_start3A_456 = arith.constant 0 : i32
        %dma_start3A_457 = arith.constant 0 : i32
        %dma_start3A_458 = tpu.memref_slice %arg3[%dma_start3A_456, %dma_start3A_457] : memref<10000x64xf32, #tpu.memory_space<hbm>> -> memref<10000x64xf32, #tpu.memory_space<hbm>>
        %dma_start3A_459 = tpu.memref_slice %arg10[%dma_start3A_448] : memref<6x!tpu.dma_semaphore, #tpu.memory_space<semaphore_mem>> -> memref<1x!tpu.dma_semaphore, #tpu.memory_space<semaphore_mem>>
        %dma_start3A_460 = tpu.memref_squeeze %dma_start3A_459 : memref<1x!tpu.dma_semaphore, #tpu.memory_space<semaphore_mem>> -> memref<!tpu.dma_semaphore, #tpu.memory_space<semaphore_mem>>
        tpu.enqueue_indirect_dma source(%dma_start3A_458 : memref<10000x64xf32, #tpu.memory_space<hbm>>) target(%dma_start3A_452 : memref<128x64xf32, #tpu.memory_space<vmem>>) offsets(%dma_start3A_455 : memref<128xi32, #tpu.memory_space<vmem>>) semaphore(%dma_start3A_460 : memref<!tpu.dma_semaphore, #tpu.memory_space<semaphore_mem>>)
      } else {
      }
      %mul3A_286 = arith.constant 6 : i32
      %mul3A_287 = arith.muli %scan3A_127, %mul3A_286 : i32
      %add3A_288 = arith.constant 3 : i32
      %add3A_289 = arith.addi %mul3A_287, %add3A_288 : i32
      %dma_wait3A_290 = arith.constant 3 : i32
      %dma_wait3A_291 = arith.constant 3 : i32
      %dma_wait3A_292 = arith.constant 0 : i32
      %dma_wait3A_293 = arith.constant 0 : i32
      %dma_wait3A_294 = tpu.memref_slice %arg8[%dma_wait3A_290, %dma_wait3A_292, %dma_wait3A_293] : memref<6x128x64xf32, #tpu.memory_space<vmem>> -> memref<1x128x64xf32, #tpu.memory_space<vmem>>
      %dma_wait3A_295 = tpu.memref_squeeze %dma_wait3A_294 : memref<1x128x64xf32, #tpu.memory_space<vmem>> -> memref<128x64xf32, #tpu.memory_space<vmem>>
      %dma_wait3A_296 = arith.constant 0 : i32
      %dma_wait3A_297 = tpu.memref_slice %arg6[%add3A_289, %dma_wait3A_296] : memref<79x128xi32, #tpu.memory_space<vmem>> -> memref<1x128xi32, #tpu.memory_space<vmem>>
      %dma_wait3A_298 = tpu.memref_squeeze %dma_wait3A_297 : memref<1x128xi32, #tpu.memory_space<vmem>> -> memref<128xi32, #tpu.memory_space<vmem>>
      %dma_wait3A_299 = arith.constant 0 : i32
      %dma_wait3A_300 = arith.constant 0 : i32
      %dma_wait3A_301 = tpu.memref_slice %arg3[%dma_wait3A_299, %dma_wait3A_300] : memref<10000x64xf32, #tpu.memory_space<hbm>> -> memref<10000x64xf32, #tpu.memory_space<hbm>>
      %dma_wait3A_302 = tpu.memref_slice %arg10[%dma_wait3A_291] : memref<6x!tpu.dma_semaphore, #tpu.memory_space<semaphore_mem>> -> memref<1x!tpu.dma_semaphore, #tpu.memory_space<semaphore_mem>>
      %dma_wait3A_303 = tpu.memref_squeeze %dma_wait3A_302 : memref<1x!tpu.dma_semaphore, #tpu.memory_space<semaphore_mem>> -> memref<!tpu.dma_semaphore, #tpu.memory_space<semaphore_mem>>
      tpu.wait_indirect_dma semaphore(%dma_wait3A_303 : memref<!tpu.dma_semaphore, #tpu.memory_space<semaphore_mem>>) src(%dma_wait3A_301 : memref<10000x64xf32, #tpu.memory_space<hbm>>) dst(%dma_wait3A_295 : memref<128x64xf32, #tpu.memory_space<vmem>>)
      %dma_start3A_304 = arith.constant 3 : i32
      %dma_start3A_305 = arith.constant 3 : i32
      %dma_start3A_306 = arith.constant 0 : i32
      %dma_start3A_307 = arith.constant 0 : i32
      %dma_start3A_308 = tpu.memref_slice %arg8[%dma_start3A_304, %dma_start3A_306, %dma_start3A_307] : memref<6x128x64xf32, #tpu.memory_space<vmem>> -> memref<1x128x64xf32, #tpu.memory_space<vmem>>
      %dma_start3A_309 = tpu.memref_squeeze %dma_start3A_308 : memref<1x128x64xf32, #tpu.memory_space<vmem>> -> memref<128x64xf32, #tpu.memory_space<vmem>>
      %dma_start3A_310 = arith.constant 0 : i32
      %dma_start3A_311 = tpu.memref_slice %arg7[%add3A_289, %dma_start3A_310] : memref<79x128xi32, #tpu.memory_space<vmem>> -> memref<1x128xi32, #tpu.memory_space<vmem>>
      %dma_start3A_312 = tpu.memref_squeeze %dma_start3A_311 : memref<1x128xi32, #tpu.memory_space<vmem>> -> memref<128xi32, #tpu.memory_space<vmem>>
      %dma_start3A_313 = arith.constant 0 : i32
      %dma_start3A_314 = arith.constant 0 : i32
      %dma_start3A_315 = tpu.memref_slice %arg9[%dma_start3A_313, %dma_start3A_314] : memref<10000x64xf32, #tpu.memory_space<vmem_shared>> -> memref<10000x64xf32, #tpu.memory_space<vmem_shared>>
      %dma_start3A_316 = tpu.memref_slice %arg11[%dma_start3A_305] : memref<6x!tpu.dma_semaphore, #tpu.memory_space<semaphore_mem>> -> memref<1x!tpu.dma_semaphore, #tpu.memory_space<semaphore_mem>>
      %dma_start3A_317 = tpu.memref_squeeze %dma_start3A_316 : memref<1x!tpu.dma_semaphore, #tpu.memory_space<semaphore_mem>> -> memref<!tpu.dma_semaphore, #tpu.memory_space<semaphore_mem>>
      tpu.enqueue_indirect_dma source(%dma_start3A_309 : memref<128x64xf32, #tpu.memory_space<vmem>>) target(%dma_start3A_315 : memref<10000x64xf32, #tpu.memory_space<vmem_shared>>) offsets(%dma_start3A_312 : memref<128xi32, #tpu.memory_space<vmem>>) semaphore(%dma_start3A_317 : memref<!tpu.dma_semaphore, #tpu.memory_space<semaphore_mem>>) {add = true}
      %dma_wait3A_318 = arith.constant 3 : i32
      %dma_wait3A_319 = arith.constant 3 : i32
      %dma_wait3A_320 = arith.constant 0 : i32
      %dma_wait3A_321 = arith.constant 0 : i32
      %dma_wait3A_322 = tpu.memref_slice %arg8[%dma_wait3A_318, %dma_wait3A_320, %dma_wait3A_321] : memref<6x128x64xf32, #tpu.memory_space<vmem>> -> memref<1x128x64xf32, #tpu.memory_space<vmem>>
      %dma_wait3A_323 = tpu.memref_squeeze %dma_wait3A_322 : memref<1x128x64xf32, #tpu.memory_space<vmem>> -> memref<128x64xf32, #tpu.memory_space<vmem>>
      %dma_wait3A_324 = arith.constant 0 : i32
      %dma_wait3A_325 = tpu.memref_slice %arg7[%add3A_289, %dma_wait3A_324] : memref<79x128xi32, #tpu.memory_space<vmem>> -> memref<1x128xi32, #tpu.memory_space<vmem>>
      %dma_wait3A_326 = tpu.memref_squeeze %dma_wait3A_325 : memref<1x128xi32, #tpu.memory_space<vmem>> -> memref<128xi32, #tpu.memory_space<vmem>>
      %dma_wait3A_327 = arith.constant 0 : i32
      %dma_wait3A_328 = arith.constant 0 : i32
      %dma_wait3A_329 = tpu.memref_slice %arg9[%dma_wait3A_327, %dma_wait3A_328] : memref<10000x64xf32, #tpu.memory_space<vmem_shared>> -> memref<10000x64xf32, #tpu.memory_space<vmem_shared>>
      %dma_wait3A_330 = tpu.memref_slice %arg11[%dma_wait3A_319] : memref<6x!tpu.dma_semaphore, #tpu.memory_space<semaphore_mem>> -> memref<1x!tpu.dma_semaphore, #tpu.memory_space<semaphore_mem>>
      %dma_wait3A_331 = tpu.memref_squeeze %dma_wait3A_330 : memref<1x!tpu.dma_semaphore, #tpu.memory_space<semaphore_mem>> -> memref<!tpu.dma_semaphore, #tpu.memory_space<semaphore_mem>>
      tpu.wait_indirect_dma semaphore(%dma_wait3A_331 : memref<!tpu.dma_semaphore, #tpu.memory_space<semaphore_mem>>) src(%dma_wait3A_323 : memref<128x64xf32, #tpu.memory_space<vmem>>) dst(%dma_wait3A_329 : memref<10000x64xf32, #tpu.memory_space<vmem_shared>>)
      %add3A_332 = arith.constant 6 : i32
      %add3A_333 = arith.addi %add3A_289, %add3A_332 : i32
      %lt3A_334 = arith.constant 78 : i32
      %lt3A_335 = arith.cmpi slt, %add3A_333, %lt3A_334 : i32
      %convert_element_type3A_336 = arith.extui %lt3A_335 : i1 to i32
      %cond3A_337 = arith.constant 0 : i32
      %cond3A_338 = arith.cmpi ne, %convert_element_type3A_336, %cond3A_337 : i32
      scf.if %cond3A_338 {
        %add3A_445 = arith.constant 6 : i32
        %add3A_446 = arith.addi %add3A_289, %add3A_445 : i32
        %dma_start3A_447 = arith.constant 3 : i32
        %dma_start3A_448 = arith.constant 3 : i32
        %dma_start3A_449 = arith.constant 0 : i32
        %dma_start3A_450 = arith.constant 0 : i32
        %dma_start3A_451 = tpu.memref_slice %arg8[%dma_start3A_447, %dma_start3A_449, %dma_start3A_450] : memref<6x128x64xf32, #tpu.memory_space<vmem>> -> memref<1x128x64xf32, #tpu.memory_space<vmem>>
        %dma_start3A_452 = tpu.memref_squeeze %dma_start3A_451 : memref<1x128x64xf32, #tpu.memory_space<vmem>> -> memref<128x64xf32, #tpu.memory_space<vmem>>
        %dma_start3A_453 = arith.constant 0 : i32
        %dma_start3A_454 = tpu.memref_slice %arg6[%add3A_446, %dma_start3A_453] : memref<79x128xi32, #tpu.memory_space<vmem>> -> memref<1x128xi32, #tpu.memory_space<vmem>>
        %dma_start3A_455 = tpu.memref_squeeze %dma_start3A_454 : memref<1x128xi32, #tpu.memory_space<vmem>> -> memref<128xi32, #tpu.memory_space<vmem>>
        %dma_start3A_456 = arith.constant 0 : i32
        %dma_start3A_457 = arith.constant 0 : i32
        %dma_start3A_458 = tpu.memref_slice %arg3[%dma_start3A_456, %dma_start3A_457] : memref<10000x64xf32, #tpu.memory_space<hbm>> -> memref<10000x64xf32, #tpu.memory_space<hbm>>
        %dma_start3A_459 = tpu.memref_slice %arg10[%dma_start3A_448] : memref<6x!tpu.dma_semaphore, #tpu.memory_space<semaphore_mem>> -> memref<1x!tpu.dma_semaphore, #tpu.memory_space<semaphore_mem>>
        %dma_start3A_460 = tpu.memref_squeeze %dma_start3A_459 : memref<1x!tpu.dma_semaphore, #tpu.memory_space<semaphore_mem>> -> memref<!tpu.dma_semaphore, #tpu.memory_space<semaphore_mem>>
        tpu.enqueue_indirect_dma source(%dma_start3A_458 : memref<10000x64xf32, #tpu.memory_space<hbm>>) target(%dma_start3A_452 : memref<128x64xf32, #tpu.memory_space<vmem>>) offsets(%dma_start3A_455 : memref<128xi32, #tpu.memory_space<vmem>>) semaphore(%dma_start3A_460 : memref<!tpu.dma_semaphore, #tpu.memory_space<semaphore_mem>>)
      } else {
      }
      %mul3A_339 = arith.constant 6 : i32
      %mul3A_340 = arith.muli %scan3A_127, %mul3A_339 : i32
      %add3A_341 = arith.constant 4 : i32
      %add3A_342 = arith.addi %mul3A_340, %add3A_341 : i32
      %dma_wait3A_343 = arith.constant 4 : i32
      %dma_wait3A_344 = arith.constant 4 : i32
      %dma_wait3A_345 = arith.constant 0 : i32
      %dma_wait3A_346 = arith.constant 0 : i32
      %dma_wait3A_347 = tpu.memref_slice %arg8[%dma_wait3A_343, %dma_wait3A_345, %dma_wait3A_346] : memref<6x128x64xf32, #tpu.memory_space<vmem>> -> memref<1x128x64xf32, #tpu.memory_space<vmem>>
      %dma_wait3A_348 = tpu.memref_squeeze %dma_wait3A_347 : memref<1x128x64xf32, #tpu.memory_space<vmem>> -> memref<128x64xf32, #tpu.memory_space<vmem>>
      %dma_wait3A_349 = arith.constant 0 : i32
      %dma_wait3A_350 = tpu.memref_slice %arg6[%add3A_342, %dma_wait3A_349] : memref<79x128xi32, #tpu.memory_space<vmem>> -> memref<1x128xi32, #tpu.memory_space<vmem>>
      %dma_wait3A_351 = tpu.memref_squeeze %dma_wait3A_350 : memref<1x128xi32, #tpu.memory_space<vmem>> -> memref<128xi32, #tpu.memory_space<vmem>>
      %dma_wait3A_352 = arith.constant 0 : i32
      %dma_wait3A_353 = arith.constant 0 : i32
      %dma_wait3A_354 = tpu.memref_slice %arg3[%dma_wait3A_352, %dma_wait3A_353] : memref<10000x64xf32, #tpu.memory_space<hbm>> -> memref<10000x64xf32, #tpu.memory_space<hbm>>
      %dma_wait3A_355 = tpu.memref_slice %arg10[%dma_wait3A_344] : memref<6x!tpu.dma_semaphore, #tpu.memory_space<semaphore_mem>> -> memref<1x!tpu.dma_semaphore, #tpu.memory_space<semaphore_mem>>
      %dma_wait3A_356 = tpu.memref_squeeze %dma_wait3A_355 : memref<1x!tpu.dma_semaphore, #tpu.memory_space<semaphore_mem>> -> memref<!tpu.dma_semaphore, #tpu.memory_space<semaphore_mem>>
      tpu.wait_indirect_dma semaphore(%dma_wait3A_356 : memref<!tpu.dma_semaphore, #tpu.memory_space<semaphore_mem>>) src(%dma_wait3A_354 : memref<10000x64xf32, #tpu.memory_space<hbm>>) dst(%dma_wait3A_348 : memref<128x64xf32, #tpu.memory_space<vmem>>)
      %dma_start3A_357 = arith.constant 4 : i32
      %dma_start3A_358 = arith.constant 4 : i32
      %dma_start3A_359 = arith.constant 0 : i32
      %dma_start3A_360 = arith.constant 0 : i32
      %dma_start3A_361 = tpu.memref_slice %arg8[%dma_start3A_357, %dma_start3A_359, %dma_start3A_360] : memref<6x128x64xf32, #tpu.memory_space<vmem>> -> memref<1x128x64xf32, #tpu.memory_space<vmem>>
      %dma_start3A_362 = tpu.memref_squeeze %dma_start3A_361 : memref<1x128x64xf32, #tpu.memory_space<vmem>> -> memref<128x64xf32, #tpu.memory_space<vmem>>
      %dma_start3A_363 = arith.constant 0 : i32
      %dma_start3A_364 = tpu.memref_slice %arg7[%add3A_342, %dma_start3A_363] : memref<79x128xi32, #tpu.memory_space<vmem>> -> memref<1x128xi32, #tpu.memory_space<vmem>>
      %dma_start3A_365 = tpu.memref_squeeze %dma_start3A_364 : memref<1x128xi32, #tpu.memory_space<vmem>> -> memref<128xi32, #tpu.memory_space<vmem>>
      %dma_start3A_366 = arith.constant 0 : i32
      %dma_start3A_367 = arith.constant 0 : i32
      %dma_start3A_368 = tpu.memref_slice %arg9[%dma_start3A_366, %dma_start3A_367] : memref<10000x64xf32, #tpu.memory_space<vmem_shared>> -> memref<10000x64xf32, #tpu.memory_space<vmem_shared>>
      %dma_start3A_369 = tpu.memref_slice %arg11[%dma_start3A_358] : memref<6x!tpu.dma_semaphore, #tpu.memory_space<semaphore_mem>> -> memref<1x!tpu.dma_semaphore, #tpu.memory_space<semaphore_mem>>
      %dma_start3A_370 = tpu.memref_squeeze %dma_start3A_369 : memref<1x!tpu.dma_semaphore, #tpu.memory_space<semaphore_mem>> -> memref<!tpu.dma_semaphore, #tpu.memory_space<semaphore_mem>>
      tpu.enqueue_indirect_dma source(%dma_start3A_362 : memref<128x64xf32, #tpu.memory_space<vmem>>) target(%dma_start3A_368 : memref<10000x64xf32, #tpu.memory_space<vmem_shared>>) offsets(%dma_start3A_365 : memref<128xi32, #tpu.memory_space<vmem>>) semaphore(%dma_start3A_370 : memref<!tpu.dma_semaphore, #tpu.memory_space<semaphore_mem>>) {add = true}
      %dma_wait3A_371 = arith.constant 4 : i32
      %dma_wait3A_372 = arith.constant 4 : i32
      %dma_wait3A_373 = arith.constant 0 : i32
      %dma_wait3A_374 = arith.constant 0 : i32
      %dma_wait3A_375 = tpu.memref_slice %arg8[%dma_wait3A_371, %dma_wait3A_373, %dma_wait3A_374] : memref<6x128x64xf32, #tpu.memory_space<vmem>> -> memref<1x128x64xf32, #tpu.memory_space<vmem>>
      %dma_wait3A_376 = tpu.memref_squeeze %dma_wait3A_375 : memref<1x128x64xf32, #tpu.memory_space<vmem>> -> memref<128x64xf32, #tpu.memory_space<vmem>>
      %dma_wait3A_377 = arith.constant 0 : i32
      %dma_wait3A_378 = tpu.memref_slice %arg7[%add3A_342, %dma_wait3A_377] : memref<79x128xi32, #tpu.memory_space<vmem>> -> memref<1x128xi32, #tpu.memory_space<vmem>>
      %dma_wait3A_379 = tpu.memref_squeeze %dma_wait3A_378 : memref<1x128xi32, #tpu.memory_space<vmem>> -> memref<128xi32, #tpu.memory_space<vmem>>
      %dma_wait3A_380 = arith.constant 0 : i32
      %dma_wait3A_381 = arith.constant 0 : i32
      %dma_wait3A_382 = tpu.memref_slice %arg9[%dma_wait3A_380, %dma_wait3A_381] : memref<10000x64xf32, #tpu.memory_space<vmem_shared>> -> memref<10000x64xf32, #tpu.memory_space<vmem_shared>>
      %dma_wait3A_383 = tpu.memref_slice %arg11[%dma_wait3A_372] : memref<6x!tpu.dma_semaphore, #tpu.memory_space<semaphore_mem>> -> memref<1x!tpu.dma_semaphore, #tpu.memory_space<semaphore_mem>>
      %dma_wait3A_384 = tpu.memref_squeeze %dma_wait3A_383 : memref<1x!tpu.dma_semaphore, #tpu.memory_space<semaphore_mem>> -> memref<!tpu.dma_semaphore, #tpu.memory_space<semaphore_mem>>
      tpu.wait_indirect_dma semaphore(%dma_wait3A_384 : memref<!tpu.dma_semaphore, #tpu.memory_space<semaphore_mem>>) src(%dma_wait3A_376 : memref<128x64xf32, #tpu.memory_space<vmem>>) dst(%dma_wait3A_382 : memref<10000x64xf32, #tpu.memory_space<vmem_shared>>)
      %add3A_385 = arith.constant 6 : i32
      %add3A_386 = arith.addi %add3A_342, %add3A_385 : i32
      %lt3A_387 = arith.constant 78 : i32
      %lt3A_388 = arith.cmpi slt, %add3A_386, %lt3A_387 : i32
      %convert_element_type3A_389 = arith.extui %lt3A_388 : i1 to i32
      %cond3A_390 = arith.constant 0 : i32
      %cond3A_391 = arith.cmpi ne, %convert_element_type3A_389, %cond3A_390 : i32
      scf.if %cond3A_391 {
        %add3A_445 = arith.constant 6 : i32
        %add3A_446 = arith.addi %add3A_342, %add3A_445 : i32
        %dma_start3A_447 = arith.constant 4 : i32
        %dma_start3A_448 = arith.constant 4 : i32
        %dma_start3A_449 = arith.constant 0 : i32
        %dma_start3A_450 = arith.constant 0 : i32
        %dma_start3A_451 = tpu.memref_slice %arg8[%dma_start3A_447, %dma_start3A_449, %dma_start3A_450] : memref<6x128x64xf32, #tpu.memory_space<vmem>> -> memref<1x128x64xf32, #tpu.memory_space<vmem>>
        %dma_start3A_452 = tpu.memref_squeeze %dma_start3A_451 : memref<1x128x64xf32, #tpu.memory_space<vmem>> -> memref<128x64xf32, #tpu.memory_space<vmem>>
        %dma_start3A_453 = arith.constant 0 : i32
        %dma_start3A_454 = tpu.memref_slice %arg6[%add3A_446, %dma_start3A_453] : memref<79x128xi32, #tpu.memory_space<vmem>> -> memref<1x128xi32, #tpu.memory_space<vmem>>
        %dma_start3A_455 = tpu.memref_squeeze %dma_start3A_454 : memref<1x128xi32, #tpu.memory_space<vmem>> -> memref<128xi32, #tpu.memory_space<vmem>>
        %dma_start3A_456 = arith.constant 0 : i32
        %dma_start3A_457 = arith.constant 0 : i32
        %dma_start3A_458 = tpu.memref_slice %arg3[%dma_start3A_456, %dma_start3A_457] : memref<10000x64xf32, #tpu.memory_space<hbm>> -> memref<10000x64xf32, #tpu.memory_space<hbm>>
        %dma_start3A_459 = tpu.memref_slice %arg10[%dma_start3A_448] : memref<6x!tpu.dma_semaphore, #tpu.memory_space<semaphore_mem>> -> memref<1x!tpu.dma_semaphore, #tpu.memory_space<semaphore_mem>>
        %dma_start3A_460 = tpu.memref_squeeze %dma_start3A_459 : memref<1x!tpu.dma_semaphore, #tpu.memory_space<semaphore_mem>> -> memref<!tpu.dma_semaphore, #tpu.memory_space<semaphore_mem>>
        tpu.enqueue_indirect_dma source(%dma_start3A_458 : memref<10000x64xf32, #tpu.memory_space<hbm>>) target(%dma_start3A_452 : memref<128x64xf32, #tpu.memory_space<vmem>>) offsets(%dma_start3A_455 : memref<128xi32, #tpu.memory_space<vmem>>) semaphore(%dma_start3A_460 : memref<!tpu.dma_semaphore, #tpu.memory_space<semaphore_mem>>)
      } else {
      }
      %mul3A_392 = arith.constant 6 : i32
      %mul3A_393 = arith.muli %scan3A_127, %mul3A_392 : i32
      %add3A_394 = arith.constant 5 : i32
      %add3A_395 = arith.addi %mul3A_393, %add3A_394 : i32
      %dma_wait3A_396 = arith.constant 5 : i32
      %dma_wait3A_397 = arith.constant 5 : i32
      %dma_wait3A_398 = arith.constant 0 : i32
      %dma_wait3A_399 = arith.constant 0 : i32
      %dma_wait3A_400 = tpu.memref_slice %arg8[%dma_wait3A_396, %dma_wait3A_398, %dma_wait3A_399] : memref<6x128x64xf32, #tpu.memory_space<vmem>> -> memref<1x128x64xf32, #tpu.memory_space<vmem>>
      %dma_wait3A_401 = tpu.memref_squeeze %dma_wait3A_400 : memref<1x128x64xf32, #tpu.memory_space<vmem>> -> memref<128x64xf32, #tpu.memory_space<vmem>>
      %dma_wait3A_402 = arith.constant 0 : i32
      %dma_wait3A_403 = tpu.memref_slice %arg6[%add3A_395, %dma_wait3A_402] : memref<79x128xi32, #tpu.memory_space<vmem>> -> memref<1x128xi32, #tpu.memory_space<vmem>>
      %dma_wait3A_404 = tpu.memref_squeeze %dma_wait3A_403 : memref<1x128xi32, #tpu.memory_space<vmem>> -> memref<128xi32, #tpu.memory_space<vmem>>
      %dma_wait3A_405 = arith.constant 0 : i32
      %dma_wait3A_406 = arith.constant 0 : i32
      %dma_wait3A_407 = tpu.memref_slice %arg3[%dma_wait3A_405, %dma_wait3A_406] : memref<10000x64xf32, #tpu.memory_space<hbm>> -> memref<10000x64xf32, #tpu.memory_space<hbm>>
      %dma_wait3A_408 = tpu.memref_slice %arg10[%dma_wait3A_397] : memref<6x!tpu.dma_semaphore, #tpu.memory_space<semaphore_mem>> -> memref<1x!tpu.dma_semaphore, #tpu.memory_space<semaphore_mem>>
      %dma_wait3A_409 = tpu.memref_squeeze %dma_wait3A_408 : memref<1x!tpu.dma_semaphore, #tpu.memory_space<semaphore_mem>> -> memref<!tpu.dma_semaphore, #tpu.memory_space<semaphore_mem>>
      tpu.wait_indirect_dma semaphore(%dma_wait3A_409 : memref<!tpu.dma_semaphore, #tpu.memory_space<semaphore_mem>>) src(%dma_wait3A_407 : memref<10000x64xf32, #tpu.memory_space<hbm>>) dst(%dma_wait3A_401 : memref<128x64xf32, #tpu.memory_space<vmem>>)
      %dma_start3A_410 = arith.constant 5 : i32
      %dma_start3A_411 = arith.constant 5 : i32
      %dma_start3A_412 = arith.constant 0 : i32
      %dma_start3A_413 = arith.constant 0 : i32
      %dma_start3A_414 = tpu.memref_slice %arg8[%dma_start3A_410, %dma_start3A_412, %dma_start3A_413] : memref<6x128x64xf32, #tpu.memory_space<vmem>> -> memref<1x128x64xf32, #tpu.memory_space<vmem>>
      %dma_start3A_415 = tpu.memref_squeeze %dma_start3A_414 : memref<1x128x64xf32, #tpu.memory_space<vmem>> -> memref<128x64xf32, #tpu.memory_space<vmem>>
      %dma_start3A_416 = arith.constant 0 : i32
      %dma_start3A_417 = tpu.memref_slice %arg7[%add3A_395, %dma_start3A_416] : memref<79x128xi32, #tpu.memory_space<vmem>> -> memref<1x128xi32, #tpu.memory_space<vmem>>
      %dma_start3A_418 = tpu.memref_squeeze %dma_start3A_417 : memref<1x128xi32, #tpu.memory_space<vmem>> -> memref<128xi32, #tpu.memory_space<vmem>>
      %dma_start3A_419 = arith.constant 0 : i32
      %dma_start3A_420 = arith.constant 0 : i32
      %dma_start3A_421 = tpu.memref_slice %arg9[%dma_start3A_419, %dma_start3A_420] : memref<10000x64xf32, #tpu.memory_space<vmem_shared>> -> memref<10000x64xf32, #tpu.memory_space<vmem_shared>>
      %dma_start3A_422 = tpu.memref_slice %arg11[%dma_start3A_411] : memref<6x!tpu.dma_semaphore, #tpu.memory_space<semaphore_mem>> -> memref<1x!tpu.dma_semaphore, #tpu.memory_space<semaphore_mem>>
      %dma_start3A_423 = tpu.memref_squeeze %dma_start3A_422 : memref<1x!tpu.dma_semaphore, #tpu.memory_space<semaphore_mem>> -> memref<!tpu.dma_semaphore, #tpu.memory_space<semaphore_mem>>
      tpu.enqueue_indirect_dma source(%dma_start3A_415 : memref<128x64xf32, #tpu.memory_space<vmem>>) target(%dma_start3A_421 : memref<10000x64xf32, #tpu.memory_space<vmem_shared>>) offsets(%dma_start3A_418 : memref<128xi32, #tpu.memory_space<vmem>>) semaphore(%dma_start3A_423 : memref<!tpu.dma_semaphore, #tpu.memory_space<semaphore_mem>>) {add = true}
      %dma_wait3A_424 = arith.constant 5 : i32
      %dma_wait3A_425 = arith.constant 5 : i32
      %dma_wait3A_426 = arith.constant 0 : i32
      %dma_wait3A_427 = arith.constant 0 : i32
      %dma_wait3A_428 = tpu.memref_slice %arg8[%dma_wait3A_424, %dma_wait3A_426, %dma_wait3A_427] : memref<6x128x64xf32, #tpu.memory_space<vmem>> -> memref<1x128x64xf32, #tpu.memory_space<vmem>>
      %dma_wait3A_429 = tpu.memref_squeeze %dma_wait3A_428 : memref<1x128x64xf32, #tpu.memory_space<vmem>> -> memref<128x64xf32, #tpu.memory_space<vmem>>
      %dma_wait3A_430 = arith.constant 0 : i32
      %dma_wait3A_431 = tpu.memref_slice %arg7[%add3A_395, %dma_wait3A_430] : memref<79x128xi32, #tpu.memory_space<vmem>> -> memref<1x128xi32, #tpu.memory_space<vmem>>
      %dma_wait3A_432 = tpu.memref_squeeze %dma_wait3A_431 : memref<1x128xi32, #tpu.memory_space<vmem>> -> memref<128xi32, #tpu.memory_space<vmem>>
      %dma_wait3A_433 = arith.constant 0 : i32
      %dma_wait3A_434 = arith.constant 0 : i32
      %dma_wait3A_435 = tpu.memref_slice %arg9[%dma_wait3A_433, %dma_wait3A_434] : memref<10000x64xf32, #tpu.memory_space<vmem_shared>> -> memref<10000x64xf32, #tpu.memory_space<vmem_shared>>
      %dma_wait3A_436 = tpu.memref_slice %arg11[%dma_wait3A_425] : memref<6x!tpu.dma_semaphore, #tpu.memory_space<semaphore_mem>> -> memref<1x!tpu.dma_semaphore, #tpu.memory_space<semaphore_mem>>
      %dma_wait3A_437 = tpu.memref_squeeze %dma_wait3A_436 : memref<1x!tpu.dma_semaphore, #tpu.memory_space<semaphore_mem>> -> memref<!tpu.dma_semaphore, #tpu.memory_space<semaphore_mem>>
      tpu.wait_indirect_dma semaphore(%dma_wait3A_437 : memref<!tpu.dma_semaphore, #tpu.memory_space<semaphore_mem>>) src(%dma_wait3A_429 : memref<128x64xf32, #tpu.memory_space<vmem>>) dst(%dma_wait3A_435 : memref<10000x64xf32, #tpu.memory_space<vmem_shared>>)
      %add3A_438 = arith.constant 6 : i32
      %add3A_439 = arith.addi %add3A_395, %add3A_438 : i32
      %lt3A_440 = arith.constant 78 : i32
      %lt3A_441 = arith.cmpi slt, %add3A_439, %lt3A_440 : i32
      %convert_element_type3A_442 = arith.extui %lt3A_441 : i1 to i32
      %cond3A_443 = arith.constant 0 : i32
      %cond3A_444 = arith.cmpi ne, %convert_element_type3A_442, %cond3A_443 : i32
      scf.if %cond3A_444 {
        %add3A_445 = arith.constant 6 : i32
        %add3A_446 = arith.addi %add3A_395, %add3A_445 : i32
        %dma_start3A_447 = arith.constant 5 : i32
        %dma_start3A_448 = arith.constant 5 : i32
        %dma_start3A_449 = arith.constant 0 : i32
        %dma_start3A_450 = arith.constant 0 : i32
        %dma_start3A_451 = tpu.memref_slice %arg8[%dma_start3A_447, %dma_start3A_449, %dma_start3A_450] : memref<6x128x64xf32, #tpu.memory_space<vmem>> -> memref<1x128x64xf32, #tpu.memory_space<vmem>>
        %dma_start3A_452 = tpu.memref_squeeze %dma_start3A_451 : memref<1x128x64xf32, #tpu.memory_space<vmem>> -> memref<128x64xf32, #tpu.memory_space<vmem>>
        %dma_start3A_453 = arith.constant 0 : i32
        %dma_start3A_454 = tpu.memref_slice %arg6[%add3A_446, %dma_start3A_453] : memref<79x128xi32, #tpu.memory_space<vmem>> -> memref<1x128xi32, #tpu.memory_space<vmem>>
        %dma_start3A_455 = tpu.memref_squeeze %dma_start3A_454 : memref<1x128xi32, #tpu.memory_space<vmem>> -> memref<128xi32, #tpu.memory_space<vmem>>
        %dma_start3A_456 = arith.constant 0 : i32
        %dma_start3A_457 = arith.constant 0 : i32
        %dma_start3A_458 = tpu.memref_slice %arg3[%dma_start3A_456, %dma_start3A_457] : memref<10000x64xf32, #tpu.memory_space<hbm>> -> memref<10000x64xf32, #tpu.memory_space<hbm>>
        %dma_start3A_459 = tpu.memref_slice %arg10[%dma_start3A_448] : memref<6x!tpu.dma_semaphore, #tpu.memory_space<semaphore_mem>> -> memref<1x!tpu.dma_semaphore, #tpu.memory_space<semaphore_mem>>
        %dma_start3A_460 = tpu.memref_squeeze %dma_start3A_459 : memref<1x!tpu.dma_semaphore, #tpu.memory_space<semaphore_mem>> -> memref<!tpu.dma_semaphore, #tpu.memory_space<semaphore_mem>>
        tpu.enqueue_indirect_dma source(%dma_start3A_458 : memref<10000x64xf32, #tpu.memory_space<hbm>>) target(%dma_start3A_452 : memref<128x64xf32, #tpu.memory_space<vmem>>) offsets(%dma_start3A_455 : memref<128xi32, #tpu.memory_space<vmem>>) semaphore(%dma_start3A_460 : memref<!tpu.dma_semaphore, #tpu.memory_space<semaphore_mem>>)
      } else {
      }
    }
    %scan3A_110 = arith.constant 13 : i32
    %lt3A_111 = arith.constant 4 : i32
    %lt3A_112 = arith.cmpi slt, %add3A, %lt3A_111 : i32
    %convert_element_type3A_113 = arith.extui %lt3A_112 : i1 to i32
    %cond3A_114 = arith.constant 0 : i32
    %cond3A_115 = arith.cmpi ne, %convert_element_type3A_113, %cond3A_114 : i32
    scf.if %cond3A_115 {
      %dma_start3A_127 = arith.constant 78 : i32
      %dma_start3A_128 = arith.constant 0 : i32
      %dma_start3A_129 = arith.constant 0 : i32
      %dma_start3A_130 = arith.constant 0 : i32
      %dma_start3A_131 = arith.constant 0 : i32
      %dma_start3A_132 = tpu.memref_slice %arg8[%dma_start3A_128, %dma_start3A_130, %dma_start3A_131] : memref<6x128x64xf32, #tpu.memory_space<vmem>> -> memref<1x128x64xf32, #tpu.memory_space<vmem>>
      %dma_start3A_133 = tpu.memref_squeeze %dma_start3A_132 : memref<1x128x64xf32, #tpu.memory_space<vmem>> -> memref<128x64xf32, #tpu.memory_space<vmem>>
      %dma_start3A_134 = arith.constant 0 : i32
      %dma_start3A_135 = tpu.memref_slice %arg6[%dma_start3A_127, %dma_start3A_134] : memref<79x128xi32, #tpu.memory_space<vmem>> -> memref<1x128xi32, #tpu.memory_space<vmem>>
      %dma_start3A_136 = tpu.memref_squeeze %dma_start3A_135 : memref<1x128xi32, #tpu.memory_space<vmem>> -> memref<128xi32, #tpu.memory_space<vmem>>
      %dma_start3A_137 = arith.constant 0 : i32
      %dma_start3A_138 = arith.constant 0 : i32
      %dma_start3A_139 = tpu.memref_slice %arg3[%dma_start3A_137, %dma_start3A_138] : memref<10000x64xf32, #tpu.memory_space<hbm>> -> memref<10000x64xf32, #tpu.memory_space<hbm>>
      %dma_start3A_140 = tpu.memref_slice %arg10[%dma_start3A_129] : memref<6x!tpu.dma_semaphore, #tpu.memory_space<semaphore_mem>> -> memref<1x!tpu.dma_semaphore, #tpu.memory_space<semaphore_mem>>
      %dma_start3A_141 = tpu.memref_squeeze %dma_start3A_140 : memref<1x!tpu.dma_semaphore, #tpu.memory_space<semaphore_mem>> -> memref<!tpu.dma_semaphore, #tpu.memory_space<semaphore_mem>>
      tpu.enqueue_indirect_dma source(%dma_start3A_139 : memref<10000x64xf32, #tpu.memory_space<hbm>>) target(%dma_start3A_133 : memref<128x64xf32, #tpu.memory_space<vmem>>) offsets(%dma_start3A_136 : memref<128xi32, #tpu.memory_space<vmem>>) semaphore(%dma_start3A_141 : memref<!tpu.dma_semaphore, #tpu.memory_space<semaphore_mem>>)
      %dma_wait3A = arith.constant 78 : i32
      %dma_wait3A_142 = arith.constant 0 : i32
      %dma_wait3A_143 = arith.constant 0 : i32
      %dma_wait3A_144 = arith.constant 0 : i32
      %dma_wait3A_145 = arith.constant 0 : i32
      %dma_wait3A_146 = tpu.memref_slice %arg8[%dma_wait3A_142, %dma_wait3A_144, %dma_wait3A_145] : memref<6x128x64xf32, #tpu.memory_space<vmem>> -> memref<1x128x64xf32, #tpu.memory_space<vmem>>
      %dma_wait3A_147 = tpu.memref_squeeze %dma_wait3A_146 : memref<1x128x64xf32, #tpu.memory_space<vmem>> -> memref<128x64xf32, #tpu.memory_space<vmem>>
      %dma_wait3A_148 = arith.constant 0 : i32
      %dma_wait3A_149 = tpu.memref_slice %arg6[%dma_wait3A, %dma_wait3A_148] : memref<79x128xi32, #tpu.memory_space<vmem>> -> memref<1x128xi32, #tpu.memory_space<vmem>>
      %dma_wait3A_150 = tpu.memref_squeeze %dma_wait3A_149 : memref<1x128xi32, #tpu.memory_space<vmem>> -> memref<128xi32, #tpu.memory_space<vmem>>
      %dma_wait3A_151 = arith.constant 0 : i32
      %dma_wait3A_152 = arith.constant 0 : i32
      %dma_wait3A_153 = tpu.memref_slice %arg3[%dma_wait3A_151, %dma_wait3A_152] : memref<10000x64xf32, #tpu.memory_space<hbm>> -> memref<10000x64xf32, #tpu.memory_space<hbm>>
      %dma_wait3A_154 = tpu.memref_slice %arg10[%dma_wait3A_143] : memref<6x!tpu.dma_semaphore, #tpu.memory_space<semaphore_mem>> -> memref<1x!tpu.dma_semaphore, #tpu.memory_space<semaphore_mem>>
      %dma_wait3A_155 = tpu.memref_squeeze %dma_wait3A_154 : memref<1x!tpu.dma_semaphore, #tpu.memory_space<semaphore_mem>> -> memref<!tpu.dma_semaphore, #tpu.memory_space<semaphore_mem>>
      tpu.wait_indirect_dma semaphore(%dma_wait3A_155 : memref<!tpu.dma_semaphore, #tpu.memory_space<semaphore_mem>>) src(%dma_wait3A_153 : memref<10000x64xf32, #tpu.memory_space<hbm>>) dst(%dma_wait3A_147 : memref<128x64xf32, #tpu.memory_space<vmem>>)
      %dma_start3A_156 = arith.constant 0 : i32
      %dma_start3A_157 = arith.constant 78 : i32
      %dma_start3A_158 = arith.constant 0 : i32
      %dma_start3A_159 = arith.constant 0 : i32
      %dma_start3A_160 = arith.constant 0 : i32
      %dma_start3A_161 = tpu.memref_slice %arg8[%dma_start3A_156, %dma_start3A_159, %dma_start3A_160] : memref<6x128x64xf32, #tpu.memory_space<vmem>> -> memref<1x128x64xf32, #tpu.memory_space<vmem>>
      %dma_start3A_162 = tpu.memref_squeeze %dma_start3A_161 : memref<1x128x64xf32, #tpu.memory_space<vmem>> -> memref<128x64xf32, #tpu.memory_space<vmem>>
      %dma_start3A_163 = arith.constant 0 : i32
      %dma_start3A_164 = tpu.memref_slice %arg7[%dma_start3A_157, %dma_start3A_163] : memref<79x128xi32, #tpu.memory_space<vmem>> -> memref<1x128xi32, #tpu.memory_space<vmem>>
      %dma_start3A_165 = tpu.memref_squeeze %dma_start3A_164 : memref<1x128xi32, #tpu.memory_space<vmem>> -> memref<128xi32, #tpu.memory_space<vmem>>
      %dma_start3A_166 = arith.constant 0 : i32
      %dma_start3A_167 = arith.constant 0 : i32
      %dma_start3A_168 = tpu.memref_slice %arg9[%dma_start3A_166, %dma_start3A_167] : memref<10000x64xf32, #tpu.memory_space<vmem_shared>> -> memref<10000x64xf32, #tpu.memory_space<vmem_shared>>
      %dma_start3A_169 = tpu.memref_slice %arg11[%dma_start3A_158] : memref<6x!tpu.dma_semaphore, #tpu.memory_space<semaphore_mem>> -> memref<1x!tpu.dma_semaphore, #tpu.memory_space<semaphore_mem>>
      %dma_start3A_170 = tpu.memref_squeeze %dma_start3A_169 : memref<1x!tpu.dma_semaphore, #tpu.memory_space<semaphore_mem>> -> memref<!tpu.dma_semaphore, #tpu.memory_space<semaphore_mem>>
      tpu.enqueue_indirect_dma source(%dma_start3A_162 : memref<128x64xf32, #tpu.memory_space<vmem>>) target(%dma_start3A_168 : memref<10000x64xf32, #tpu.memory_space<vmem_shared>>) offsets(%dma_start3A_165 : memref<128xi32, #tpu.memory_space<vmem>>) semaphore(%dma_start3A_170 : memref<!tpu.dma_semaphore, #tpu.memory_space<semaphore_mem>>) {add = true}
      %dma_wait3A_171 = arith.constant 0 : i32
      %dma_wait3A_172 = arith.constant 78 : i32
      %dma_wait3A_173 = arith.constant 0 : i32
      %dma_wait3A_174 = arith.constant 0 : i32
      %dma_wait3A_175 = arith.constant 0 : i32
      %dma_wait3A_176 = tpu.memref_slice %arg8[%dma_wait3A_171, %dma_wait3A_174, %dma_wait3A_175] : memref<6x128x64xf32, #tpu.memory_space<vmem>> -> memref<1x128x64xf32, #tpu.memory_space<vmem>>
      %dma_wait3A_177 = tpu.memref_squeeze %dma_wait3A_176 : memref<1x128x64xf32, #tpu.memory_space<vmem>> -> memref<128x64xf32, #tpu.memory_space<vmem>>
      %dma_wait3A_178 = arith.constant 0 : i32
      %dma_wait3A_179 = tpu.memref_slice %arg7[%dma_wait3A_172, %dma_wait3A_178] : memref<79x128xi32, #tpu.memory_space<vmem>> -> memref<1x128xi32, #tpu.memory_space<vmem>>
      %dma_wait3A_180 = tpu.memref_squeeze %dma_wait3A_179 : memref<1x128xi32, #tpu.memory_space<vmem>> -> memref<128xi32, #tpu.memory_space<vmem>>
      %dma_wait3A_181 = arith.constant 0 : i32
      %dma_wait3A_182 = arith.constant 0 : i32
      %dma_wait3A_183 = tpu.memref_slice %arg9[%dma_wait3A_181, %dma_wait3A_182] : memref<10000x64xf32, #tpu.memory_space<vmem_shared>> -> memref<10000x64xf32, #tpu.memory_space<vmem_shared>>
      %dma_wait3A_184 = tpu.memref_slice %arg11[%dma_wait3A_173] : memref<6x!tpu.dma_semaphore, #tpu.memory_space<semaphore_mem>> -> memref<1x!tpu.dma_semaphore, #tpu.memory_space<semaphore_mem>>
      %dma_wait3A_185 = tpu.memref_squeeze %dma_wait3A_184 : memref<1x!tpu.dma_semaphore, #tpu.memory_space<semaphore_mem>> -> memref<!tpu.dma_semaphore, #tpu.memory_space<semaphore_mem>>
      tpu.wait_indirect_dma semaphore(%dma_wait3A_185 : memref<!tpu.dma_semaphore, #tpu.memory_space<semaphore_mem>>) src(%dma_wait3A_177 : memref<128x64xf32, #tpu.memory_space<vmem>>) dst(%dma_wait3A_183 : memref<10000x64xf32, #tpu.memory_space<vmem_shared>>)
    } else {
    }
    %barrier3A_116 = arith.constant 0 : index
    tpu.barrier barrier_id(%barrier3A_116)
    %lt3A_117 = arith.constant 15 : i32
    %lt3A_118 = arith.cmpi slt, %arg1, %lt3A_117 : i32
    %convert_element_type3A_119 = arith.extui %lt3A_118 : i1 to i32
    %cond3A_120 = arith.constant 0 : i32
    %cond3A_121 = arith.cmpi ne, %convert_element_type3A_119, %cond3A_120 : i32
    scf.if %cond3A_121 {
      "tpu.region"() ({
        %run_scoped3A_127 = tpu.sem_alloc : memref<!tpu.dma_semaphore, #tpu.memory_space<semaphore_mem>>
        %dma_start3A_128 = arith.constant 0 : i32
        %dma_start3A_129 = tpu.memref_slice %arg5[%arg0, %multiple_of3A, %dma_start3A_128] : memref<2x10000x64xf32, #tpu.memory_space<hbm>> -> memref<1x624x64xf32, #tpu.memory_space<hbm>>
        %dma_start3A_130 = tpu.memref_squeeze %dma_start3A_129 : memref<1x624x64xf32, #tpu.memory_space<hbm>> -> memref<624x64xf32, #tpu.memory_space<hbm>>
        %dma_start3A_131 = arith.constant 0 : i32
        %dma_start3A_132 = tpu.memref_slice %arg9[%multiple_of3A, %dma_start3A_131] : memref<10000x64xf32, #tpu.memory_space<vmem_shared>> -> memref<624x64xf32, #tpu.memory_space<vmem_shared>>
        tpu.enqueue_dma source(%dma_start3A_132 : memref<624x64xf32, #tpu.memory_space<vmem_shared>>) target(%dma_start3A_130 : memref<624x64xf32, #tpu.memory_space<hbm>>) target_semaphore(%run_scoped3A_127 : memref<!tpu.dma_semaphore, #tpu.memory_space<semaphore_mem>>)
        %dma_wait3A = arith.constant 0 : i32
        %dma_wait3A_133 = tpu.memref_slice %arg5[%arg0, %multiple_of3A, %dma_wait3A] : memref<2x10000x64xf32, #tpu.memory_space<hbm>> -> memref<1x624x64xf32, #tpu.memory_space<hbm>>
        %dma_wait3A_134 = tpu.memref_squeeze %dma_wait3A_133 : memref<1x624x64xf32, #tpu.memory_space<hbm>> -> memref<624x64xf32, #tpu.memory_space<hbm>>
        %dma_wait3A_135 = arith.constant 0 : i32
        %dma_wait3A_136 = tpu.memref_slice %arg9[%multiple_of3A, %dma_wait3A_135] : memref<10000x64xf32, #tpu.memory_space<vmem_shared>> -> memref<624x64xf32, #tpu.memory_space<vmem_shared>>
        tpu.wait_dma2 semaphore(%run_scoped3A_127 : memref<!tpu.dma_semaphore, #tpu.memory_space<semaphore_mem>>) src(%dma_wait3A_136 : memref<624x64xf32, #tpu.memory_space<vmem_shared>>) dst(%dma_wait3A_134 : memref<624x64xf32, #tpu.memory_space<hbm>>)
        tpu.yield
      }) : () -> ()
    } else {
    }
    %eq3A_122 = arith.constant 15 : i32
    %eq3A_123 = arith.cmpi eq, %arg1, %eq3A_122 : i32
    %convert_element_type3A_124 = arith.extui %eq3A_123 : i1 to i32
    %cond3A_125 = arith.constant 0 : i32
    %cond3A_126 = arith.cmpi ne, %convert_element_type3A_124, %cond3A_125 : i32
    scf.if %cond3A_126 {
      "tpu.region"() ({
        %run_scoped3A_127 = tpu.sem_alloc : memref<!tpu.dma_semaphore, #tpu.memory_space<semaphore_mem>>
        %dma_start3A_128 = arith.constant 9360 : i32
        %dma_start3A_129 = arith.constant 0 : i32
        %dma_start3A_130 = tpu.memref_slice %arg5[%arg0, %dma_start3A_128, %dma_start3A_129] : memref<2x10000x64xf32, #tpu.memory_space<hbm>> -> memref<1x640x64xf32, #tpu.memory_space<hbm>>
        %dma_start3A_131 = tpu.memref_squeeze %dma_start3A_130 : memref<1x640x64xf32, #tpu.memory_space<hbm>> -> memref<640x64xf32, #tpu.memory_space<hbm>>
        %dma_start3A_132 = arith.constant 9360 : i32
        %dma_start3A_133 = arith.constant 0 : i32
        %dma_start3A_134 = tpu.memref_slice %arg9[%dma_start3A_132, %dma_start3A_133] : memref<10000x64xf32, #tpu.memory_space<vmem_shared>> -> memref<640x64xf32, #tpu.memory_space<vmem_shared>>
        tpu.enqueue_dma source(%dma_start3A_134 : memref<640x64xf32, #tpu.memory_space<vmem_shared>>) target(%dma_start3A_131 : memref<640x64xf32, #tpu.memory_space<hbm>>) target_semaphore(%run_scoped3A_127 : memref<!tpu.dma_semaphore, #tpu.memory_space<semaphore_mem>>)
        %dma_wait3A = arith.constant 9360 : i32
        %dma_wait3A_135 = arith.constant 0 : i32
        %dma_wait3A_136 = tpu.memref_slice %arg5[%arg0, %dma_wait3A, %dma_wait3A_135] : memref<2x10000x64xf32, #tpu.memory_space<hbm>> -> memref<1x640x64xf32, #tpu.memory_space<hbm>>
        %dma_wait3A_137 = tpu.memref_squeeze %dma_wait3A_136 : memref<1x640x64xf32, #tpu.memory_space<hbm>> -> memref<640x64xf32, #tpu.memory_space<hbm>>
        %dma_wait3A_138 = arith.constant 9360 : i32
        %dma_wait3A_139 = arith.constant 0 : i32
        %dma_wait3A_140 = tpu.memref_slice %arg9[%dma_wait3A_138, %dma_wait3A_139] : memref<10000x64xf32, #tpu.memory_space<vmem_shared>> -> memref<640x64xf32, #tpu.memory_space<vmem_shared>>
        tpu.wait_dma2 semaphore(%run_scoped3A_127 : memref<!tpu.dma_semaphore, #tpu.memory_space<semaphore_mem>>) src(%dma_wait3A_140 : memref<640x64xf32, #tpu.memory_space<vmem_shared>>) dst(%dma_wait3A_137 : memref<640x64xf32, #tpu.memory_space<hbm>>)
        tpu.yield
      }) : () -> ()
    } else {
    }
    return
  }
}

module attributes {stable_mosaic.version = 14 : i64} {
  func.func @_mm1_body(%arg0: memref<10000x128xf32, #tpu.memory_space<vmem>>, %arg1: memref<128x64xf32, #tpu.memory_space<vmem>>, %arg2: memref<127x16xf32, #tpu.memory_space<vmem>>, %arg3: memref<1x16xf32, #tpu.memory_space<vmem>>, %arg4: memref<1x16xf32, #tpu.memory_space<vmem>>, %arg5: memref<1x16xf32, #tpu.memory_space<vmem>>, %arg6: memref<10000x64xf32, #tpu.memory_space<vmem>>, %arg7: memref<10000x16xf32, #tpu.memory_space<vmem>>) attributes {dimension_semantics = [], scalar_prefetch = 0 : i64, scratch_operands = 0 : i64, tpu.core_type = #tpu.core_type<tc>} {
    %get3A = arith.constant 0 : index
    %get3A_0 = arith.constant 0 : index
    %get3A_1 = vector.load %arg0[%get3A, %get3A_0] : memref<10000x128xf32, #tpu.memory_space<vmem>>, vector<10000x128xf32>
    %get3A_2 = arith.constant 0 : index
    %get3A_3 = arith.constant 0 : index
    %get3A_4 = vector.load %arg1[%get3A_2, %get3A_3] : memref<128x64xf32, #tpu.memory_space<vmem>>, vector<128x64xf32>
    %dot_general3A = arith.constant dense<0.000000e+00> : vector<10000x64xf32>
    %dot_general3A_5 = tpu.matmul %get3A_1, %get3A_4, %dot_general3A {dimension_numbers = #tpu.dot_dimension_numbers<[1], [0], [0], [1], [0, 0, 1, 1], [], []>, transpose_lhs_hint = false} : vector<10000x128xf32>, vector<128x64xf32>, vector<10000x64xf32> -> vector<10000x64xf32>
    %swap3A = arith.constant 0 : index
    %swap3A_6 = arith.constant 0 : index
    %swap3A_7 = vector.load %arg6[%swap3A, %swap3A_6] : memref<10000x64xf32, #tpu.memory_space<vmem>>, vector<10000x64xf32>
    tpu.vector_store %arg6[%swap3A, %swap3A_6], %dot_general3A_5 {strides = array<i32>} : memref<10000x64xf32, #tpu.memory_space<vmem>>, vector<10000x64xf32>,
    %slice3A = vector.extract_strided_slice %get3A_1 {offsets = [0, 1], sizes = [10000, 127], strides = [1, 1]} : vector<10000x128xf32> to vector<10000x127xf32>
    %get3A_8 = arith.constant 0 : index
    %get3A_9 = arith.constant 0 : index
    %get3A_10 = vector.load %arg2[%get3A_8, %get3A_9] : memref<127x16xf32, #tpu.memory_space<vmem>>, vector<127x16xf32>
    %dot_general3A_11 = arith.constant dense<0.000000e+00> : vector<10000x16xf32>
    %dot_general3A_12 = tpu.matmul %slice3A, %get3A_10, %dot_general3A_11 {dimension_numbers = #tpu.dot_dimension_numbers<[1], [0], [0], [1], [0, 0, 1, 1], [], []>, transpose_lhs_hint = false} : vector<10000x127xf32>, vector<127x16xf32>, vector<10000x16xf32> -> vector<10000x16xf32>
    %get3A_13 = arith.constant 0 : index
    %get3A_14 = arith.constant 0 : index
    %get3A_15 = vector.load %arg3[%get3A_13, %get3A_14] : memref<1x16xf32, #tpu.memory_space<vmem>>, vector<1x16xf32>
    %add3A = vector.broadcast %get3A_15 : vector<1x16xf32> to vector<10000x16xf32>
    %add3A_16 = arith.addf %dot_general3A_12, %add3A : vector<10000x16xf32>
    %max3A = arith.constant 0.000000e+00 : f32
    %max3A_17 = vector.broadcast %max3A : f32 to vector<10000x16xf32>
    %max3A_18 = arith.maximumf %add3A_16, %max3A_17 : vector<10000x16xf32>
    %slice3A_19 = vector.extract_strided_slice %get3A_1 {offsets = [0, 0], sizes = [10000, 1], strides = [1, 1]} : vector<10000x128xf32> to vector<10000x1xf32>
    %get3A_20 = arith.constant 0 : index
    %get3A_21 = arith.constant 0 : index
    %get3A_22 = vector.load %arg4[%get3A_20, %get3A_21] : memref<1x16xf32, #tpu.memory_space<vmem>>, vector<1x16xf32>
    %mul3A = vector.broadcast %slice3A_19 : vector<10000x1xf32> to vector<10000x16xf32>
    %mul3A_23 = vector.broadcast %get3A_22 : vector<1x16xf32> to vector<10000x16xf32>
    %mul3A_24 = arith.mulf %mul3A, %mul3A_23 : vector<10000x16xf32>
    %get3A_25 = arith.constant 0 : index
    %get3A_26 = arith.constant 0 : index
    %get3A_27 = vector.load %arg5[%get3A_25, %get3A_26] : memref<1x16xf32, #tpu.memory_space<vmem>>, vector<1x16xf32>
    %add3A_28 = vector.broadcast %get3A_27 : vector<1x16xf32> to vector<10000x16xf32>
    %add3A_29 = arith.addf %mul3A_24, %add3A_28 : vector<10000x16xf32>
    %max3A_30 = arith.constant 0.000000e+00 : f32
    %max3A_31 = vector.broadcast %max3A_30 : f32 to vector<10000x16xf32>
    %max3A_32 = arith.maximumf %add3A_29, %max3A_31 : vector<10000x16xf32>
    %add3A_33 = arith.addf %max3A_18, %max3A_32 : vector<10000x16xf32>
    %swap3A_34 = arith.constant 0 : index
    %swap3A_35 = arith.constant 0 : index
    %swap3A_36 = vector.load %arg7[%swap3A_34, %swap3A_35] : memref<10000x16xf32, #tpu.memory_space<vmem>>, vector<10000x16xf32>
    tpu.vector_store %arg7[%swap3A_34, %swap3A_35], %add3A_33 {strides = array<i32>} : memref<10000x16xf32, #tpu.memory_space<vmem>>, vector<10000x16xf32>,
    return
  }
}

module attributes {stable_mosaic.version = 14 : i64} {
  func.func @_mm2_body(%arg0: memref<2x10000x64xf32, #tpu.memory_space<vmem>>, %arg1: memref<64x16xf32, #tpu.memory_space<vmem>>, %arg2: memref<10000x16xf32, #tpu.memory_space<vmem>>) attributes {dimension_semantics = [], scalar_prefetch = 0 : i64, scratch_operands = 0 : i64, tpu.core_type = #tpu.core_type<tc>} {
    %get3A = arith.constant 0 : index
    %get3A_0 = arith.constant 0 : index
    %get3A_1 = arith.constant 0 : index
    %get3A_2 = vector.load %arg0[%get3A, %get3A_0, %get3A_1] : memref<2x10000x64xf32, #tpu.memory_space<vmem>>, vector<1x10000x64xf32>
    %get3A_3 = vector.shape_cast %get3A_2 : vector<1x10000x64xf32> to vector<10000x64xf32>
    %get3A_4 = arith.constant 1 : index
    %get3A_5 = arith.constant 0 : index
    %get3A_6 = arith.constant 0 : index
    %get3A_7 = vector.load %arg0[%get3A_4, %get3A_5, %get3A_6] : memref<2x10000x64xf32, #tpu.memory_space<vmem>>, vector<1x10000x64xf32>
    %get3A_8 = vector.shape_cast %get3A_7 : vector<1x10000x64xf32> to vector<10000x64xf32>
    %add3A = arith.addf %get3A_3, %get3A_8 : vector<10000x64xf32>
    %get3A_9 = arith.constant 0 : index
    %get3A_10 = arith.constant 0 : index
    %get3A_11 = vector.load %arg1[%get3A_9, %get3A_10] : memref<64x16xf32, #tpu.memory_space<vmem>>, vector<64x16xf32>
    %dot_general3A = arith.constant dense<0.000000e+00> : vector<10000x16xf32>
    %dot_general3A_12 = tpu.matmul %add3A, %get3A_11, %dot_general3A {dimension_numbers = #tpu.dot_dimension_numbers<[1], [0], [0], [1], [0, 0, 1, 1], [], []>, transpose_lhs_hint = false} : vector<10000x64xf32>, vector<64x16xf32>, vector<10000x16xf32> -> vector<10000x16xf32>
    %swap3A = arith.constant 0 : index
    %swap3A_13 = arith.constant 0 : index
    %swap3A_14 = vector.load %arg2[%swap3A, %swap3A_13] : memref<10000x16xf32, #tpu.memory_space<vmem>>, vector<10000x16xf32>
    tpu.vector_store %arg2[%swap3A, %swap3A_13], %dot_general3A_12 {strides = array<i32>} : memref<10000x16xf32, #tpu.memory_space<vmem>>, vector<10000x16xf32>,
    return
  }
}

module attributes {stable_mosaic.version = 14 : i64} {
  func.func @_head_body(%arg0: memref<100x1600xf32, #tpu.memory_space<vmem>>, %arg1: memref<100x1600xf32, #tpu.memory_space<vmem>>, %arg2: memref<100x1600xf32, #tpu.memory_space<vmem>>, %arg3: memref<100x100xf32, #tpu.memory_space<vmem>>, %arg4: memref<1600x512xf32, #tpu.memory_space<vmem>>, %arg5: memref<1x512xf32, #tpu.memory_space<vmem>>, %arg6: memref<1700x512xf32, #tpu.memory_space<vmem>>, %arg7: memref<1x512xf32, #tpu.memory_space<vmem>>, %arg8: memref<512x512xf32, #tpu.memory_space<vmem>>, %arg9: memref<1x512xf32, #tpu.memory_space<vmem>>, %arg10: memref<512x128xf32, #tpu.memory_space<vmem>>, %arg11: memref<1x128xf32, #tpu.memory_space<vmem>>, %arg12: memref<100x128xf32, #tpu.memory_space<vmem>>) attributes {dimension_semantics = [], scalar_prefetch = 0 : i64, scratch_operands = 0 : i64, tpu.core_type = #tpu.core_type<tc>} {
    %get3A = arith.constant 0 : index
    %get3A_0 = arith.constant 0 : index
    %get3A_1 = vector.load %arg0[%get3A, %get3A_0] : memref<100x1600xf32, #tpu.memory_space<vmem>>, vector<100x1600xf32>
    %get3A_2 = arith.constant 0 : index
    %get3A_3 = arith.constant 0 : index
    %get3A_4 = vector.load %arg1[%get3A_2, %get3A_3] : memref<100x1600xf32, #tpu.memory_space<vmem>>, vector<100x1600xf32>
    %add3A = arith.addf %get3A_1, %get3A_4 : vector<100x1600xf32>
    %get3A_5 = arith.constant 0 : index
    %get3A_6 = arith.constant 0 : index
    %get3A_7 = vector.load %arg2[%get3A_5, %get3A_6] : memref<100x1600xf32, #tpu.memory_space<vmem>>, vector<100x1600xf32>
    %get3A_8 = arith.constant 0 : index
    %get3A_9 = arith.constant 0 : index
    %get3A_10 = vector.load %arg4[%get3A_8, %get3A_9] : memref<1600x512xf32, #tpu.memory_space<vmem>>, vector<1600x512xf32>
    %dot_general3A = arith.constant dense<0.000000e+00> : vector<100x512xf32>
    %dot_general3A_11 = tpu.matmul %get3A_7, %get3A_10, %dot_general3A {dimension_numbers = #tpu.dot_dimension_numbers<[1], [0], [0], [1], [0, 0, 1, 1], [], []>, transpose_lhs_hint = false} : vector<100x1600xf32>, vector<1600x512xf32>, vector<100x512xf32> -> vector<100x512xf32>
    %get3A_12 = arith.constant 0 : index
    %get3A_13 = arith.constant 0 : index
    %get3A_14 = vector.load %arg5[%get3A_12, %get3A_13] : memref<1x512xf32, #tpu.memory_space<vmem>>, vector<1x512xf32>
    %add3A_15 = vector.broadcast %get3A_14 : vector<1x512xf32> to vector<100x512xf32>
    %add3A_16 = arith.addf %dot_general3A_11, %add3A_15 : vector<100x512xf32>
    %max3A = arith.constant 0.000000e+00 : f32
    %max3A_17 = vector.broadcast %max3A : f32 to vector<100x512xf32>
    %max3A_18 = arith.maximumf %add3A_16, %max3A_17 : vector<100x512xf32>
    %get3A_19 = arith.constant 0 : index
    %get3A_20 = arith.constant 0 : index
    %get3A_21 = vector.load %arg3[%get3A_19, %get3A_20] : memref<100x100xf32, #tpu.memory_space<vmem>>, vector<100x100xf32>
    %get3A_22 = arith.constant 0 : index
    %get3A_23 = arith.constant 0 : index
    %get3A_24 = vector.load %arg6[%get3A_22, %get3A_23] : memref<1700x512xf32, #tpu.memory_space<vmem>>, vector<100x512xf32>
    %dot_general3A_25 = arith.constant dense<0.000000e+00> : vector<100x512xf32>
    %dot_general3A_26 = tpu.matmul %get3A_21, %get3A_24, %dot_general3A_25 {dimension_numbers = #tpu.dot_dimension_numbers<[1], [0], [0], [1], [0, 0, 1, 1], [], []>, transpose_lhs_hint = false} : vector<100x100xf32>, vector<100x512xf32>, vector<100x512xf32> -> vector<100x512xf32>
    %get3A_27 = arith.constant 100 : index
    %get3A_28 = arith.constant 0 : index
    %get3A_29 = vector.load %arg6[%get3A_27, %get3A_28] : memref<1700x512xf32, #tpu.memory_space<vmem>>, vector<1600x512xf32>
    %dot_general3A_30 = arith.constant dense<0.000000e+00> : vector<100x512xf32>
    %dot_general3A_31 = tpu.matmul %add3A, %get3A_29, %dot_general3A_30 {dimension_numbers = #tpu.dot_dimension_numbers<[1], [0], [0], [1], [0, 0, 1, 1], [], []>, transpose_lhs_hint = false} : vector<100x1600xf32>, vector<1600x512xf32>, vector<100x512xf32> -> vector<100x512xf32>
    %add3A_32 = arith.addf %dot_general3A_26, %dot_general3A_31 : vector<100x512xf32>
    %get3A_33 = arith.constant 0 : index
    %get3A_34 = arith.constant 0 : index
    %get3A_35 = vector.load %arg7[%get3A_33, %get3A_34] : memref<1x512xf32, #tpu.memory_space<vmem>>, vector<1x512xf32>
    %add3A_36 = vector.broadcast %get3A_35 : vector<1x512xf32> to vector<100x512xf32>
    %add3A_37 = arith.addf %add3A_32, %add3A_36 : vector<100x512xf32>
    %max3A_38 = arith.constant 0.000000e+00 : f32
    %max3A_39 = vector.broadcast %max3A_38 : f32 to vector<100x512xf32>
    %max3A_40 = arith.maximumf %add3A_37, %max3A_39 : vector<100x512xf32>
    %add3A_41 = arith.addf %max3A_40, %max3A_18 : vector<100x512xf32>
    %get3A_42 = arith.constant 0 : index
    %get3A_43 = arith.constant 0 : index
    %get3A_44 = vector.load %arg8[%get3A_42, %get3A_43] : memref<512x512xf32, #tpu.memory_space<vmem>>, vector<512x512xf32>
    %dot_general3A_45 = arith.constant dense<0.000000e+00> : vector<100x512xf32>
    %dot_general3A_46 = tpu.matmul %add3A_41, %get3A_44, %dot_general3A_45 {dimension_numbers = #tpu.dot_dimension_numbers<[1], [0], [0], [1], [0, 0, 1, 1], [], []>, transpose_lhs_hint = false} : vector<100x512xf32>, vector<512x512xf32>, vector<100x512xf32> -> vector<100x512xf32>
    %get3A_47 = arith.constant 0 : index
    %get3A_48 = arith.constant 0 : index
    %get3A_49 = vector.load %arg9[%get3A_47, %get3A_48] : memref<1x512xf32, #tpu.memory_space<vmem>>, vector<1x512xf32>
    %add3A_50 = vector.broadcast %get3A_49 : vector<1x512xf32> to vector<100x512xf32>
    %add3A_51 = arith.addf %dot_general3A_46, %add3A_50 : vector<100x512xf32>
    %max3A_52 = arith.constant 0.000000e+00 : f32
    %max3A_53 = vector.broadcast %max3A_52 : f32 to vector<100x512xf32>
    %max3A_54 = arith.maximumf %add3A_51, %max3A_53 : vector<100x512xf32>
    %get3A_55 = arith.constant 0 : index
    %get3A_56 = arith.constant 0 : index
    %get3A_57 = vector.load %arg8[%get3A_55, %get3A_56] : memref<512x512xf32, #tpu.memory_space<vmem>>, vector<512x512xf32>
    %dot_general3A_58 = arith.constant dense<0.000000e+00> : vector<100x512xf32>
    %dot_general3A_59 = tpu.matmul %max3A_54, %get3A_57, %dot_general3A_58 {dimension_numbers = #tpu.dot_dimension_numbers<[1], [0], [0], [1], [0, 0, 1, 1], [], []>, transpose_lhs_hint = false} : vector<100x512xf32>, vector<512x512xf32>, vector<100x512xf32> -> vector<100x512xf32>
    %get3A_60 = arith.constant 0 : index
    %get3A_61 = arith.constant 0 : index
    %get3A_62 = vector.load %arg9[%get3A_60, %get3A_61] : memref<1x512xf32, #tpu.memory_space<vmem>>, vector<1x512xf32>
    %add3A_63 = vector.broadcast %get3A_62 : vector<1x512xf32> to vector<100x512xf32>
    %add3A_64 = arith.addf %dot_general3A_59, %add3A_63 : vector<100x512xf32>
    %max3A_65 = arith.constant 0.000000e+00 : f32
    %max3A_66 = vector.broadcast %max3A_65 : f32 to vector<100x512xf32>
    %max3A_67 = arith.maximumf %add3A_64, %max3A_66 : vector<100x512xf32>
    %get3A_68 = arith.constant 0 : index
    %get3A_69 = arith.constant 0 : index
    %get3A_70 = vector.load %arg10[%get3A_68, %get3A_69] : memref<512x128xf32, #tpu.memory_space<vmem>>, vector<512x128xf32>
    %dot_general3A_71 = arith.constant dense<0.000000e+00> : vector<100x128xf32>
    %dot_general3A_72 = tpu.matmul %max3A_67, %get3A_70, %dot_general3A_71 {dimension_numbers = #tpu.dot_dimension_numbers<[1], [0], [0], [1], [0, 0, 1, 1], [], []>, transpose_lhs_hint = false} : vector<100x512xf32>, vector<512x128xf32>, vector<100x128xf32> -> vector<100x128xf32>
    %get3A_73 = arith.constant 0 : index
    %get3A_74 = arith.constant 0 : index
    %get3A_75 = vector.load %arg11[%get3A_73, %get3A_74] : memref<1x128xf32, #tpu.memory_space<vmem>>, vector<1x128xf32>
    %add3A_76 = vector.broadcast %get3A_75 : vector<1x128xf32> to vector<100x128xf32>
    %add3A_77 = arith.addf %dot_general3A_72, %add3A_76 : vector<100x128xf32>
    %max3A_78 = arith.constant 0.000000e+00 : f32
    %max3A_79 = vector.broadcast %max3A_78 : f32 to vector<100x128xf32>
    %max3A_80 = arith.maximumf %add3A_77, %max3A_79 : vector<100x128xf32>
    %swap3A = arith.constant 0 : index
    %swap3A_81 = arith.constant 0 : index
    %swap3A_82 = vector.load %arg12[%swap3A, %swap3A_81] : memref<100x128xf32, #tpu.memory_space<vmem>>, vector<100x128xf32>
    tpu.vector_store %arg12[%swap3A, %swap3A_81], %max3A_80 {strides = array<i32>} : memref<100x128xf32, #tpu.memory_space<vmem>>, vector<100x128xf32>,
    return
  }
}

</mosaic_0001>

<sc_bundles>
// kernel: kernel.10.cloned.1.call-start
scs
__scs_entry_jumppad:
0x0: {  	(pc) =	sbr.rel $0x88, $3  }
0x1: {  	(tag) =	ssettag $0x0;
	lr =	simm.s32 $0x1  }
0x2: {  	[smem:$0x3F90] =	sst lr;
	_ =	strace $0xD0000000  }
0x3: {  	_ = 	snop  }
0x4: {  	_ = 	snop  }
0x5: {  	_ = 	snop  }
0x6: {  	_ = 	snop  }
0x7: {  	_ = 	snop  }
__scs_overlays_trampoline_lowered:
0x8: {  	[smem:$0x3F9F] =	sst s0  }
0x9: {  	[smem:$0x3FA0] =	sst s1  }
0xa: {  	[smem:$0x3FA1] =	sst s2  }
0xb: {  	[smem:$0x3FA2] =	sst s3  }
0xc: {  	[smem:$0x3FA3] =	sst s4  }
0xd: {  	[smem:$0x3FA4] =	sst s5  }
0xe: {  	[smem:$0x3FA5] =	sst s6  }
0xf: {  	[smem:$0x3FA6] =	sst s7  }
0x10: {  	[smem:$0x3FA7] =	sst s8  }
0x11: {  	[smem:$0x3FA8] =	sst s9;
	s0 =	simm.s32 @!p0 $0x0  }
0x12: {  	s1 =	sld [smem:$0x3F8E];
	s0 =	simm.s32 @p0 $0x1  }
0x13: {  	[smem:$0x3FA9] =	sst s0;
	s0 =	simm.s32 @!p1 $0x0  }
0x14: {  	s2 =	sld [smem:$0x3F8D];
	s0 =	simm.s32 @p1 $0x1  }
0x15: {  	[smem:$0x3FAA] =	sst s0;
	s0 =	simm.s32 @!p2 $0x0  }
0x16: {  	s3 =	sld [smem:$0x3FDB];
	s0 =	simm.s32 @p2 $0x1  }
0x17: {  	s4 =	simm.s32 $0x1BF5;
	[smem:$0x3FAC] =	sst s0  }
0x18: {  	s0 =	sld [smem:$0x3F8F];
	_ =	swait.ge [sflag:s4], $0x0  }
0x19: {  	s7 =	sld [smem:$0x3F90]  }
0x1a: {  	s8 =	sadd.s32 $0xFFFFE003, lr  }
0x1b: {  	s9 =	sadd.s32 $0xFFFFFEF7, lr;
	s5 =	simm.s32 $0xFFFFFFFF;
	p2 =	slt.u32 s8, $0xFFFFF086  }
0x1c: {  	p1 =	slt.u32 s9, $0xF7A;
	s5 =	simm.s32 @!p2 $0x0  }
0x1d: {  	s5 =	simm.s32 @p1 $0x1;
	p0 =	seq.s32 s7, s2  }
0x1e: {  	s7 =	smul.u32 @!p0 $0xF7A, s2;
	p2 =	seq.s32 @!p0 s5, $0x0  }
0x1f: {  	s9 =	smul.u32 $0xF7A, s1;
	s8 =	simm.s32 @!p0 $0x1BF5;
	p2 =	por !p2, p0  }
0x20: {  	[sflag:s8] =	ssyncset.s32 @!p0 $0xFFFFF086;
	s6 =	sadd.s32 @!p0 s3, s7;
	s7 =	simm.s32 @!p0 $0x108  }
0x21: {  	s3 =	sadd.s32 s3, s9;
	s6 =	sadd.s32 @!p0 $0x88, s6;
	s7 =	simm.s32 @p2 $0x1082  }
0x22: {  	[simem:s7], [sflag:s8] =	dma.local @!p0 [hbm:s6], $0xF7A  }
0x23: {  	s9 =	sor.u32 $0xD0000000, s2;
	s6 =	simm.s32 $0x108;
	_ =	swait.ge @!p0 [sflag:s8], $0x0  }
0x24: {  	s3 =	sadd.s32 $0x88, s3;
	s6 =	simm.s32 @!p1 $0x1082;
	[sflag:s4] =	ssyncset.s32 $0xFFFFF086  }
0x25: {  	[simem:s6], [sflag:s4] =	dma.local [hbm:s3], $0xF7A  }
0x26: {  	[smem:$0x3F90] =	sst s1;
	(tag) =	ssettag s2;
	_ =	strace s9  }
0x27: {  	s1 =	sld [smem:$0x3FA0]  }
0x28: {  	s2 =	sld [smem:$0x3FA1]  }
0x29: {  	s4 =	sld [smem:$0x3FA3]  }
0x2a: {  	p0 =	seq.s32 s5, $0x0;
	s5 =	sld [smem:$0x3FA4]  }
0x2b: {  	s6 =	sld [smem:$0x3FA5]  }
0x2c: {  	s7 =	sld [smem:$0x3FA6]  }
0x2d: {  	s3 =	simm.s32 $0x108;
	s8 =	sld [smem:$0x3FA7]  }
0x2e: {  	s3 =	simm.s32 @!p0 $0x1082;
	s9 =	sld [smem:$0x3FA8]  }
0x2f: {  	lr =	sadd.s32 s0, s3;
	s0 =	sld [smem:$0x3F9F]  }
0x30: {  	s3 =	sld [smem:$0x3FA2]  }
0x31: {  	[smem:$0x3FAB] =	sst s10  }
0x32: {  	s10 =	sld [smem:$0x3FA9];
	_ =	sdelay $0x3  }
0x33: {  	p0 =	seq.s32 s10, $0x1;
	s10 =	sld [smem:$0x3FAB];
	_ =	sdelay $0x3  }
0x34: {  	[smem:$0x3FAB] =	sst s10  }
0x35: {  	s10 =	sld [smem:$0x3FAA];
	_ =	sdelay $0x3  }
0x36: {  	p1 =	seq.s32 s10, $0x1;
	s10 =	sld [smem:$0x3FAB];
	_ =	sdelay $0x3  }
0x37: {  	[smem:$0x3FAB] =	sst s10  }
0x38: {  	s10 =	sld [smem:$0x3FAC]  }
0x39: {  	_ = 	snop;
	(pc) =	sbr.ind lr, $3  }
0x3a: {  	_ = 	snop  }
0x3b: {  	_ = 	snop  }
0x3c: {  	p2 =	seq.s32 s10, $0x1;
	s10 =	sld [smem:$0x3FAB]  }
0x3d: {  	_ =	shalt  }
0x3e: {  	_ =	shalt  }
0x3f: {  	_ =	shalt  }
0x40: {  	_ =	shalt  }
0x41: {  	_ =	shalt  }
0x42: {  	_ =	shalt  }
0x43: {  	_ =	shalt  }
0x44: {  	_ =	shalt  }
0x45: {  	_ =	shalt  }
0x46: {  	_ =	shalt  }
0x47: {  	_ =	shalt  }
0x48: {  	_ =	shalt  }
0x49: {  	_ =	shalt  }
0x4a: {  	_ =	shalt  }
0x4b: {  	_ =	shalt  }
0x4c: {  	_ =	shalt  }
0x4d: {  	_ =	shalt  }
0x4e: {  	_ =	shalt  }
0x4f: {  	_ =	shalt  }
0x50: {  	_ =	shalt  }
0x51: {  	_ =	shalt  }
0x52: {  	_ =	shalt  }
0x53: {  	_ =	shalt  }
0x54: {  	_ =	shalt  }
0x55: {  	_ =	shalt  }
0x56: {  	_ =	shalt  }
0x57: {  	_ =	shalt  }
0x58: {  	_ =	shalt  }
0x59: {  	_ =	shalt  }
0x5a: {  	_ =	shalt  }
0x5b: {  	_ =	shalt  }
0x5c: {  	_ =	shalt  }
0x5d: {  	_ =	shalt  }
0x5e: {  	_ =	shalt  }
0x5f: {  	_ =	shalt  }
0x60: {  	_ =	shalt  }
0x61: {  	_ =	shalt  }
0x62: {  	_ =	shalt  }
0x63: {  	_ =	shalt  }
0x64: {  	_ =	shalt  }
0x65: {  	_ =	shalt  }
0x66: {  	_ =	shalt  }
0x67: {  	_ =	shalt  }
0x68: {  	_ =	shalt  }
0x69: {  	_ =	shalt  }
0x6a: {  	_ =	shalt  }
0x6b: {  	_ =	shalt  }
0x6c: {  	_ =	shalt  }
0x6d: {  	_ =	shalt  }
0x6e: {  	_ =	shalt  }
0x6f: {  	_ =	shalt  }
0x70: {  	_ =	shalt  }
0x71: {  	_ =	shalt  }
0x72: {  	_ =	shalt  }
0x73: {  	_ =	shalt  }
0x74: {  	_ =	shalt  }
0x75: {  	_ =	shalt  }
0x76: {  	_ =	shalt  }
0x77: {  	_ =	shalt  }
0x78: {  	_ =	shalt  }
0x79: {  	_ =	shalt  }
0x7a: {  	_ =	shalt  }
0x7b: {  	_ =	shalt  }
0x7c: {  	_ =	shalt  }
0x7d: {  	_ =	shalt  }
0x7e: {  	_ =	shalt  }
0x7f: {  	_ =	shalt  }
0x80: {  	_ =	shalt  }
0x81: {  	_ =	shalt  }
0x82: {  	_ =	shalt  }
0x83: {  	_ =	shalt  }
0x84: {  	_ =	shalt  }
0x85: {  	_ =	shalt  }
0x86: {  	_ =	shalt  }
0x87: {  	_ =	shalt  }
.Lfunc_end0:
.L_simem_size_0:
called_computation.1_lowered:
.L_overlay_start_0:
0x88: {  	s2 =	sld [smem:$0x3FD9]  }
0x89: {  	s3 =	sld [smem:$0x3FFE];
	_ =	sdelay $0x1  }
0x8a: {  	s1 =	srdreg.scid  }
0x8b: {  	s0 =	sand.u32 $0x1, s1  }
0x8c: {  	s16 =	sshll.u32 s0, $0xA;
	s2 =	sadd.s32 s3, s2  }
0x8d: {  	s2 =	sadd.s32 s2, s16  }
0x8e: {  	[smem:$0x3FB7] =	sst s2  }
0x8f: {  	_ = 	snop  }
0x90: {  	(tm) =	ssettm $0x1  }
0x91: {  	s17 =	sld [smem:$0x3FFB];
	_ =	sdelay $0x3  }
0x92: {  	_ =	strace s17  }
0x93: {  	s2 =	sld [smem:$0x3FFC];
	_ =	sdelay $0x3  }
0x94: {  	_ =	strace s2  }
0x95: {  	s2 =	sld [smem:$0x3FFD];
	_ =	sdelay $0x3  }
0x96: {  	_ =	strace s2  }
0x97: {  	_ =	strace $0x8FFFFFFF  }
0x98: {  	s18 =	sld [smem:$0x3FDB];
	_ =	sdelay $0x1  }
0x99: {  	s19 =	simm.s32 $_scs_section_size  }
0x9a: {  	s4 =	simm.s32 $_size__tile_overlayer_lowered;
	s5 =	simm.s32 $_tile_overlayer_lowered  }
0x9b: {  	s22 =	simm.s32 $0x1BFF;
	s21 =	sshll.u32 s5, $0x1;
	s2 =	sadd.s32 s19, s18  }
0x9c: {  	s6 =	simm.s32 $0x0;
	s20 =	sshll.u32 s4, $0x1;
	s4 =	sadd.s32 s21, s2  }
0x9d: {  	[timem:s6], [sflag:s22] =	dma.local [hbm:s4], s20  }
0x9e: {  	_ =	swait.ge [sflag:s22], s20  }
0x9f: {  	s3 =	ssub.s32 $0x0, s20;
	[sflag:s22] =	ssyncset.done $0x0  }
0xa0: {  	[sflag:s22] =	ssyncadd.s32 s3;
	_ =	sdelay $0x1  }
0xa1: {  	s23 =	simm.s32 $0x1B8B  }
0xa2: {  	_ =	swait.ge [sflag:s23], $0x1  }
0xa3: {  	[sflag:s23] =	ssyncset.done $0x0  }
0xa4: {  	s25 =	simm.s32 $0x1B8E;
	s24 =	sld [smem:$0x3FFE];
	[sflag:s23] =	ssyncadd.s32 $0xFFFFFFFF  }
0xa5: {  	s26 =	simm.s32 $execute0_lowered;
	[smem:$0x3FD2] =	sst s25  }
0xa6: {  	s4 =	sshll.u32 s26, $0x1;
	_ =	strace $0x80000049;
	[dreg:$0x1] =	wrdreg $0xFFFFFFFF  }
0xa7: {  	s28 =	simm.s32 $_size_execute0_lowered;
	s2 =	sadd.s32 s2, s4;
	[dreg:$0x0] =	wrdreg $0x0  }
0xa8: {  	s4 =	sshll.u32 s28, $0x1;
	[dreg:$0x2] =	wrdreg s2  }
0xa9: {  	[dreg:$0x3] =	wrdreg s4  }
0xaa: {  	[dreg:$0x4] =	wrdreg $0xC0  }
0xab: {  	_ =	task [dreg:s6], $0x5FFFF  }
0xac: {  	[dreg:$0x1] =	wrdreg $0xFFFFFFFF  }
0xad: {  	[dreg:$0x0] =	wrdreg $0x60  }
0xae: {  	[dreg:$0x2] =	wrdreg s24  }
0xaf: {  	[dreg:$0x3] =	wrdreg $0x7F000  }
0xb0: {  	[dreg:$0x4] =	wrdreg $0x9  }
0xb1: {  	_ =	task.clear_ibuf [dreg:s6], $0x5FFFF;
	_ =	strace $0x90000049  }
0xb2: {  	s29 =	simm.s32 $0x9;
	_ =	strace $0x8000004B  }
0xb3: {  	_ =	swait.ge [sflag:s29], $0x1  }
0xb4: {  	[sflag:s29] =	ssyncadd.s32 $0xFFFFFFFF  }
0xb5: {  	_ =	strace $0x9000004B  }
0xb6: {  	_ =	sfence  }
0xb7: {  	s30 =	sld [smem:$0x0];
	_ =	sdelay $0x2  }
0xb8: {  	s31 =	sshll.u32 s1, $0xD;
	s1 =	sshrl.u32 s1, $0x2  }
0xb9: {  	s3 =	sand.u32 $0x4000, s31;
	s1 =	sadd.s32 s1, s30  }
0xba: {  	s0 =	sor.u32 s3, s0;
	s1 =	sshll.u32 s1, $0x11  }
0xbb: {  	s0 =	sor.u32 s1, s0  }
0xbc: {  	s0 =	sadd.s32 $0x8F2B, s0  }
0xbd: {  	[sflag:s0] =	ssyncadd.remote.s32 $0x1  }
0xbe: {  	_ =	sfence.sel $0xFFFF  }
0xbf: {  	[dreg:$0x0] =	wrdreg $0xFFFFFFFF;
	(pc) =	sbr.abs _section_cstart, $3  }
0xc0: {  	[dreg:$0x1] =	wrdreg $0xFFFFFFFF  }
0xc1: {  	_ =	task.clear_ibuf [dreg:s6], $0x2FFFF;
	_ =	strace $0x9FFFFFFF  }
0xc2: {  	(tm) =	ssettm $0x7FFFFFFF  }
0xc3: {  	_ =	shalt  }
tec
execute0_lowered:
.L_overlay_start_1:
0x0: {  	(tag) =	ssettag $0x1  }
0x1: {  	s0 =	rddreg [dreg:$0x0]  }
0x2: {  	s2 =	rddreg [dreg:$0x1]  }
0x3: {  	s1 =	stileid.u32;
	s4 =	srdreg.scid;
	s3 =	simm.s32 $0x0  }
0x4: {  	s16 =	simm.s32 $0xD;
	s31 =	simm.s32 $0x6F00;
	s18 =	simm.s32 $0x1  }
0x5: {  	s17 =	simm.s32 $0x5;
	s28 =	simm.s32 $0xC;
	s29 =	simm.s32 $0x0  }
0x6: {  	s8 =	sand.u32 $0x1, s4;
	s19 =	sshll.u32 s1, $0x1;
	[smem:$0x7FF] =	sst s3  }
0x7: {  	s9 =	smul.u32 $0x2700, s1;
	s10 =	sadd.s32 $0x2800, s0;
	s4 =	sadd.s32 $0x16200, s0  }
0x8: {  	s13 =	sadd.s32 $0x20200, s0;
	p0 =	sgt.u32 s1, $0x1;
	s26 =	sshll.u32 s1, $0x6  }
0x9: {  	p1 =	seq.s32 s1, $0xF;
	s7 =	sor.u32 s8, s19;
	_ =	strace $0x8000004A  }
0xa: {  	s20 =	ssub.s32 $0x2, s8;
	s8 =	smul.u32 $0x27100, s8;
	s19 =	simm.s32 $0x7  }
0xb: {  	s5 =	smul.u32 $0x2700, s7;
	s6 =	sshrl.u32 s9, $0x3;
	s11 =	sshrl.u32 s20, $0x1  }
0xc: {  	s21 =	sshll.u32 s7, $0x4;
	s7 =	sadd.s32 $0x24900, s2;
	s12 =	sadd.s32 s6, s0  }
0xd: {  	s15 =	ssub.s32 s20, s11;
	s0 =	sadd.s32 $0x1FB20, s0;
	s11 =	sadd.s32 s9, s2  }
0xe: {  	s24 =	sadd.s32 s9, s8;
	s8 =	sshrl.u32 s8, $0x3;
	s9 =	simm.s32 $0x3  }
0xf: {  	s5 =	sshrl.u32 s5, $0x3;
	[dreg:$0x5] =	wrdreg s0;
	s25 =	sadd.s32 $0x1B200, s12  }
0x10: {  	s0 =	sshrl.u32 s24, $0x3;
	s8 =	sadd.s32 s13, s8;
	s15 =	smax.u32 s15, $0x1  }
0x11: {  	s30 =	sshrl.u32 s11, $0x3;
	s24 =	simm.s32 $0xB;
	s5 =	sadd.s32 s10, s5  }
0x12: {  	s10 =	sadd.s32 s21, s10;
	[dreg:$0x8] =	wrdreg s25;
	s13 =	sadd.s32 s13, s0  }
0x13: {  	s14 =	sadd.s32 $0x4920, s8;
	s0 =	sor.u32 $0x1C0D, s26;
	[dreg:$0xa] =	wrdreg s30  }
.Ltmp0:
0x14: {  	s26 =	simm.s32 $0x5F00;
	[dreg:$0x3] =	wrdreg s5;
	(pc) =	sbr.rel .LBB2_1-.Ltmp0, $4  }
0x15: {  	s8 =	simm.s32 $0x7700;
	s5 =	sadd.s32 $0x9C40, s5;
	[dreg:$0x9] =	wrdreg s0  }
0x16: {  	s25 =	simm.s32 $0x6;
	s22 =	sadd.s32 $0x9C00, s10;
	[dreg:$0x4] =	wrdreg s5  }
0x17: {  	s23 =	sadd.s32 $0x13840, s10;
	s10 =	simm.s32 $0x9;
	[dreg:$0x6] =	wrdreg s22  }
0x18: {  	[dreg:$0x7] =	wrdreg s23;
	s22 =	simm.s32 $0x80;
	s23 =	simm.s32 $0x4F00  }
.LBB2_9:
0x19: {  	_ =	swait.ge [sflag:s25], $0x800  }
0x1a: {  	[sflag:s25] =	ssyncset.done $0x0  }
0x1b: {  	[sflag:s25] =	ssyncadd.s32 $0xFFFFF800  }
0x1c: {  	[spmem:s2] =	stream.indirect.scatter.add.f32 [tilespmem:s8], [sflag:$0xC], $0x10, s12, s22, $0xb8;
	[tilespmem:$0xA610] =	vst v63  }
0x1d: {  	_ =	swait.ge [sflag:s28], $0x800  }
0x1e: {  	s0 =	simm.s32 @!p0 $0x80;
	[sflag:s28] =	ssyncset.done $0x0  }
0x1f: {  	s1 =	simm.s32 @!p0 $0x2700;
	s5 =	simm.s32 @!p0 $0x4F00;
	[sflag:s28] =	ssyncadd.s32 $0xFFFFF800  }
0x20: {  	[tilespmem:s5], [sflag:$0x1] =	stream.indirect.gather @!p0 [hbm4b:s4+s0], $0x10, s1, s0, $0xb8;
	[tilespmem:$0xA610] =	vst v63  }
0x21: {  	s1 =	simm.s32 @!p0 $0x1  }
0x22: {  	_ =	swait.ge @!p0 [sflag:s1], $0x800  }
0x23: {  	[sflag:s1] =	ssyncset.done @!p0 $0x0  }
0x24: {  	[sflag:s1] =	ssyncadd.s32 @!p0 $0xFFFFF800;
	s1 =	simm.s32 @!p0 $0x4E80  }
0x25: {  	[spmem:s2] =	stream.indirect.scatter.add.f32 @!p0 [tilespmem:s5], [sflag:$0x7], $0x10, s1, s0, $0xb8;
	[tilespmem:$0xA610] =	vst v63  }
0x26: {  	s0 =	simm.s32 @!p0 $0x7  }
0x27: {  	_ =	swait.ge @!p0 [sflag:s0], $0x800  }
0x28: {  	s6 =	stileid.u32;
	[sflag:s0] =	ssyncset.done @!p0 $0x0  }
0x29: {  	[sflag:s0] =	ssyncadd.s32 @!p0 $0xFFFFF800;
	s0 =	sshll.u32 @p2 s6, $0x6  }
0x2a: {  	s1 =	sshrl.u32 @p2 s7, $0x3;
	[bflag:$0x0] =	sbarrier.arrive $0xFFFF;
	s0 =	sor.u32 @p2 $0x1C0D, s0  }
0x2b: {  	[hbm:s14], [sflag:s0] =	dma.local @p2 [spmem:s1], $0x500  }
0x2c: {  	s0 =	simm.s32 @p2 $0xD  }
0x2d: {  	s29 =	sadd.s32 $0x1, s29;
	_ =	swait.ge @p2 [sflag:s0], $0x500  }
0x2e: {  	p3 =	sne.s32 s29, s15;
	s1 =	sshll.u32 @!p2 s6, $0x6;
	[sflag:s0] =	ssyncset.done @p2 $0x0  }
0x2f: {  	[sflag:s0] =	ssyncadd.s32 @p2 $0xFFFFFB00;
	s0 =	sor.u32 @!p2 $0x1C0D, s1;
	s1 =	sshrl.u32 @!p2 s11, $0x3  }
0x30: {  	[hbm:s13], [sflag:s0] =	dma.local @!p2 [spmem:s1], $0x4E0  }
.Ltmp1:
0x31: {  	_ = 	snop;
	(pc) =	sbr.rel @!p3 .LBB2_10-.Ltmp1, $4  }
0x32: {  	s0 =	simm.s32 @!p2 $0xD  }
0x33: {  	_ =	swait.ge @!p2 [sflag:s0], $0x4E0  }
0x34: {  	[sflag:s0] =	ssyncset.done @!p2 $0x0  }
0x35: {  	s5 =	stileid.u32;
	[sflag:s0] =	ssyncadd.s32 @!p2 $0xFFFFFB20  }
.LBB2_1:
0x36: {  	s0 =	rddreg [dreg:$0x3]  }
0x37: {  	[tilespmem:s3], [sflag:$0xD] =	stream.linear.gather [hbm4b:s0+s3], $0x2700, $0x38;
	[tilespmem:$0xA610] =	vst v63  }
0x38: {  	_ =	swait.ge [sflag:s16], $0x2700  }
0x39: {  	s1 =	simm.s32 $0x2780;
	[sflag:s16] =	ssyncset.done $0x0  }
.Ltmp2:
0x3a: {  	s30 =	rddreg [dreg:$0x4];
	[sflag:s16] =	ssyncadd.s32 $0xFFFFD900;
	(pc) =	sbr.rel @p0 .LBB2_3-.Ltmp2, $4  }
0x3b: {  	[tilespmem:s1], [sflag:$0xD] =	stream.linear.gather [hbm4b:s30+s3], $0x2700, $0x38;
	[tilespmem:$0xA610] =	vst v63  }
0x3c: {  	_ =	swait.ge [sflag:s16], $0x2700  }
0x3d: {  	[sflag:s16] =	ssyncset.done $0x0  }
0x3e: {  	[sflag:s16] =	ssyncadd.s32 $0xFFFFD900  }
0x3f: {  	s0 =	rddreg [dreg:$0x6];
	s1 =	simm.s32 $0x2700  }
0x40: {  	[tilespmem:s1], [sflag:$0xD] =	stream.linear.gather [hbm4b:s0+s3], $0x80, $0x38;
	[tilespmem:$0xA610] =	vst v63  }
0x41: {  	_ =	swait.ge [sflag:s16], $0x80  }
0x42: {  	s30 =	simm.s32 $0x4E80;
	[sflag:s16] =	ssyncset.done $0x0  }
.Ltmp3:
0x43: {  	s21 =	rddreg [dreg:$0x7];
	[sflag:s16] =	ssyncadd.s32 $0xFFFFFF80;
	(pc) =	sbr.rel .LBB2_4-.Ltmp3, $4  }
0x44: {  	[tilespmem:s30], [sflag:$0xD] =	stream.linear.gather [hbm4b:s21+s3], $0x80, $0x38;
	[tilespmem:$0xA610] =	vst v63  }
0x45: {  	_ =	swait.ge [sflag:s16], $0x80  }
0x46: {  	[sflag:s16] =	ssyncset.done $0x0  }
0x47: {  	[sflag:s16] =	ssyncadd.s32 $0xFFFFFF80  }
.LBB2_3:
.Ltmp4:
0x48: {  	(pc) =	sbr.rel @!p1 .LBB2_4-.Ltmp4, $1  }
0x49: {  	_ =	sdelay $0x3  }
0x4a: {  	s0 =	sshrl.u32 s7, $0x3  }
.Ltmp5:
0x4b: {  	s1 =	rddreg [dreg:$0x5];
	s5 =	simm.s32 $0x1FCD;
	(pc) =	sbr.rel .LBB2_6-.Ltmp5, $4  }
0x4c: {  	[spmem:s0], [sflag:s5] =	dma.local [hbm:s1], $0x500  }
0x4d: {  	_ =	swait.ge [sflag:s16], $0x500  }
0x4e: {  	[sflag:s16] =	ssyncset.done $0x0  }
0x4f: {  	p2 =	por $0x1, $0x1;
	[sflag:s16] =	ssyncadd.s32 $0xFFFFFB00  }
.LBB2_4:
0x50: {  	s0 =	rddreg [dreg:$0x8]  }
0x51: {  	s1 =	rddreg [dreg:$0x9]  }
0x52: {  	s5 =	rddreg [dreg:$0xa]  }
0x53: {  	[spmem:s5], [sflag:s1] =	dma.local [hbm:s0], $0x4E0  }
0x54: {  	_ =	swait.ge [sflag:s16], $0x4E0  }
0x55: {  	[sflag:s16] =	ssyncset.done $0x0  }
0x56: {  	p2 =	por $0x0, $0x0;
	[sflag:s16] =	ssyncadd.s32 $0xFFFFFB20  }
.LBB2_6:
0x57: {  	[bflag:$0x0] =	sbarrier.arrive $0xFFFF;
	s30 =	simm.s32 $0x0  }
0x58: {  	[tilespmem:s23], [sflag:$0x1] =	stream.indirect.gather [hbm4b:s4+s22], $0x10, s30, s22, $0xb8;
	[tilespmem:$0xA610] =	vst v63  }
0x59: {  	s0 =	simm.s32 $0x5700  }
0x5a: {  	[tilespmem:s0], [sflag:$0x2] =	stream.indirect.gather [hbm4b:s4+s22], $0x10, s22, s22, $0xb8;
	[tilespmem:$0xA610] =	vst v63  }
0x5b: {  	s6 =	simm.s32 $0x100  }
0x5c: {  	[tilespmem:s26], [sflag:$0x3] =	stream.indirect.gather [hbm4b:s4+s22], $0x10, s6, s22, $0xb8;
	[tilespmem:$0xA610] =	vst v63  }
0x5d: {  	s12 =	simm.s32 $0x180;
	s1 =	simm.s32 $0x6700  }
0x5e: {  	[tilespmem:s1], [sflag:$0x4] =	stream.indirect.gather [hbm4b:s4+s22], $0x10, s12, s22, $0xb8;
	[tilespmem:$0xA610] =	vst v63  }
0x5f: {  	s20 =	simm.s32 $0x200  }
0x60: {  	[tilespmem:s31], [sflag:$0x5] =	stream.indirect.gather [hbm4b:s4+s22], $0x10, s20, s22, $0xb8;
	[tilespmem:$0xA610] =	vst v63  }
0x61: {  	s21 =	simm.s32 $0x280  }
0x62: {  	[tilespmem:s8], [sflag:$0x6] =	stream.indirect.gather [hbm4b:s4+s22], $0x10, s21, s22, $0xb8;
	[tilespmem:$0xA610] =	vst v63  }
.LBB2_7:
0x63: {  	_ =	swait.ge [sflag:s18], $0x800  }
0x64: {  	s0 =	sshra.s32 s30, $0x2;
	[sflag:s18] =	ssyncset.done $0x0  }
0x65: {  	s12 =	sadd.s32 $0x2780, s0;
	[sflag:s18] =	ssyncadd.s32 $0xFFFFF800  }
0x66: {  	[spmem:s2] =	stream.indirect.scatter.add.f32 [tilespmem:s23], [sflag:$0x7], $0x10, s12, s22, $0xb8;
	[tilespmem:$0xA610] =	vst v63  }
0x67: {  	_ =	swait.ge [sflag:s19], $0x800  }
0x68: {  	p3 =	seq.s32 s30, $0x9000;
	[sflag:s19] =	ssyncset.done $0x0  }
0x69: {  	s12 =	simm.s32 @p3 $0x2;
	[sflag:s19] =	ssyncadd.s32 $0xFFFFF800  }
0x6a: {  	_ =	swait.ge @p3 [sflag:s12], $0x800  }
0x6b: {  	[sflag:s12] =	ssyncset.done @p3 $0x0  }
0x6c: {  	[sflag:s12] =	ssyncadd.s32 @p3 $0xFFFFF800;
	s12 =	sshra.s32 @p3 s30, $0x2  }
0x6d: {  	s21 =	simm.s32 @p3 $0x80;
	s1 =	simm.s32 @p3 $0x5700;
	s20 =	sadd.s32 @p3 $0x2800, s12  }
0x6e: {  	[spmem:s2] =	stream.indirect.scatter.add.f32 @p3 [tilespmem:s1], [sflag:$0x8], $0x10, s20, s21, $0xb8;
	[tilespmem:$0xA610] =	vst v63  }
0x6f: {  	s1 =	simm.s32 @p3 $0x8  }
0x70: {  	_ =	swait.ge @p3 [sflag:s1], $0x800  }
0x71: {  	[sflag:s1] =	ssyncset.done @p3 $0x0  }
0x72: {  	[sflag:s1] =	ssyncadd.s32 @p3 $0xFFFFF800;
	s1 =	sshra.s32 @!p3 s30, $0x2  }
0x73: {  	s6 =	simm.s32 @!p3 $0x80;
	s5 =	simm.s32 @!p3 $0x4F00;
	s20 =	sadd.s32 @!p3 $0x300, s1  }
0x74: {  	[tilespmem:s5], [sflag:$0x1] =	stream.indirect.gather @!p3 [hbm4b:s4+s6], $0x10, s20, s6, $0xb8;
	[tilespmem:$0xA610] =	vst v63  }
0x75: {  	s5 =	simm.s32 @!p3 $0x2  }
0x76: {  	_ =	swait.ge @!p3 [sflag:s5], $0x800  }
0x77: {  	[sflag:s5] =	ssyncset.done @!p3 $0x0  }
0x78: {  	s20 =	simm.s32 @!p3 $0x5700;
	[sflag:s5] =	ssyncadd.s32 @!p3 $0xFFFFF800;
	s5 =	sadd.s32 @!p3 $0x2800, s1  }
0x79: {  	[spmem:s2] =	stream.indirect.scatter.add.f32 @!p3 [tilespmem:s20], [sflag:$0x8], $0x10, s5, s6, $0xb8;
	[tilespmem:$0xA610] =	vst v63  }
0x7a: {  	s5 =	simm.s32 @!p3 $0x8  }
0x7b: {  	_ =	swait.ge @!p3 [sflag:s5], $0x800  }
0x7c: {  	[sflag:s5] =	ssyncset.done @!p3 $0x0  }
0x7d: {  	[sflag:s5] =	ssyncadd.s32 @!p3 $0xFFFFF800;
	s5 =	sadd.s32 @!p3 $0x380, s1  }
0x7e: {  	[tilespmem:s20], [sflag:$0x2] =	stream.indirect.gather @!p3 [hbm4b:s4+s6], $0x10, s5, s6, $0xb8;
	[tilespmem:$0xA610] =	vst v63  }
0x7f: {  	_ =	swait.ge [sflag:s9], $0x800  }
0x80: {  	[sflag:s9] =	ssyncset.done $0x0  }
0x81: {  	s20 =	sadd.s32 $0x2880, s0;
	[sflag:s9] =	ssyncadd.s32 $0xFFFFF800  }
0x82: {  	[spmem:s2] =	stream.indirect.scatter.add.f32 [tilespmem:s26], [sflag:$0x9], $0x10, s20, s22, $0xb8;
	[tilespmem:$0xA610] =	vst v63  }
0x83: {  	_ =	swait.ge [sflag:s10], $0x800  }
0x84: {  	[sflag:s10] =	ssyncset.done $0x0  }
0x85: {  	s5 =	simm.s32 @p3 $0x4;
	[sflag:s10] =	ssyncadd.s32 $0xFFFFF800  }
0x86: {  	_ =	swait.ge @p3 [sflag:s5], $0x800  }
0x87: {  	[sflag:s5] =	ssyncset.done @p3 $0x0  }
0x88: {  	[sflag:s5] =	ssyncadd.s32 @p3 $0xFFFFF800;
	s5 =	sadd.s32 @p3 $0x2900, s12;
	s12 =	simm.s32 @p3 $0x6700  }
0x89: {  	[spmem:s2] =	stream.indirect.scatter.add.f32 @p3 [tilespmem:s12], [sflag:$0xA], $0x10, s5, s21, $0xb8;
	[tilespmem:$0xA610] =	vst v63  }
0x8a: {  	s5 =	simm.s32 @p3 $0xA  }
0x8b: {  	_ =	swait.ge @p3 [sflag:s5], $0x800  }
0x8c: {  	[sflag:s5] =	ssyncset.done @p3 $0x0  }
0x8d: {  	s12 =	simm.s32 @!p3 $0x5F00;
	[sflag:s5] =	ssyncadd.s32 @p3 $0xFFFFF800;
	s5 =	sadd.s32 @!p3 $0x400, s1  }
0x8e: {  	[tilespmem:s12], [sflag:$0x3] =	stream.indirect.gather @!p3 [hbm4b:s4+s6], $0x10, s5, s6, $0xb8;
	[tilespmem:$0xA610] =	vst v63  }
0x8f: {  	s5 =	simm.s32 @!p3 $0x4  }
0x90: {  	_ =	swait.ge @!p3 [sflag:s5], $0x800  }
0x91: {  	[sflag:s5] =	ssyncset.done @!p3 $0x0  }
0x92: {  	s12 =	simm.s32 @!p3 $0x6700;
	[sflag:s5] =	ssyncadd.s32 @!p3 $0xFFFFF800;
	s5 =	sadd.s32 @!p3 $0x2900, s1  }
0x93: {  	[spmem:s2] =	stream.indirect.scatter.add.f32 @!p3 [tilespmem:s12], [sflag:$0xA], $0x10, s5, s6, $0xb8;
	[tilespmem:$0xA610] =	vst v63  }
0x94: {  	s5 =	simm.s32 @!p3 $0xA  }
0x95: {  	_ =	swait.ge @!p3 [sflag:s5], $0x800  }
0x96: {  	[sflag:s5] =	ssyncset.done @!p3 $0x0  }
0x97: {  	s1 =	sadd.s32 @!p3 $0x480, s1;
	[sflag:s5] =	ssyncadd.s32 @!p3 $0xFFFFF800  }
0x98: {  	[tilespmem:s12], [sflag:$0x4] =	stream.indirect.gather @!p3 [hbm4b:s4+s6], $0x10, s1, s6, $0xb8;
	[tilespmem:$0xA610] =	vst v63  }
0x99: {  	_ =	swait.ge [sflag:s17], $0x800  }
0x9a: {  	[sflag:s17] =	ssyncset.done $0x0  }
.Ltmp6:
0x9b: {  	s21 =	sadd.s32 $0x2980, s0;
	[sflag:s17] =	ssyncadd.s32 $0xFFFFF800;
	(pc) =	sbr.rel @p3 .LBB2_9-.Ltmp6, $4  }
0x9c: {  	[spmem:s2] =	stream.indirect.scatter.add.f32 [tilespmem:s31], [sflag:$0xB], $0x10, s21, s22, $0xb8;
	[tilespmem:$0xA610] =	vst v63  }
0x9d: {  	_ =	swait.ge [sflag:s24], $0x800  }
0x9e: {  	[sflag:s24] =	ssyncset.done $0x0  }
0x9f: {  	s12 =	sadd.s32 $0x2A00, s0;
	[sflag:s24] =	ssyncadd.s32 $0xFFFFF800  }
0xa0: {  	s1 =	sadd.s32 $0x500, s0  }
0xa1: {  	[tilespmem:s31], [sflag:$0x5] =	stream.indirect.gather [hbm4b:s4+s22], $0x10, s1, s22, $0xb8;
	[tilespmem:$0xA610] =	vst v63  }
0xa2: {  	_ =	swait.ge [sflag:s25], $0x800  }
0xa3: {  	[sflag:s25] =	ssyncset.done $0x0  }
0xa4: {  	[sflag:s25] =	ssyncadd.s32 $0xFFFFF800  }
0xa5: {  	[spmem:s2] =	stream.indirect.scatter.add.f32 [tilespmem:s8], [sflag:$0xC], $0x10, s12, s22, $0xb8;
	[tilespmem:$0xA610] =	vst v63  }
.Ltmp7:
0xa6: {  	_ = 	snop;
	(pc) =	sbr.rel .LBB2_7-.Ltmp7, $4  }
0xa7: {  	_ =	swait.ge [sflag:s28], $0x800  }
0xa8: {  	[sflag:s28] =	ssyncset.done $0x0  }
0xa9: {  	s21 =	sadd.s32 $0x580, s0;
	s30 =	sadd.s32 $0xC00, s30;
	[sflag:s28] =	ssyncadd.s32 $0xFFFFF800  }
0xaa: {  	[tilespmem:s8], [sflag:$0x6] =	stream.indirect.gather [hbm4b:s4+s22], $0x10, s21, s22, $0xb8;
	[tilespmem:$0xA610] =	vst v63  }
.LBB2_10:
0xab: {  	_ =	sfence.sel $0x180000  }
0xac: {  	[bflag:$0x0] =	sbarrier.arrive $0xFFFF  }
0xad: {  	_ =	strace $0x9000004A  }
0xae: {  	[bflag:$0x2] =	sbarrier.arrive $0xFFFF  }
0xaf: {  	p0 =	sne.s32 s5, $0x0;
	s0 =	rddreg [dreg:$0x2]  }
0xb0: {  	s0 =	sadd.s32 @!p0 $0x100000, s0  }
0xb1: {  	[sflag:s0] =	ssyncadd.tile.s32 @!p0 $0x1;
	_ =	shalt  }
.Lfunc_end2:
_tile_overlayer_lowered:
.L_overlay_start_2:
0xb2: {  	(tag) =	ssettag $0x2  }
0xb3: {  	s0 =	rddreg [dreg:$0x0];
	s2 =	stileid.u32  }
0xb4: {  	s1 =	rddreg [dreg:$0x1];
	p0 =	sne.s32 s2, $0x0  }
0xb5: {  	s3 =	rddreg [dreg:$0x2];
	[bflag:$0x3] =	sbarrier.arrive $0xFFFF;
	s2 =	simm.s32 @!p0 $0x1C0D  }
0xb6: {  	[timem:s3], [sflag:s2] =	dma.local @!p0 [hbm:s0], s1  }
0xb7: {  	s0 =	simm.s32 @!p0 $0xD  }
0xb8: {  	_ =	swait.ge @!p0 [sflag:s0], s1  }
0xb9: {  	s1 =	ssub.s32 @!p0 $0x0, s1;
	[sflag:s0] =	ssyncset.done @!p0 $0x0  }
0xba: {  	[sflag:s0] =	ssyncadd.s32 @!p0 s1  }
0xbb: {  	[bflag:$0x3] =	sbarrier.arrive $0xFFFF  }
0xbc: {  	_ =	shalt  }

// kernel: kernel.7.cloned.1.call-start
scs
__scs_entry_jumppad:
0x0: {  	(pc) =	sbr.rel $0x88, $3  }
0x1: {  	(tag) =	ssettag $0x0;
	lr =	simm.s32 $0x1  }
0x2: {  	[smem:$0x3F90] =	sst lr;
	_ =	strace $0xD0000000  }
0x3: {  	_ = 	snop  }
0x4: {  	_ = 	snop  }
0x5: {  	_ = 	snop  }
0x6: {  	_ = 	snop  }
0x7: {  	_ = 	snop  }
__scs_overlays_trampoline_lowered:
0x8: {  	[smem:$0x3F9F] =	sst s0  }
0x9: {  	[smem:$0x3FA0] =	sst s1  }
0xa: {  	[smem:$0x3FA1] =	sst s2  }
0xb: {  	[smem:$0x3FA2] =	sst s3  }
0xc: {  	[smem:$0x3FA3] =	sst s4  }
0xd: {  	[smem:$0x3FA4] =	sst s5  }
0xe: {  	[smem:$0x3FA5] =	sst s6  }
0xf: {  	[smem:$0x3FA6] =	sst s7  }
0x10: {  	[smem:$0x3FA7] =	sst s8  }
0x11: {  	[smem:$0x3FA8] =	sst s9;
	s0 =	simm.s32 @!p0 $0x0  }
0x12: {  	s1 =	sld [smem:$0x3F8E];
	s0 =	simm.s32 @p0 $0x1  }
0x13: {  	[smem:$0x3FA9] =	sst s0;
	s0 =	simm.s32 @!p1 $0x0  }
0x14: {  	s2 =	sld [smem:$0x3F8D];
	s0 =	simm.s32 @p1 $0x1  }
0x15: {  	[smem:$0x3FAA] =	sst s0;
	s0 =	simm.s32 @!p2 $0x0  }
0x16: {  	s3 =	sld [smem:$0x3FDB];
	s0 =	simm.s32 @p2 $0x1  }
0x17: {  	s4 =	simm.s32 $0x1BF5;
	[smem:$0x3FAC] =	sst s0  }
0x18: {  	s0 =	sld [smem:$0x3F8F];
	_ =	swait.ge [sflag:s4], $0x0  }
0x19: {  	s7 =	sld [smem:$0x3F90]  }
0x1a: {  	s8 =	sadd.s32 $0xFFFFE003, lr  }
0x1b: {  	s9 =	sadd.s32 $0xFFFFFEF7, lr;
	s5 =	simm.s32 $0xFFFFFFFF;
	p2 =	slt.u32 s8, $0xFFFFF086  }
0x1c: {  	p1 =	slt.u32 s9, $0xF7A;
	s5 =	simm.s32 @!p2 $0x0  }
0x1d: {  	s5 =	simm.s32 @p1 $0x1;
	p0 =	seq.s32 s7, s2  }
0x1e: {  	s7 =	smul.u32 @!p0 $0xF7A, s2;
	p2 =	seq.s32 @!p0 s5, $0x0  }
0x1f: {  	s9 =	smul.u32 $0xF7A, s1;
	s8 =	simm.s32 @!p0 $0x1BF5;
	p2 =	por !p2, p0  }
0x20: {  	[sflag:s8] =	ssyncset.s32 @!p0 $0xFFFFF086;
	s6 =	sadd.s32 @!p0 s3, s7;
	s7 =	simm.s32 @!p0 $0x108  }
0x21: {  	s3 =	sadd.s32 s3, s9;
	s6 =	sadd.s32 @!p0 $0x88, s6;
	s7 =	simm.s32 @p2 $0x1082  }
0x22: {  	[simem:s7], [sflag:s8] =	dma.local @!p0 [hbm:s6], $0xF7A  }
0x23: {  	s9 =	sor.u32 $0xD0000000, s2;
	s6 =	simm.s32 $0x108;
	_ =	swait.ge @!p0 [sflag:s8], $0x0  }
0x24: {  	s3 =	sadd.s32 $0x88, s3;
	s6 =	simm.s32 @!p1 $0x1082;
	[sflag:s4] =	ssyncset.s32 $0xFFFFF086  }
0x25: {  	[simem:s6], [sflag:s4] =	dma.local [hbm:s3], $0xF7A  }
0x26: {  	[smem:$0x3F90] =	sst s1;
	(tag) =	ssettag s2;
	_ =	strace s9  }
0x27: {  	s1 =	sld [smem:$0x3FA0]  }
0x28: {  	s2 =	sld [smem:$0x3FA1]  }
0x29: {  	s4 =	sld [smem:$0x3FA3]  }
0x2a: {  	p0 =	seq.s32 s5, $0x0;
	s5 =	sld [smem:$0x3FA4]  }
0x2b: {  	s6 =	sld [smem:$0x3FA5]  }
0x2c: {  	s7 =	sld [smem:$0x3FA6]  }
0x2d: {  	s3 =	simm.s32 $0x108;
	s8 =	sld [smem:$0x3FA7]  }
0x2e: {  	s3 =	simm.s32 @!p0 $0x1082;
	s9 =	sld [smem:$0x3FA8]  }
0x2f: {  	lr =	sadd.s32 s0, s3;
	s0 =	sld [smem:$0x3F9F]  }
0x30: {  	s3 =	sld [smem:$0x3FA2]  }
0x31: {  	[smem:$0x3FAB] =	sst s10  }
0x32: {  	s10 =	sld [smem:$0x3FA9];
	_ =	sdelay $0x3  }
0x33: {  	p0 =	seq.s32 s10, $0x1;
	s10 =	sld [smem:$0x3FAB];
	_ =	sdelay $0x3  }
0x34: {  	[smem:$0x3FAB] =	sst s10  }
0x35: {  	s10 =	sld [smem:$0x3FAA];
	_ =	sdelay $0x3  }
0x36: {  	p1 =	seq.s32 s10, $0x1;
	s10 =	sld [smem:$0x3FAB];
	_ =	sdelay $0x3  }
0x37: {  	[smem:$0x3FAB] =	sst s10  }
0x38: {  	s10 =	sld [smem:$0x3FAC]  }
0x39: {  	_ = 	snop;
	(pc) =	sbr.ind lr, $3  }
0x3a: {  	_ = 	snop  }
0x3b: {  	_ = 	snop  }
0x3c: {  	p2 =	seq.s32 s10, $0x1;
	s10 =	sld [smem:$0x3FAB]  }
0x3d: {  	_ =	shalt  }
0x3e: {  	_ =	shalt  }
0x3f: {  	_ =	shalt  }
0x40: {  	_ =	shalt  }
0x41: {  	_ =	shalt  }
0x42: {  	_ =	shalt  }
0x43: {  	_ =	shalt  }
0x44: {  	_ =	shalt  }
0x45: {  	_ =	shalt  }
0x46: {  	_ =	shalt  }
0x47: {  	_ =	shalt  }
0x48: {  	_ =	shalt  }
0x49: {  	_ =	shalt  }
0x4a: {  	_ =	shalt  }
0x4b: {  	_ =	shalt  }
0x4c: {  	_ =	shalt  }
0x4d: {  	_ =	shalt  }
0x4e: {  	_ =	shalt  }
0x4f: {  	_ =	shalt  }
0x50: {  	_ =	shalt  }
0x51: {  	_ =	shalt  }
0x52: {  	_ =	shalt  }
0x53: {  	_ =	shalt  }
0x54: {  	_ =	shalt  }
0x55: {  	_ =	shalt  }
0x56: {  	_ =	shalt  }
0x57: {  	_ =	shalt  }
0x58: {  	_ =	shalt  }
0x59: {  	_ =	shalt  }
0x5a: {  	_ =	shalt  }
0x5b: {  	_ =	shalt  }
0x5c: {  	_ =	shalt  }
0x5d: {  	_ =	shalt  }
0x5e: {  	_ =	shalt  }
0x5f: {  	_ =	shalt  }
0x60: {  	_ =	shalt  }
0x61: {  	_ =	shalt  }
0x62: {  	_ =	shalt  }
0x63: {  	_ =	shalt  }
0x64: {  	_ =	shalt  }
0x65: {  	_ =	shalt  }
0x66: {  	_ =	shalt  }
0x67: {  	_ =	shalt  }
0x68: {  	_ =	shalt  }
0x69: {  	_ =	shalt  }
0x6a: {  	_ =	shalt  }
0x6b: {  	_ =	shalt  }
0x6c: {  	_ =	shalt  }
0x6d: {  	_ =	shalt  }
0x6e: {  	_ =	shalt  }
0x6f: {  	_ =	shalt  }
0x70: {  	_ =	shalt  }
0x71: {  	_ =	shalt  }
0x72: {  	_ =	shalt  }
0x73: {  	_ =	shalt  }
0x74: {  	_ =	shalt  }
0x75: {  	_ =	shalt  }
0x76: {  	_ =	shalt  }
0x77: {  	_ =	shalt  }
0x78: {  	_ =	shalt  }
0x79: {  	_ =	shalt  }
0x7a: {  	_ =	shalt  }
0x7b: {  	_ =	shalt  }
0x7c: {  	_ =	shalt  }
0x7d: {  	_ =	shalt  }
0x7e: {  	_ =	shalt  }
0x7f: {  	_ =	shalt  }
0x80: {  	_ =	shalt  }
0x81: {  	_ =	shalt  }
0x82: {  	_ =	shalt  }
0x83: {  	_ =	shalt  }
0x84: {  	_ =	shalt  }
0x85: {  	_ =	shalt  }
0x86: {  	_ =	shalt  }
0x87: {  	_ =	shalt  }
.Lfunc_end0:
.L_simem_size_0:
called_computation_lowered:
.L_overlay_start_0:
0x88: {  	s2 =	sld [smem:$0x3FD9]  }
0x89: {  	s3 =	sld [smem:$0x3FFE];
	_ =	sdelay $0x1  }
0x8a: {  	s1 =	srdreg.scid  }
0x8b: {  	s0 =	sand.u32 $0x1, s1  }
0x8c: {  	s16 =	sshll.u32 s0, $0xA;
	s2 =	sadd.s32 s3, s2  }
0x8d: {  	s2 =	sadd.s32 s2, s16  }
0x8e: {  	[smem:$0x3FB7] =	sst s2  }
0x8f: {  	_ = 	snop  }
0x90: {  	(tm) =	ssettm $0x1  }
0x91: {  	s17 =	sld [smem:$0x3FFB];
	_ =	sdelay $0x3  }
0x92: {  	_ =	strace s17  }
0x93: {  	s2 =	sld [smem:$0x3FFC];
	_ =	sdelay $0x3  }
0x94: {  	_ =	strace s2  }
0x95: {  	s2 =	sld [smem:$0x3FFD];
	_ =	sdelay $0x3  }
0x96: {  	_ =	strace s2  }
0x97: {  	_ =	strace $0x8FFFFFFF  }
0x98: {  	s18 =	sld [smem:$0x3FDB];
	_ =	sdelay $0x1  }
0x99: {  	s19 =	simm.s32 $_scs_section_size  }
0x9a: {  	s4 =	simm.s32 $_size__tile_overlayer_lowered;
	s5 =	simm.s32 $_tile_overlayer_lowered  }
0x9b: {  	s22 =	simm.s32 $0x1BFF;
	s21 =	sshll.u32 s5, $0x1;
	s2 =	sadd.s32 s19, s18  }
0x9c: {  	s6 =	simm.s32 $0x0;
	s20 =	sshll.u32 s4, $0x1;
	s4 =	sadd.s32 s21, s2  }
0x9d: {  	[timem:s6], [sflag:s22] =	dma.local [hbm:s4], s20  }
0x9e: {  	_ =	swait.ge [sflag:s22], s20  }
0x9f: {  	s3 =	ssub.s32 $0x0, s20;
	[sflag:s22] =	ssyncset.done $0x0  }
0xa0: {  	[sflag:s22] =	ssyncadd.s32 s3;
	_ =	sdelay $0x1  }
0xa1: {  	s23 =	simm.s32 $0x1B8B  }
0xa2: {  	_ =	swait.ge [sflag:s23], $0x1  }
0xa3: {  	[sflag:s23] =	ssyncset.done $0x0  }
0xa4: {  	s25 =	simm.s32 $0x1B8E;
	s24 =	sld [smem:$0x3FFE];
	[sflag:s23] =	ssyncadd.s32 $0xFFFFFFFF  }
0xa5: {  	s26 =	simm.s32 $execute0_lowered;
	[smem:$0x3FD2] =	sst s25  }
0xa6: {  	s4 =	sshll.u32 s26, $0x1;
	_ =	strace $0x80000046;
	[dreg:$0x1] =	wrdreg $0xFFFFFFFF  }
0xa7: {  	s28 =	simm.s32 $_size_execute0_lowered;
	s2 =	sadd.s32 s2, s4;
	[dreg:$0x0] =	wrdreg $0x0  }
0xa8: {  	s4 =	sshll.u32 s28, $0x1;
	[dreg:$0x2] =	wrdreg s2  }
0xa9: {  	[dreg:$0x3] =	wrdreg s4  }
0xaa: {  	[dreg:$0x4] =	wrdreg $0xC0  }
0xab: {  	_ =	task [dreg:s6], $0x5FFFF  }
0xac: {  	[dreg:$0x1] =	wrdreg $0xFFFFFFFF  }
0xad: {  	[dreg:$0x0] =	wrdreg $0x60  }
0xae: {  	[dreg:$0x2] =	wrdreg s24  }
0xaf: {  	[dreg:$0x3] =	wrdreg $0x10F000  }
0xb0: {  	[dreg:$0x4] =	wrdreg $0x9  }
0xb1: {  	_ =	task.clear_ibuf [dreg:s6], $0x5FFFF;
	_ =	strace $0x90000046  }
0xb2: {  	s29 =	simm.s32 $0x9;
	_ =	strace $0x80000048  }
0xb3: {  	_ =	swait.ge [sflag:s29], $0x1  }
0xb4: {  	[sflag:s29] =	ssyncadd.s32 $0xFFFFFFFF  }
0xb5: {  	_ =	strace $0x90000048  }
0xb6: {  	_ =	sfence  }
0xb7: {  	s30 =	sld [smem:$0x0];
	_ =	sdelay $0x2  }
0xb8: {  	s31 =	sshll.u32 s1, $0xD;
	s1 =	sshrl.u32 s1, $0x2  }
0xb9: {  	s3 =	sand.u32 $0x4000, s31;
	s1 =	sadd.s32 s1, s30  }
0xba: {  	s0 =	sor.u32 s3, s0;
	s1 =	sshll.u32 s1, $0x11  }
0xbb: {  	s0 =	sor.u32 s1, s0  }
0xbc: {  	s0 =	sadd.s32 $0x8F2B, s0  }
0xbd: {  	[sflag:s0] =	ssyncadd.remote.s32 $0x1  }
0xbe: {  	_ =	sfence.sel $0xFFFF  }
0xbf: {  	[dreg:$0x0] =	wrdreg $0xFFFFFFFF;
	(pc) =	sbr.abs _section_cstart, $3  }
0xc0: {  	[dreg:$0x1] =	wrdreg $0xFFFFFFFF  }
0xc1: {  	_ =	task.clear_ibuf [dreg:s6], $0x2FFFF;
	_ =	strace $0x9FFFFFFF  }
0xc2: {  	(tm) =	ssettm $0x7FFFFFFF  }
0xc3: {  	_ =	shalt  }
tec
execute0_lowered:
.L_overlay_start_1:
0x0: {  	(tag) =	ssettag $0x1  }
0x1: {  	s0 =	rddreg [dreg:$0x0]  }
0x2: {  	s2 =	rddreg [dreg:$0x1]  }
0x3: {  	s1 =	stileid.u32;
	s4 =	srdreg.scid;
	s3 =	simm.s32 $0x0  }
0x4: {  	s16 =	simm.s32 $0xD;
	s31 =	simm.s32 $0xCF00;
	s18 =	simm.s32 $0x1  }
0x5: {  	s17 =	simm.s32 $0x5;
	s28 =	simm.s32 $0xC;
	s29 =	simm.s32 $0x0  }
0x6: {  	s8 =	sand.u32 $0x1, s4;
	s19 =	sshll.u32 s1, $0x1;
	[smem:$0x7FF] =	sst s3  }
0x7: {  	s9 =	smul.u32 $0x9C00, s1;
	s10 =	sadd.s32 $0x2800, s0;
	s4 =	sadd.s32 $0x16200, s0  }
0x8: {  	s13 =	sadd.s32 $0x3D600, s0;
	p0 =	sgt.u32 s1, $0x1;
	s26 =	sshll.u32 s1, $0x6  }
0x9: {  	p1 =	seq.s32 s1, $0xF;
	s7 =	sor.u32 s8, s19;
	_ =	strace $0x80000047  }
0xa: {  	s20 =	ssub.s32 $0x2, s8;
	s8 =	smul.u32 $0x9C400, s8;
	s19 =	simm.s32 $0x7  }
0xb: {  	s5 =	smul.u32 $0x2700, s7;
	s6 =	sshrl.u32 s9, $0x3;
	s11 =	sshrl.u32 s20, $0x1  }
0xc: {  	s21 =	sshll.u32 s7, $0x4;
	s7 =	sadd.s32 $0x92400, s2;
	s12 =	sadd.s32 s6, s0  }
0xd: {  	s15 =	ssub.s32 s20, s11;
	s0 =	sadd.s32 $0x3C080, s0;
	s11 =	sadd.s32 s9, s2  }
0xe: {  	s24 =	sadd.s32 s9, s8;
	s8 =	sshrl.u32 s8, $0x3;
	s9 =	simm.s32 $0x3  }
0xf: {  	s5 =	sshrl.u32 s5, $0x3;
	[dreg:$0x5] =	wrdreg s0;
	s25 =	sadd.s32 $0x29C00, s12  }
0x10: {  	s0 =	sshrl.u32 s24, $0x3;
	s8 =	sadd.s32 s13, s8;
	s15 =	smax.u32 s15, $0x1  }
0x11: {  	s30 =	sshrl.u32 s11, $0x3;
	s24 =	simm.s32 $0xB;
	s5 =	sadd.s32 s10, s5  }
0x12: {  	s10 =	sadd.s32 s21, s10;
	[dreg:$0x8] =	wrdreg s25;
	s13 =	sadd.s32 s13, s0  }
0x13: {  	s14 =	sadd.s32 $0x12480, s8;
	s0 =	sor.u32 $0x1C0D, s26;
	[dreg:$0xa] =	wrdreg s30  }
.Ltmp0:
0x14: {  	s26 =	simm.s32 $0x8F00;
	[dreg:$0x3] =	wrdreg s5;
	(pc) =	sbr.rel .LBB2_1-.Ltmp0, $4  }
0x15: {  	s8 =	simm.s32 $0xEF00;
	s5 =	sadd.s32 $0x9C40, s5;
	[dreg:$0x9] =	wrdreg s0  }
0x16: {  	s25 =	simm.s32 $0x6;
	s22 =	sadd.s32 $0x9C00, s10;
	[dreg:$0x4] =	wrdreg s5  }
0x17: {  	s23 =	sadd.s32 $0x13840, s10;
	s10 =	simm.s32 $0x9;
	[dreg:$0x6] =	wrdreg s22  }
0x18: {  	[dreg:$0x7] =	wrdreg s23;
	s22 =	simm.s32 $0x80;
	s23 =	simm.s32 $0x4F00  }
.LBB2_9:
0x19: {  	_ =	swait.ge [sflag:s25], $0x2000  }
0x1a: {  	[sflag:s25] =	ssyncset.done $0x0  }
0x1b: {  	[sflag:s25] =	ssyncadd.s32 $0xFFFFE000  }
0x1c: {  	[spmem:s2] =	stream.indirect.scatter.add.f32 [tilespmem:s8], [sflag:$0xC], $0x40, s12, s22, $0xb8;
	[tilespmem:$0x1AB40] =	vst v63  }
0x1d: {  	_ =	swait.ge [sflag:s28], $0x2000  }
0x1e: {  	s0 =	simm.s32 @!p0 $0x80;
	[sflag:s28] =	ssyncset.done $0x0  }
0x1f: {  	s1 =	simm.s32 @!p0 $0x2700;
	s5 =	simm.s32 @!p0 $0x4F00;
	[sflag:s28] =	ssyncadd.s32 $0xFFFFE000  }
0x20: {  	[tilespmem:s5], [sflag:$0x1] =	stream.indirect.gather @!p0 [hbm4b:s4+s0], $0x40, s1, s0, $0xb8;
	[tilespmem:$0x1AB40] =	vst v63  }
0x21: {  	s1 =	simm.s32 @!p0 $0x1  }
0x22: {  	_ =	swait.ge @!p0 [sflag:s1], $0x2000  }
0x23: {  	[sflag:s1] =	ssyncset.done @!p0 $0x0  }
0x24: {  	[sflag:s1] =	ssyncadd.s32 @!p0 $0xFFFFE000;
	s1 =	simm.s32 @!p0 $0x4E80  }
0x25: {  	[spmem:s2] =	stream.indirect.scatter.add.f32 @!p0 [tilespmem:s5], [sflag:$0x7], $0x40, s1, s0, $0xb8;
	[tilespmem:$0x1AB40] =	vst v63  }
0x26: {  	s0 =	simm.s32 @!p0 $0x7  }
0x27: {  	_ =	swait.ge @!p0 [sflag:s0], $0x2000  }
0x28: {  	s6 =	stileid.u32;
	[sflag:s0] =	ssyncset.done @!p0 $0x0  }
0x29: {  	[sflag:s0] =	ssyncadd.s32 @!p0 $0xFFFFE000;
	s0 =	sshll.u32 @p2 s6, $0x6  }
0x2a: {  	s1 =	sshrl.u32 @p2 s7, $0x3;
	[bflag:$0x0] =	sbarrier.arrive $0xFFFF;
	s0 =	sor.u32 @p2 $0x1C0D, s0  }
0x2b: {  	[hbm:s14], [sflag:s0] =	dma.local @p2 [spmem:s1], $0x1400  }
0x2c: {  	s0 =	simm.s32 @p2 $0xD  }
0x2d: {  	s29 =	sadd.s32 $0x1, s29;
	_ =	swait.ge @p2 [sflag:s0], $0x1400  }
0x2e: {  	p3 =	sne.s32 s29, s15;
	s1 =	sshll.u32 @!p2 s6, $0x6;
	[sflag:s0] =	ssyncset.done @p2 $0x0  }
0x2f: {  	[sflag:s0] =	ssyncadd.s32 @p2 $0xFFFFEC00;
	s0 =	sor.u32 @!p2 $0x1C0D, s1;
	s1 =	sshrl.u32 @!p2 s11, $0x3  }
0x30: {  	[hbm:s13], [sflag:s0] =	dma.local @!p2 [spmem:s1], $0x1380  }
.Ltmp1:
0x31: {  	_ = 	snop;
	(pc) =	sbr.rel @!p3 .LBB2_10-.Ltmp1, $4  }
0x32: {  	s0 =	simm.s32 @!p2 $0xD  }
0x33: {  	_ =	swait.ge @!p2 [sflag:s0], $0x1380  }
0x34: {  	[sflag:s0] =	ssyncset.done @!p2 $0x0  }
0x35: {  	s5 =	stileid.u32;
	[sflag:s0] =	ssyncadd.s32 @!p2 $0xFFFFEC80  }
.LBB2_1:
0x36: {  	s0 =	rddreg [dreg:$0x3]  }
0x37: {  	[tilespmem:s3], [sflag:$0xD] =	stream.linear.gather [hbm4b:s0+s3], $0x2700, $0x38;
	[tilespmem:$0x1AB40] =	vst v63  }
0x38: {  	_ =	swait.ge [sflag:s16], $0x2700  }
0x39: {  	s1 =	simm.s32 $0x2780;
	[sflag:s16] =	ssyncset.done $0x0  }
.Ltmp2:
0x3a: {  	s30 =	rddreg [dreg:$0x4];
	[sflag:s16] =	ssyncadd.s32 $0xFFFFD900;
	(pc) =	sbr.rel @p0 .LBB2_3-.Ltmp2, $4  }
0x3b: {  	[tilespmem:s1], [sflag:$0xD] =	stream.linear.gather [hbm4b:s30+s3], $0x2700, $0x38;
	[tilespmem:$0x1AB40] =	vst v63  }
0x3c: {  	_ =	swait.ge [sflag:s16], $0x2700  }
0x3d: {  	[sflag:s16] =	ssyncset.done $0x0  }
0x3e: {  	[sflag:s16] =	ssyncadd.s32 $0xFFFFD900  }
0x3f: {  	s0 =	rddreg [dreg:$0x6];
	s1 =	simm.s32 $0x2700  }
0x40: {  	[tilespmem:s1], [sflag:$0xD] =	stream.linear.gather [hbm4b:s0+s3], $0x80, $0x38;
	[tilespmem:$0x1AB40] =	vst v63  }
0x41: {  	_ =	swait.ge [sflag:s16], $0x80  }
0x42: {  	s30 =	simm.s32 $0x4E80;
	[sflag:s16] =	ssyncset.done $0x0  }
.Ltmp3:
0x43: {  	s21 =	rddreg [dreg:$0x7];
	[sflag:s16] =	ssyncadd.s32 $0xFFFFFF80;
	(pc) =	sbr.rel .LBB2_4-.Ltmp3, $4  }
0x44: {  	[tilespmem:s30], [sflag:$0xD] =	stream.linear.gather [hbm4b:s21+s3], $0x80, $0x38;
	[tilespmem:$0x1AB40] =	vst v63  }
0x45: {  	_ =	swait.ge [sflag:s16], $0x80  }
0x46: {  	[sflag:s16] =	ssyncset.done $0x0  }
0x47: {  	[sflag:s16] =	ssyncadd.s32 $0xFFFFFF80  }
.LBB2_3:
.Ltmp4:
0x48: {  	(pc) =	sbr.rel @!p1 .LBB2_4-.Ltmp4, $1  }
0x49: {  	_ =	sdelay $0x3  }
0x4a: {  	s0 =	sshrl.u32 s7, $0x3  }
.Ltmp5:
0x4b: {  	s1 =	rddreg [dreg:$0x5];
	s5 =	simm.s32 $0x1FCD;
	(pc) =	sbr.rel .LBB2_6-.Ltmp5, $4  }
0x4c: {  	[spmem:s0], [sflag:s5] =	dma.local [hbm:s1], $0x1400  }
0x4d: {  	_ =	swait.ge [sflag:s16], $0x1400  }
0x4e: {  	[sflag:s16] =	ssyncset.done $0x0  }
0x4f: {  	p2 =	por $0x1, $0x1;
	[sflag:s16] =	ssyncadd.s32 $0xFFFFEC00  }
.LBB2_4:
0x50: {  	s0 =	rddreg [dreg:$0x8]  }
0x51: {  	s1 =	rddreg [dreg:$0x9]  }
0x52: {  	s5 =	rddreg [dreg:$0xa]  }
0x53: {  	[spmem:s5], [sflag:s1] =	dma.local [hbm:s0], $0x1380  }
0x54: {  	_ =	swait.ge [sflag:s16], $0x1380  }
0x55: {  	[sflag:s16] =	ssyncset.done $0x0  }
0x56: {  	p2 =	por $0x0, $0x0;
	[sflag:s16] =	ssyncadd.s32 $0xFFFFEC80  }
.LBB2_6:
0x57: {  	[bflag:$0x0] =	sbarrier.arrive $0xFFFF;
	s30 =	simm.s32 $0x0  }
0x58: {  	[tilespmem:s23], [sflag:$0x1] =	stream.indirect.gather [hbm4b:s4+s22], $0x40, s30, s22, $0xb8;
	[tilespmem:$0x1AB40] =	vst v63  }
0x59: {  	s0 =	simm.s32 $0x6F00  }
0x5a: {  	[tilespmem:s0], [sflag:$0x2] =	stream.indirect.gather [hbm4b:s4+s22], $0x40, s22, s22, $0xb8;
	[tilespmem:$0x1AB40] =	vst v63  }
0x5b: {  	s6 =	simm.s32 $0x100  }
0x5c: {  	[tilespmem:s26], [sflag:$0x3] =	stream.indirect.gather [hbm4b:s4+s22], $0x40, s6, s22, $0xb8;
	[tilespmem:$0x1AB40] =	vst v63  }
0x5d: {  	s12 =	simm.s32 $0x180;
	s1 =	simm.s32 $0xAF00  }
0x5e: {  	[tilespmem:s1], [sflag:$0x4] =	stream.indirect.gather [hbm4b:s4+s22], $0x40, s12, s22, $0xb8;
	[tilespmem:$0x1AB40] =	vst v63  }
0x5f: {  	s20 =	simm.s32 $0x200  }
0x60: {  	[tilespmem:s31], [sflag:$0x5] =	stream.indirect.gather [hbm4b:s4+s22], $0x40, s20, s22, $0xb8;
	[tilespmem:$0x1AB40] =	vst v63  }
0x61: {  	s21 =	simm.s32 $0x280  }
0x62: {  	[tilespmem:s8], [sflag:$0x6] =	stream.indirect.gather [hbm4b:s4+s22], $0x40, s21, s22, $0xb8;
	[tilespmem:$0x1AB40] =	vst v63  }
.LBB2_7:
0x63: {  	_ =	swait.ge [sflag:s18], $0x2000  }
0x64: {  	s0 =	sshra.s32 s30, $0x2;
	[sflag:s18] =	ssyncset.done $0x0  }
0x65: {  	s12 =	sadd.s32 $0x2780, s0;
	[sflag:s18] =	ssyncadd.s32 $0xFFFFE000  }
0x66: {  	[spmem:s2] =	stream.indirect.scatter.add.f32 [tilespmem:s23], [sflag:$0x7], $0x40, s12, s22, $0xb8;
	[tilespmem:$0x1AB40] =	vst v63  }
0x67: {  	_ =	swait.ge [sflag:s19], $0x2000  }
0x68: {  	p3 =	seq.s32 s30, $0x9000;
	[sflag:s19] =	ssyncset.done $0x0  }
0x69: {  	s12 =	simm.s32 @p3 $0x2;
	[sflag:s19] =	ssyncadd.s32 $0xFFFFE000  }
0x6a: {  	_ =	swait.ge @p3 [sflag:s12], $0x2000  }
0x6b: {  	[sflag:s12] =	ssyncset.done @p3 $0x0  }
0x6c: {  	[sflag:s12] =	ssyncadd.s32 @p3 $0xFFFFE000;
	s12 =	sshra.s32 @p3 s30, $0x2  }
0x6d: {  	s21 =	simm.s32 @p3 $0x80;
	s1 =	simm.s32 @p3 $0x6F00;
	s20 =	sadd.s32 @p3 $0x2800, s12  }
0x6e: {  	[spmem:s2] =	stream.indirect.scatter.add.f32 @p3 [tilespmem:s1], [sflag:$0x8], $0x40, s20, s21, $0xb8;
	[tilespmem:$0x1AB40] =	vst v63  }
0x6f: {  	s1 =	simm.s32 @p3 $0x8  }
0x70: {  	_ =	swait.ge @p3 [sflag:s1], $0x2000  }
0x71: {  	[sflag:s1] =	ssyncset.done @p3 $0x0  }
0x72: {  	[sflag:s1] =	ssyncadd.s32 @p3 $0xFFFFE000;
	s1 =	sshra.s32 @!p3 s30, $0x2  }
0x73: {  	s6 =	simm.s32 @!p3 $0x80;
	s5 =	simm.s32 @!p3 $0x4F00;
	s20 =	sadd.s32 @!p3 $0x300, s1  }
0x74: {  	[tilespmem:s5], [sflag:$0x1] =	stream.indirect.gather @!p3 [hbm4b:s4+s6], $0x40, s20, s6, $0xb8;
	[tilespmem:$0x1AB40] =	vst v63  }
0x75: {  	s5 =	simm.s32 @!p3 $0x2  }
0x76: {  	_ =	swait.ge @!p3 [sflag:s5], $0x2000  }
0x77: {  	[sflag:s5] =	ssyncset.done @!p3 $0x0  }
0x78: {  	s20 =	simm.s32 @!p3 $0x6F00;
	[sflag:s5] =	ssyncadd.s32 @!p3 $0xFFFFE000;
	s5 =	sadd.s32 @!p3 $0x2800, s1  }
0x79: {  	[spmem:s2] =	stream.indirect.scatter.add.f32 @!p3 [tilespmem:s20], [sflag:$0x8], $0x40, s5, s6, $0xb8;
	[tilespmem:$0x1AB40] =	vst v63  }
0x7a: {  	s5 =	simm.s32 @!p3 $0x8  }
0x7b: {  	_ =	swait.ge @!p3 [sflag:s5], $0x2000  }
0x7c: {  	[sflag:s5] =	ssyncset.done @!p3 $0x0  }
0x7d: {  	[sflag:s5] =	ssyncadd.s32 @!p3 $0xFFFFE000;
	s5 =	sadd.s32 @!p3 $0x380, s1  }
0x7e: {  	[tilespmem:s20], [sflag:$0x2] =	stream.indirect.gather @!p3 [hbm4b:s4+s6], $0x40, s5, s6, $0xb8;
	[tilespmem:$0x1AB40] =	vst v63  }
0x7f: {  	_ =	swait.ge [sflag:s9], $0x2000  }
0x80: {  	[sflag:s9] =	ssyncset.done $0x0  }
0x81: {  	s20 =	sadd.s32 $0x2880, s0;
	[sflag:s9] =	ssyncadd.s32 $0xFFFFE000  }
0x82: {  	[spmem:s2] =	stream.indirect.scatter.add.f32 [tilespmem:s26], [sflag:$0x9], $0x40, s20, s22, $0xb8;
	[tilespmem:$0x1AB40] =	vst v63  }
0x83: {  	_ =	swait.ge [sflag:s10], $0x2000  }
0x84: {  	[sflag:s10] =	ssyncset.done $0x0  }
0x85: {  	s5 =	simm.s32 @p3 $0x4;
	[sflag:s10] =	ssyncadd.s32 $0xFFFFE000  }
0x86: {  	_ =	swait.ge @p3 [sflag:s5], $0x2000  }
0x87: {  	[sflag:s5] =	ssyncset.done @p3 $0x0  }
0x88: {  	[sflag:s5] =	ssyncadd.s32 @p3 $0xFFFFE000;
	s5 =	sadd.s32 @p3 $0x2900, s12;
	s12 =	simm.s32 @p3 $0xAF00  }
0x89: {  	[spmem:s2] =	stream.indirect.scatter.add.f32 @p3 [tilespmem:s12], [sflag:$0xA], $0x40, s5, s21, $0xb8;
	[tilespmem:$0x1AB40] =	vst v63  }
0x8a: {  	s5 =	simm.s32 @p3 $0xA  }
0x8b: {  	_ =	swait.ge @p3 [sflag:s5], $0x2000  }
0x8c: {  	[sflag:s5] =	ssyncset.done @p3 $0x0  }
0x8d: {  	s12 =	simm.s32 @!p3 $0x8F00;
	[sflag:s5] =	ssyncadd.s32 @p3 $0xFFFFE000;
	s5 =	sadd.s32 @!p3 $0x400, s1  }
0x8e: {  	[tilespmem:s12], [sflag:$0x3] =	stream.indirect.gather @!p3 [hbm4b:s4+s6], $0x40, s5, s6, $0xb8;
	[tilespmem:$0x1AB40] =	vst v63  }
0x8f: {  	s5 =	simm.s32 @!p3 $0x4  }
0x90: {  	_ =	swait.ge @!p3 [sflag:s5], $0x2000  }
0x91: {  	[sflag:s5] =	ssyncset.done @!p3 $0x0  }
0x92: {  	s12 =	simm.s32 @!p3 $0xAF00;
	[sflag:s5] =	ssyncadd.s32 @!p3 $0xFFFFE000;
	s5 =	sadd.s32 @!p3 $0x2900, s1  }
0x93: {  	[spmem:s2] =	stream.indirect.scatter.add.f32 @!p3 [tilespmem:s12], [sflag:$0xA], $0x40, s5, s6, $0xb8;
	[tilespmem:$0x1AB40] =	vst v63  }
0x94: {  	s5 =	simm.s32 @!p3 $0xA  }
0x95: {  	_ =	swait.ge @!p3 [sflag:s5], $0x2000  }
0x96: {  	[sflag:s5] =	ssyncset.done @!p3 $0x0  }
0x97: {  	s1 =	sadd.s32 @!p3 $0x480, s1;
	[sflag:s5] =	ssyncadd.s32 @!p3 $0xFFFFE000  }
0x98: {  	[tilespmem:s12], [sflag:$0x4] =	stream.indirect.gather @!p3 [hbm4b:s4+s6], $0x40, s1, s6, $0xb8;
	[tilespmem:$0x1AB40] =	vst v63  }
0x99: {  	_ =	swait.ge [sflag:s17], $0x2000  }
0x9a: {  	[sflag:s17] =	ssyncset.done $0x0  }
.Ltmp6:
0x9b: {  	s21 =	sadd.s32 $0x2980, s0;
	[sflag:s17] =	ssyncadd.s32 $0xFFFFE000;
	(pc) =	sbr.rel @p3 .LBB2_9-.Ltmp6, $4  }
0x9c: {  	[spmem:s2] =	stream.indirect.scatter.add.f32 [tilespmem:s31], [sflag:$0xB], $0x40, s21, s22, $0xb8;
	[tilespmem:$0x1AB40] =	vst v63  }
0x9d: {  	_ =	swait.ge [sflag:s24], $0x2000  }
0x9e: {  	[sflag:s24] =	ssyncset.done $0x0  }
0x9f: {  	s12 =	sadd.s32 $0x2A00, s0;
	[sflag:s24] =	ssyncadd.s32 $0xFFFFE000  }
0xa0: {  	s1 =	sadd.s32 $0x500, s0  }
0xa1: {  	[tilespmem:s31], [sflag:$0x5] =	stream.indirect.gather [hbm4b:s4+s22], $0x40, s1, s22, $0xb8;
	[tilespmem:$0x1AB40] =	vst v63  }
0xa2: {  	_ =	swait.ge [sflag:s25], $0x2000  }
0xa3: {  	[sflag:s25] =	ssyncset.done $0x0  }
0xa4: {  	[sflag:s25] =	ssyncadd.s32 $0xFFFFE000  }
0xa5: {  	[spmem:s2] =	stream.indirect.scatter.add.f32 [tilespmem:s8], [sflag:$0xC], $0x40, s12, s22, $0xb8;
	[tilespmem:$0x1AB40] =	vst v63  }
.Ltmp7:
0xa6: {  	_ = 	snop;
	(pc) =	sbr.rel .LBB2_7-.Ltmp7, $4  }
0xa7: {  	_ =	swait.ge [sflag:s28], $0x2000  }
0xa8: {  	[sflag:s28] =	ssyncset.done $0x0  }
0xa9: {  	s21 =	sadd.s32 $0x580, s0;
	s30 =	sadd.s32 $0xC00, s30;
	[sflag:s28] =	ssyncadd.s32 $0xFFFFE000  }
0xaa: {  	[tilespmem:s8], [sflag:$0x6] =	stream.indirect.gather [hbm4b:s4+s22], $0x40, s21, s22, $0xb8;
	[tilespmem:$0x1AB40] =	vst v63  }
.LBB2_10:
0xab: {  	_ =	sfence.sel $0x180000  }
0xac: {  	[bflag:$0x0] =	sbarrier.arrive $0xFFFF  }
0xad: {  	_ =	strace $0x90000047  }
0xae: {  	[bflag:$0x2] =	sbarrier.arrive $0xFFFF  }
0xaf: {  	p0 =	sne.s32 s5, $0x0;
	s0 =	rddreg [dreg:$0x2]  }
0xb0: {  	s0 =	sadd.s32 @!p0 $0x100000, s0  }
0xb1: {  	[sflag:s0] =	ssyncadd.tile.s32 @!p0 $0x1;
	_ =	shalt  }
.Lfunc_end2:
_tile_overlayer_lowered:
.L_overlay_start_2:
0xb2: {  	(tag) =	ssettag $0x2  }
0xb3: {  	s0 =	rddreg [dreg:$0x0];
	s2 =	stileid.u32  }
0xb4: {  	s1 =	rddreg [dreg:$0x1];
	p0 =	sne.s32 s2, $0x0  }
0xb5: {  	s3 =	rddreg [dreg:$0x2];
	[bflag:$0x3] =	sbarrier.arrive $0xFFFF;
	s2 =	simm.s32 @!p0 $0x1C0D  }
0xb6: {  	[timem:s3], [sflag:s2] =	dma.local @!p0 [hbm:s0], s1  }
0xb7: {  	s0 =	simm.s32 @!p0 $0xD  }
0xb8: {  	_ =	swait.ge @!p0 [sflag:s0], s1  }
0xb9: {  	s1 =	ssub.s32 @!p0 $0x0, s1;
	[sflag:s0] =	ssyncset.done @!p0 $0x0  }
0xba: {  	[sflag:s0] =	ssyncadd.s32 @!p0 s1  }
0xbb: {  	[bflag:$0x3] =	sbarrier.arrive $0xFFFF  }
0xbc: {  	_ =	shalt  }

</sc_bundles>
